<compile_context>
chip_gen: v7x
topology: tpu7x:2x2x1
jax: 0.10.2.dev20260603
libtpu: 0.0.44.dev20260713+nightly
codegen_flags: <defaults>
</compile_context>

<pallas_src>
import functools

import jax
import jax.numpy as jnp
from jax.experimental import pallas as pl



def _fps(xT, npoint):
    xyz = jnp.transpose(xT, (0, 2, 1))
    n = xyz.shape[1]

    def single(x):
        def body(i, state):
            centroids, distance, farthest = state
            centroids = centroids.at[i].set(farthest)
            centroid = x[farthest]
            d = jnp.sum((x - centroid) ** 2, -1)
            distance = jnp.minimum(distance, d)
            farthest = jnp.argmax(distance).astype(jnp.int32)
            return (centroids, distance, farthest)
        init = (jnp.zeros((npoint,), dtype=jnp.int32),
                jnp.full((n,), 1e10, dtype=jnp.float32), jnp.int32(0))
        return jax.lax.fori_loop(0, npoint, body, init)[0]

    idx = jax.vmap(single)(xyz)
    return jax.vmap(lambda p, i: p[i])(xyz, idx)



def _sqdist_xla(src, dst):
    d = -2.0 * jnp.matmul(src, jnp.swapaxes(dst, 1, 2))
    d = d + jnp.sum(src ** 2, -1)[:, :, None]
    d = d + jnp.sum(dst ** 2, -1)[:, None, :]
    return d


def _group(new_xyz, xyz, xf, radius, k, sblk):
    b, s, _ = new_xyz.shape
    n = xyz.shape[1]
    c = xf.shape[2]
    nfeat = c > 3
    sqrdists = _sqdist_xla(new_xyz, xyz)
    idx = jnp.broadcast_to(jnp.arange(n, dtype=jnp.int32), (b, s, n))
    idx = jnp.where(sqrdists > radius * radius, n, idx)
    idx = jnp.sort(idx, axis=-1)[:, :, :k]
    first = idx[:, :, 0:1]
    idx = jnp.where(idx == n, jnp.broadcast_to(first, idx.shape), idx)
    g = jax.vmap(lambda p, i: p[i])(xf, idx)
    gx = g[..., :3] - new_xyz[:, :, None, :]
    return jnp.concatenate([gx, g[..., 3:]], axis=-1) if nfeat else gx



def _layer_body(x_ref, a_ref, c_ref, wt_ref, b_ref, y_ref, s1_ref, s2_ref,
                *, norm_in):
    x = x_ref[...]
    if norm_in:
        x = jnp.maximum(x * a_ref[...] + c_ref[...], 0.0)
    y = jnp.dot(x, wt_ref[...], preferred_element_type=jnp.float32)
    y = y + b_ref[...]
    y_ref[...] = y
    ps = jnp.sum(y, axis=0, keepdims=True)
    pq = jnp.sum(y * y, axis=0, keepdims=True)

    @pl.when(pl.program_id(0) == 0)
    def _():
        s1_ref[...] = ps
        s2_ref[...] = pq

    @pl.when(pl.program_id(0) != 0)
    def _():
        s1_ref[...] += ps
        s2_ref[...] += pq


def _layer(x, ac, wt, bias):
    p, cin = x.shape
    cout = wt.shape[1]
    blk = min(p, 8192 if cin <= 128 else 2048)
    grid = (p // blk,)
    norm_in = ac is not None
    if ac is None:
        ac = (jnp.ones((1, cin), jnp.float32), jnp.zeros((1, cin), jnp.float32))
    fullspec = pl.BlockSpec((1, cin), lambda i: (0, 0))
    return pl.pallas_call(
        functools.partial(_layer_body, norm_in=norm_in),
        grid=grid,
        in_specs=[
            pl.BlockSpec((blk, cin), lambda i: (i, 0)),
            fullspec, fullspec,
            pl.BlockSpec((cin, cout), lambda i: (0, 0)),
            pl.BlockSpec((1, cout), lambda i: (0, 0)),
        ],
        out_specs=[
            pl.BlockSpec((blk, cout), lambda i: (i, 0)),
            pl.BlockSpec((1, cout), lambda i: (0, 0)),
            pl.BlockSpec((1, cout), lambda i: (0, 0)),
        ],
        out_shape=[
            jax.ShapeDtypeStruct((p, cout), jnp.float32),
            jax.ShapeDtypeStruct((1, cout), jnp.float32),
            jax.ShapeDtypeStruct((1, cout), jnp.float32),
        ],
    )(x, ac[0], ac[1], wt, bias)


def _ac_from_stats(s1, s2, p, g, bt):
    m = s1[0] / p
    v = s2[0] / p - m * m
    inv = g / jnp.sqrt(v + 1e-5)
    return inv.reshape(1, -1), (bt - m * inv).reshape(1, -1)


def _mlp_chain(x, ps):
    ac = None
    y = x
    for (w, b, g, bt) in ps:
        y, s1, s2 = _layer(y, ac, w.T, b.reshape(1, -1))
        ac = _ac_from_stats(s1, s2, float(y.shape[0]), g, bt)
    return y, ac



def _norm_max_body(y_ref, a_ref, c_ref, o_ref):
    z = jnp.maximum(y_ref[...] * a_ref[...] + c_ref[...], 0.0)
    o_ref[...] = jnp.max(z, axis=1)


def _norm_relu_max(y3, ac):
    p, k, c = y3.shape
    blk = min(p, 512)
    return pl.pallas_call(
        _norm_max_body,
        grid=(p // blk,),
        in_specs=[
            pl.BlockSpec((blk, k, c), lambda i: (i, 0, 0)),
            pl.BlockSpec((1, 1, c), lambda i: (0, 0, 0)),
            pl.BlockSpec((1, 1, c), lambda i: (0, 0, 0)),
        ],
        out_specs=pl.BlockSpec((blk, c), lambda i: (i, 0)),
        out_shape=jax.ShapeDtypeStruct((p, c), jnp.float32),
    )(y3, ac[0].reshape(1, 1, c), ac[1].reshape(1, 1, c))


def _norm_body(y_ref, a_ref, c_ref, o_ref):
    o_ref[...] = jnp.maximum(y_ref[...] * a_ref[...] + c_ref[...], 0.0)


def _norm_relu(y, ac):
    p, c = y.shape
    blk = min(p, 4096)
    return pl.pallas_call(
        _norm_body,
        grid=(p // blk,),
        in_specs=[
            pl.BlockSpec((blk, c), lambda i: (i, 0)),
            pl.BlockSpec((1, c), lambda i: (0, 0)),
            pl.BlockSpec((1, c), lambda i: (0, 0)),
        ],
        out_specs=pl.BlockSpec((blk, c), lambda i: (i, 0)),
        out_shape=jax.ShapeDtypeStruct((p, c), jnp.float32),
    )(y, ac[0], ac[1])



def _wgather_body(idx_ref, w_ref, p2_ref, o_ref):
    idx = idx_ref[0]
    w = w_ref[0]
    p2 = p2_ref[0]
    n2 = p2.shape[0]
    lane = jax.lax.broadcasted_iota(jnp.int32, (idx.shape[0], n2), 1)
    wacc = jnp.zeros((idx.shape[0], n2), jnp.float32)
    for j in range(3):
        wacc = wacc + w[:, j:j + 1] * (lane == idx[:, j:j + 1]).astype(jnp.float32)
    o_ref[0] = jnp.dot(wacc, p2, precision=jax.lax.Precision.HIGHEST,
                       preferred_element_type=jnp.float32)


def _interp(xyz1, xyz2, p2, blk):
    dists = _sqdist_xla(xyz1, xyz2)
    neg, idx = jax.lax.top_k(-dists, 3)
    d3 = jnp.maximum(-neg, 1e-10)
    weight = 1.0 / d3
    weight = weight / jnp.sum(weight, axis=-1, keepdims=True)
    b, n1, _ = xyz1.shape
    n2 = p2.shape[1]
    c2 = p2.shape[2]
    return pl.pallas_call(
        _wgather_body,
        grid=(b, n1 // blk),
        in_specs=[
            pl.BlockSpec((1, blk, 3), lambda i, j: (i, j, 0)),
            pl.BlockSpec((1, blk, 3), lambda i, j: (i, j, 0)),
            pl.BlockSpec((1, n2, c2), lambda i, j: (i, 0, 0)),
        ],
        out_specs=pl.BlockSpec((1, blk, c2), lambda i, j: (i, j, 0)),
        out_shape=jax.ShapeDtypeStruct((b, n1, c2), jnp.float32),
    )(idx, weight, p2)



def _head_body(y_ref, a_ref, c_ref, wt_ref, b_ref, o_ref):
    z = jnp.maximum(y_ref[...] * a_ref[...] + c_ref[...], 0.0)
    lg = jnp.dot(z, wt_ref[...], preferred_element_type=jnp.float32)
    lg = lg + b_ref[...]
    mx = jnp.max(lg, axis=-1, keepdims=True)
    sh = lg - mx
    lse = jnp.log(jnp.sum(jnp.exp(sh), axis=-1, keepdims=True))
    o_ref[...] = sh - lse


def _head_out(y, ac, w2, b2):
    p, c = y.shape
    nc = w2.shape[0]
    blk = min(p, 2048)
    return pl.pallas_call(
        _head_body,
        grid=(p // blk,),
        in_specs=[
            pl.BlockSpec((blk, c), lambda i: (i, 0)),
            pl.BlockSpec((1, c), lambda i: (0, 0)),
            pl.BlockSpec((1, c), lambda i: (0, 0)),
            pl.BlockSpec((c, nc), lambda i: (0, 0)),
            pl.BlockSpec((1, nc), lambda i: (0, 0)),
        ],
        out_specs=pl.BlockSpec((blk, nc), lambda i: (i, 0)),
        out_shape=jax.ShapeDtypeStruct((p, nc), jnp.float32),
    )(y, ac[0], ac[1], w2.T, b2.reshape(1, -1))



def _set_abstraction(xyz, points, npoint, radius, k, ps, sblk):
    b, n, _ = xyz.shape
    xT = jnp.transpose(xyz, (0, 2, 1))
    new_xyz = _fps(xT, npoint)
    xf = xyz if points is None else jnp.concatenate([xyz, points], axis=-1)
    grouped = _group(new_xyz, xyz, xf, radius, k, sblk)
    c = grouped.shape[-1]
    y, ac = _mlp_chain(grouped.reshape(b * npoint * k, c), ps)
    cout = y.shape[-1]
    out = _norm_relu_max(y.reshape(b * npoint, k, cout), ac)
    return new_xyz, out.reshape(b, npoint, cout)


def _feature_prop(xyz1, xyz2, p1, p2, ps, blk):
    b, n1, _ = xyz1.shape
    interp = _interp(xyz1, xyz2, p2, blk)
    x = interp if p1 is None else jnp.concatenate([p1, interp], axis=-1)
    c = x.shape[-1]
    y, ac = _mlp_chain(x.reshape(b * n1, c), ps)
    cout = y.shape[-1]
    return _norm_relu(y, ac).reshape(b, n1, cout)


def kernel(xyz, params):
    b = xyz.shape[0]
    n = xyz.shape[2]
    l0_xyz = jnp.transpose(xyz, (0, 2, 1))
    l1_xyz, l1_p = _set_abstraction(l0_xyz, None, 1024, 0.1, 32,
                                    params['sa1'], sblk=256)
    l2_xyz, l2_p = _set_abstraction(l1_xyz, l1_p, 256, 0.2, 32,
                                    params['sa2'], sblk=256)
    l3_xyz, l3_p = _set_abstraction(l2_xyz, l2_p, 64, 0.4, 32,
                                    params['sa3'], sblk=64)
    l4_xyz, l4_p = _set_abstraction(l3_xyz, l3_p, 16, 0.8, 32,
                                    params['sa4'], sblk=16)
    l3_p = _feature_prop(l3_xyz, l4_xyz, l3_p, l4_p, params['fp4'], blk=64)
    l2_p = _feature_prop(l2_xyz, l3_xyz, l2_p, l3_p, params['fp3'], blk=256)
    l1_p = _feature_prop(l1_xyz, l2_xyz, l1_p, l2_p, params['fp2'], blk=512)
    l0_p = _feature_prop(l0_xyz, l1_xyz, None, l1_p, params['fp1'], blk=512)
    y, ac = _mlp_chain(l0_p.reshape(b * n, -1), params['head'])
    w2, b2 = params['conv2']
    out = _head_out(y, ac, w2, b2)
    return out.reshape(b, n, -1)

# --- scband reference (transcript-rebuilt; emitter-appended) ---
"""Pipeline reference for scband-point-net2-sem-seg-33071248179388 (READ-ONLY COPY).

The authoritative reference and input builder live on the scoring server;
editing this copy changes nothing except your own understanding.
"""

import jax, jax.numpy as jnp
import numpy as np

NUM_CLASSES = 13
B, N = 8, 4096

def square_distance(src, dst):
    dist = -2.0 * jnp.matmul(src, jnp.swapaxes(dst, 1, 2))
    dist = dist + jnp.sum(src ** 2, -1)[:, :, None]
    dist = dist + jnp.sum(dst ** 2, -1)[:, None, :]
    return dist

def index_points(points, idx):
    return jax.vmap(lambda p, i: p[i])(points, idx)

def farthest_point_sample(xyz, npoint):
    n = xyz.shape[1]
    def single(x):
        def body(i, state):
            centroids, distance, farthest = state
            centroids = centroids.at[i].set(farthest)
            centroid = x[farthest]
            d = jnp.sum((x - centroid) ** 2, -1)
            distance = jnp.minimum(distance, d)
            farthest = jnp.argmax(distance).astype(jnp.int32)
            return (centroids, distance, farthest)
        init = (jnp.zeros((npoint,), dtype=jnp.int32), jnp.full((n,), 1e10, dtype=jnp.float32), jnp.int32(0))
        return jax.lax.fori_loop(0, npoint, body, init)[0]
    return jax.vmap(single)(xyz)

def ball_query(radius, nsample, xyz, new_xyz):
    b, n, _ = xyz.shape
    s = new_xyz.shape[1]
    sqrdists = square_distance(new_xyz, xyz)
    idx = jnp.broadcast_to(jnp.arange(n, dtype=jnp.int32), (b, s, n))
    idx = jnp.where(sqrdists > radius * radius, n, idx)
    idx = jnp.sort(idx, axis=-1)[:, :, :nsample]
    first = idx[:, :, 0:1]
    idx = jnp.where(idx == n, jnp.broadcast_to(first, idx.shape), idx)
    return idx

def mlp_bn_relu(x, params, axes):
    for (W, bb, g, bt) in params:
        x = jnp.einsum('...c,oc->...o', x, W) + bb
        m = jnp.mean(x, axis=axes, keepdims=True)
        v = jnp.var(x, axis=axes, keepdims=True)
        x = (x - m) / jnp.sqrt(v + 1e-5)
        x = x * g + bt
        x = jax.nn.relu(x)
    return x

def set_abstraction(xyz, points, npoint, radius, nsample, params):
    xyz_sg = jax.lax.stop_gradient(xyz)
    fps_idx = farthest_point_sample(xyz_sg, npoint)
    new_xyz = index_points(xyz, fps_idx)
    idx = ball_query(radius, nsample, xyz_sg, jax.lax.stop_gradient(new_xyz))
    grouped_xyz = index_points(xyz, idx) - new_xyz[:, :, None, :]
    if points is not None:
        grouped_points = index_points(points, idx)
        new_points = jnp.concatenate([grouped_xyz, grouped_points], axis=-1)
    else:
        new_points = grouped_xyz
    new_points = mlp_bn_relu(new_points, params, axes=(0, 1, 2))
    new_points = jnp.max(new_points, axis=2)
    return new_xyz, new_points

def feature_propagation(xyz1, xyz2, points1, points2, params):
    dists = square_distance(xyz1, xyz2)
    neg, idx = jax.lax.top_k(-dists, 3)
    d3 = jnp.maximum(-neg, 1e-10)
    weight = 1.0 / d3
    weight = weight / jnp.sum(weight, axis=-1, keepdims=True)
    interp = jnp.sum(index_points(points2, idx) * weight[..., None], axis=2)
    if points1 is not None:
        new_points = jnp.concatenate([points1, interp], axis=-1)
    else:
        new_points = interp
    return mlp_bn_relu(new_points, params, axes=(0, 1))

def _make_mlp(key, in_c, outs):
    ps = []
    c = in_c
    for o in outs:
        key, k1 = jax.random.split(key)
        W = jax.random.normal(k1, (o, c), dtype=jnp.float32) * 0.05
        ps.append((W, jnp.zeros((o,), jnp.float32), jnp.ones((o,), jnp.float32), jnp.zeros((o,), jnp.float32)))
        c = o
    return ps, key

def setup_inputs(seed: int = 0):
    key = jax.random.key(seed)
    key, kx = jax.random.split(key)
    xyz = jax.random.uniform(kx, (B, 3, N), dtype=jnp.float32)
    params = {}
    params['sa1'], key = _make_mlp(key, 3, [32, 32, 64])
    params['sa2'], key = _make_mlp(key, 67, [64, 64, 128])
    params['sa3'], key = _make_mlp(key, 131, [128, 128, 256])
    params['sa4'], key = _make_mlp(key, 259, [256, 256, 512])
    params['fp4'], key = _make_mlp(key, 768, [256, 256])
    params['fp3'], key = _make_mlp(key, 384, [256, 256])
    params['fp2'], key = _make_mlp(key, 320, [256, 128])
    params['fp1'], key = _make_mlp(key, 128, [128, 128, 128])
    params['head'], key = _make_mlp(key, 128, [128])
    key, k2 = jax.random.split(key)
    W2 = jax.random.normal(k2, (NUM_CLASSES, 128), dtype=jnp.float32) * 0.05
    params['conv2'] = (W2, jnp.zeros((NUM_CLASSES,), jnp.float32))
    return {'xyz': xyz, 'params': params}

def _forward(xyz, params):
    l0_xyz = jnp.transpose(xyz, (0, 2, 1))
    l1_xyz, l1_points = set_abstraction(l0_xyz, None, 1024, 0.1, 32, params['sa1'])
    l2_xyz, l2_points = set_abstraction(l1_xyz, l1_points, 256, 0.2, 32, params['sa2'])
    l3_xyz, l3_points = set_abstraction(l2_xyz, l2_points, 64, 0.4, 32, params['sa3'])
    l4_xyz, l4_points = set_abstraction(l3_xyz, l3_points, 16, 0.8, 32, params['sa4'])
    l3_points = feature_propagation(l3_xyz, l4_xyz, l3_points, l4_points, params['fp4'])
    l2_points = feature_propagation(l2_xyz, l3_xyz, l2_points, l3_points, params['fp3'])
    l1_points = feature_propagation(l1_xyz, l2_xyz, l1_points, l2_points, params['fp2'])
    l0_points = feature_propagation(l0_xyz, l1_xyz, None, l1_points, params['fp1'])
    x = mlp_bn_relu(l0_points, params['head'], axes=(0, 1))
    W2, b2 = params['conv2']
    x = jnp.einsum('bnc,oc->bno', x, W2) + b2
    return jax.nn.log_softmax(x, axis=-1)

def reference(xyz, params):
    return _forward(xyz, params)

if __name__ == "__main__":
    import jax
    _d = setup_inputs()
    print(jax.jit(kernel)(*tuple(_d.values())))

</pallas_src>

<mosaic_0001>
module attributes {stable_mosaic.version = 14 : i64} {
  func.func @_layer_body(%arg0: i32, %arg1: memref<8192x3xf32, #tpu.memory_space<vmem>>, %arg2: memref<1x3xf32, #tpu.memory_space<vmem>>, %arg3: memref<1x3xf32, #tpu.memory_space<vmem>>, %arg4: memref<3x32xf32, #tpu.memory_space<vmem>>, %arg5: memref<1x32xf32, #tpu.memory_space<vmem>>, %arg6: memref<8192x32xf32, #tpu.memory_space<vmem>>, %arg7: memref<1x32xf32, #tpu.memory_space<vmem>>, %arg8: memref<1x32xf32, #tpu.memory_space<vmem>>) attributes {dimension_semantics = [#tpu.dimension_semantics<arbitrary>], iteration_bounds = array<i64: 32>, scalar_prefetch = 0 : i64, scratch_operands = 0 : i64, tpu.core_type = #tpu.core_type<tc>, window_params = [{transform_indices = @transform_0, window_bounds = array<i64: 8192, 3>}, {pipeline_mode = #tpu.pipeline_mode<synchronous>, transform_indices = @transform_1, window_bounds = array<i64: 1, 3>}, {pipeline_mode = #tpu.pipeline_mode<synchronous>, transform_indices = @transform_2, window_bounds = array<i64: 1, 3>}, {pipeline_mode = #tpu.pipeline_mode<synchronous>, transform_indices = @transform_3, window_bounds = array<i64: 3, 32>}, {pipeline_mode = #tpu.pipeline_mode<synchronous>, transform_indices = @transform_4, window_bounds = array<i64: 1, 32>}, {transform_indices = @transform_5, window_bounds = array<i64: 8192, 32>}, {pipeline_mode = #tpu.pipeline_mode<synchronous>, transform_indices = @transform_6, window_bounds = array<i64: 1, 32>}, {pipeline_mode = #tpu.pipeline_mode<synchronous>, transform_indices = @transform_7, window_bounds = array<i64: 1, 32>}]} {
    %get3A = arith.constant 0 : index
    %get3A_0 = arith.constant 0 : index
    %get3A_1 = vector.load %arg1[%get3A, %get3A_0] : memref<8192x3xf32, #tpu.memory_space<vmem>>, vector<8192x3xf32>
    %get3A_2 = arith.constant 0 : index
    %get3A_3 = arith.constant 0 : index
    %get3A_4 = vector.load %arg4[%get3A_2, %get3A_3] : memref<3x32xf32, #tpu.memory_space<vmem>>, vector<3x32xf32>
    %dot_general3A = arith.constant dense<0.000000e+00> : vector<8192x32xf32>
    %dot_general3A_5 = tpu.matmul %get3A_1, %get3A_4, %dot_general3A {dimension_numbers = #tpu.dot_dimension_numbers<[1], [0], [0], [1], [0, 0, 1, 1], [], []>, transpose_lhs_hint = false} : vector<8192x3xf32>, vector<3x32xf32>, vector<8192x32xf32> -> vector<8192x32xf32>
    %get3A_6 = arith.constant 0 : index
    %get3A_7 = arith.constant 0 : index
    %get3A_8 = vector.load %arg5[%get3A_6, %get3A_7] : memref<1x32xf32, #tpu.memory_space<vmem>>, vector<1x32xf32>
    %add3A = vector.broadcast %get3A_8 : vector<1x32xf32> to vector<8192x32xf32>
    %add3A_9 = arith.addf %dot_general3A_5, %add3A : vector<8192x32xf32>
    %swap3A = arith.constant 0 : index
    %swap3A_10 = arith.constant 0 : index
    %swap3A_11 = vector.load %arg6[%swap3A, %swap3A_10] : memref<8192x32xf32, #tpu.memory_space<vmem>>, vector<8192x32xf32>
    tpu.vector_store %arg6[%swap3A, %swap3A_10], %add3A_9 {strides = array<i32>} : memref<8192x32xf32, #tpu.memory_space<vmem>>, vector<8192x32xf32>,
    %reduce_sum3A = arith.constant dense<0.000000e+00> : vector<32xf32>
    %reduce_sum3A_12 = vector.multi_reduction <add>, %add3A_9, %reduce_sum3A [0] : vector<8192x32xf32> to vector<32xf32>
    %broadcast_in_dim3A = vector.shape_cast %reduce_sum3A_12 : vector<32xf32> to vector<1x32xf32>
    %mul3A = arith.mulf %add3A_9, %add3A_9 : vector<8192x32xf32>
    %reduce_sum3A_13 = arith.constant dense<0.000000e+00> : vector<32xf32>
    %reduce_sum3A_14 = vector.multi_reduction <add>, %mul3A, %reduce_sum3A_13 [0] : vector<8192x32xf32> to vector<32xf32>
    %broadcast_in_dim3A_15 = vector.shape_cast %reduce_sum3A_14 : vector<32xf32> to vector<1x32xf32>
    %eq3A = arith.constant 0 : i32
    %eq3A_16 = arith.cmpi eq, %arg0, %eq3A : i32
    %convert_element_type3A = arith.extui %eq3A_16 : i1 to i32
    %cond3A = arith.constant 0 : i32
    %cond3A_17 = arith.cmpi ne, %convert_element_type3A, %cond3A : i32
    scf.if %cond3A_17 {
      %swap3A_22 = arith.constant 0 : index
      %swap3A_23 = arith.constant 0 : index
      %swap3A_24 = vector.load %arg7[%swap3A_22, %swap3A_23] : memref<1x32xf32, #tpu.memory_space<vmem>>, vector<1x32xf32>
      tpu.vector_store %arg7[%swap3A_22, %swap3A_23], %broadcast_in_dim3A {strides = array<i32>} : memref<1x32xf32, #tpu.memory_space<vmem>>, vector<1x32xf32>,
      %swap3A_25 = arith.constant 0 : index
      %swap3A_26 = arith.constant 0 : index
      %swap3A_27 = vector.load %arg8[%swap3A_25, %swap3A_26] : memref<1x32xf32, #tpu.memory_space<vmem>>, vector<1x32xf32>
      tpu.vector_store %arg8[%swap3A_25, %swap3A_26], %broadcast_in_dim3A_15 {strides = array<i32>} : memref<1x32xf32, #tpu.memory_space<vmem>>, vector<1x32xf32>,
    } else {
    }
    %ne3A = arith.constant 0 : i32
    %ne3A_18 = arith.cmpi ne, %arg0, %ne3A : i32
    %convert_element_type3A_19 = arith.extui %ne3A_18 : i1 to i32
    %cond3A_20 = arith.constant 0 : i32
    %cond3A_21 = arith.cmpi ne, %convert_element_type3A_19, %cond3A_20 : i32
    scf.if %cond3A_21 {
      %get3A_22 = arith.constant 0 : index
      %get3A_23 = arith.constant 0 : index
      %get3A_24 = vector.load %arg7[%get3A_22, %get3A_23] : memref<1x32xf32, #tpu.memory_space<vmem>>, vector<1x32xf32>
      %add3A_25 = arith.addf %get3A_24, %broadcast_in_dim3A : vector<1x32xf32>
      %swap3A_26 = arith.constant 0 : index
      %swap3A_27 = arith.constant 0 : index
      %swap3A_28 = vector.load %arg7[%swap3A_26, %swap3A_27] : memref<1x32xf32, #tpu.memory_space<vmem>>, vector<1x32xf32>
      tpu.vector_store %arg7[%swap3A_26, %swap3A_27], %add3A_25 {strides = array<i32>} : memref<1x32xf32, #tpu.memory_space<vmem>>, vector<1x32xf32>,
      %get3A_29 = arith.constant 0 : index
      %get3A_30 = arith.constant 0 : index
      %get3A_31 = vector.load %arg8[%get3A_29, %get3A_30] : memref<1x32xf32, #tpu.memory_space<vmem>>, vector<1x32xf32>
      %add3A_32 = arith.addf %get3A_31, %broadcast_in_dim3A_15 : vector<1x32xf32>
      %swap3A_33 = arith.constant 0 : index
      %swap3A_34 = arith.constant 0 : index
      %swap3A_35 = vector.load %arg8[%swap3A_33, %swap3A_34] : memref<1x32xf32, #tpu.memory_space<vmem>>, vector<1x32xf32>
      tpu.vector_store %arg8[%swap3A_33, %swap3A_34], %add3A_32 {strides = array<i32>} : memref<1x32xf32, #tpu.memory_space<vmem>>, vector<1x32xf32>,
    } else {
    }
    return
  }
  func.func @transform_0(%arg0: i32) -> (i32, i32) {
    %c0_i32 = arith.constant 0 : i32
    %c0_i32_0 = arith.constant 0 : i32
    return %arg0, %c0_i32 : i32, i32
  }
  func.func @transform_1(%arg0: i32) -> (i32, i32) {
    %c0_i32 = arith.constant 0 : i32
    %c0_i32_0 = arith.constant 0 : i32
    %c0_i32_1 = arith.constant 0 : i32
    return %c0_i32, %c0_i32_0 : i32, i32
  }
  func.func @transform_2(%arg0: i32) -> (i32, i32) {
    %c0_i32 = arith.constant 0 : i32
    %c0_i32_0 = arith.constant 0 : i32
    %c0_i32_1 = arith.constant 0 : i32
    return %c0_i32, %c0_i32_0 : i32, i32
  }
  func.func @transform_3(%arg0: i32) -> (i32, i32) {
    %c0_i32 = arith.constant 0 : i32
    %c0_i32_0 = arith.constant 0 : i32
    %c0_i32_1 = arith.constant 0 : i32
    return %c0_i32, %c0_i32_0 : i32, i32
  }
  func.func @transform_4(%arg0: i32) -> (i32, i32) {
    %c0_i32 = arith.constant 0 : i32
    %c0_i32_0 = arith.constant 0 : i32
    %c0_i32_1 = arith.constant 0 : i32
    return %c0_i32, %c0_i32_0 : i32, i32
  }
  func.func @transform_5(%arg0: i32) -> (i32, i32) {
    %c0_i32 = arith.constant 0 : i32
    %c0_i32_0 = arith.constant 0 : i32
    return %arg0, %c0_i32 : i32, i32
  }
  func.func @transform_6(%arg0: i32) -> (i32, i32) {
    %c0_i32 = arith.constant 0 : i32
    %c0_i32_0 = arith.constant 0 : i32
    %c0_i32_1 = arith.constant 0 : i32
    return %c0_i32, %c0_i32_0 : i32, i32
  }
  func.func @transform_7(%arg0: i32) -> (i32, i32) {
    %c0_i32 = arith.constant 0 : i32
    %c0_i32_0 = arith.constant 0 : i32
    %c0_i32_1 = arith.constant 0 : i32
    return %c0_i32, %c0_i32_0 : i32, i32
  }
}

module attributes {stable_mosaic.version = 14 : i64} {
  func.func @_layer_body(%arg0: i32, %arg1: memref<8192x32xf32, #tpu.memory_space<vmem>>, %arg2: memref<1x32xf32, #tpu.memory_space<vmem>>, %arg3: memref<1x32xf32, #tpu.memory_space<vmem>>, %arg4: memref<32x32xf32, #tpu.memory_space<vmem>>, %arg5: memref<1x32xf32, #tpu.memory_space<vmem>>, %arg6: memref<8192x32xf32, #tpu.memory_space<vmem>>, %arg7: memref<1x32xf32, #tpu.memory_space<vmem>>, %arg8: memref<1x32xf32, #tpu.memory_space<vmem>>) attributes {dimension_semantics = [#tpu.dimension_semantics<arbitrary>], iteration_bounds = array<i64: 32>, scalar_prefetch = 0 : i64, scratch_operands = 0 : i64, tpu.core_type = #tpu.core_type<tc>, window_params = [{transform_indices = @transform_0, window_bounds = array<i64: 8192, 32>}, {pipeline_mode = #tpu.pipeline_mode<synchronous>, transform_indices = @transform_1, window_bounds = array<i64: 1, 32>}, {pipeline_mode = #tpu.pipeline_mode<synchronous>, transform_indices = @transform_2, window_bounds = array<i64: 1, 32>}, {pipeline_mode = #tpu.pipeline_mode<synchronous>, transform_indices = @transform_3, window_bounds = array<i64: 32, 32>}, {pipeline_mode = #tpu.pipeline_mode<synchronous>, transform_indices = @transform_4, window_bounds = array<i64: 1, 32>}, {transform_indices = @transform_5, window_bounds = array<i64: 8192, 32>}, {pipeline_mode = #tpu.pipeline_mode<synchronous>, transform_indices = @transform_6, window_bounds = array<i64: 1, 32>}, {pipeline_mode = #tpu.pipeline_mode<synchronous>, transform_indices = @transform_7, window_bounds = array<i64: 1, 32>}]} {
    %get3A = arith.constant 0 : index
    %get3A_0 = arith.constant 0 : index
    %get3A_1 = vector.load %arg1[%get3A, %get3A_0] : memref<8192x32xf32, #tpu.memory_space<vmem>>, vector<8192x32xf32>
    %get3A_2 = arith.constant 0 : index
    %get3A_3 = arith.constant 0 : index
    %get3A_4 = vector.load %arg2[%get3A_2, %get3A_3] : memref<1x32xf32, #tpu.memory_space<vmem>>, vector<1x32xf32>
    %mul3A = vector.broadcast %get3A_4 : vector<1x32xf32> to vector<8192x32xf32>
    %mul3A_5 = arith.mulf %get3A_1, %mul3A : vector<8192x32xf32>
    %get3A_6 = arith.constant 0 : index
    %get3A_7 = arith.constant 0 : index
    %get3A_8 = vector.load %arg3[%get3A_6, %get3A_7] : memref<1x32xf32, #tpu.memory_space<vmem>>, vector<1x32xf32>
    %add3A = vector.broadcast %get3A_8 : vector<1x32xf32> to vector<8192x32xf32>
    %add3A_9 = arith.addf %mul3A_5, %add3A : vector<8192x32xf32>
    %max3A = arith.constant 0.000000e+00 : f32
    %max3A_10 = vector.broadcast %max3A : f32 to vector<8192x32xf32>
    %max3A_11 = arith.maximumf %add3A_9, %max3A_10 : vector<8192x32xf32>
    %get3A_12 = arith.constant 0 : index
    %get3A_13 = arith.constant 0 : index
    %get3A_14 = vector.load %arg4[%get3A_12, %get3A_13] : memref<32x32xf32, #tpu.memory_space<vmem>>, vector<32x32xf32>
    %dot_general3A = arith.constant dense<0.000000e+00> : vector<8192x32xf32>
    %dot_general3A_15 = tpu.matmul %max3A_11, %get3A_14, %dot_general3A {dimension_numbers = #tpu.dot_dimension_numbers<[1], [0], [0], [1], [0, 0, 1, 1], [], []>, transpose_lhs_hint = false} : vector<8192x32xf32>, vector<32x32xf32>, vector<8192x32xf32> -> vector<8192x32xf32>
    %get3A_16 = arith.constant 0 : index
    %get3A_17 = arith.constant 0 : index
    %get3A_18 = vector.load %arg5[%get3A_16, %get3A_17] : memref<1x32xf32, #tpu.memory_space<vmem>>, vector<1x32xf32>
    %add3A_19 = vector.broadcast %get3A_18 : vector<1x32xf32> to vector<8192x32xf32>
    %add3A_20 = arith.addf %dot_general3A_15, %add3A_19 : vector<8192x32xf32>
    %swap3A = arith.constant 0 : index
    %swap3A_21 = arith.constant 0 : index
    %swap3A_22 = vector.load %arg6[%swap3A, %swap3A_21] : memref<8192x32xf32, #tpu.memory_space<vmem>>, vector<8192x32xf32>
    tpu.vector_store %arg6[%swap3A, %swap3A_21], %add3A_20 {strides = array<i32>} : memref<8192x32xf32, #tpu.memory_space<vmem>>, vector<8192x32xf32>,
    %reduce_sum3A = arith.constant dense<0.000000e+00> : vector<32xf32>
    %reduce_sum3A_23 = vector.multi_reduction <add>, %add3A_20, %reduce_sum3A [0] : vector<8192x32xf32> to vector<32xf32>
    %broadcast_in_dim3A = vector.shape_cast %reduce_sum3A_23 : vector<32xf32> to vector<1x32xf32>
    %mul3A_24 = arith.mulf %add3A_20, %add3A_20 : vector<8192x32xf32>
    %reduce_sum3A_25 = arith.constant dense<0.000000e+00> : vector<32xf32>
    %reduce_sum3A_26 = vector.multi_reduction <add>, %mul3A_24, %reduce_sum3A_25 [0] : vector<8192x32xf32> to vector<32xf32>
    %broadcast_in_dim3A_27 = vector.shape_cast %reduce_sum3A_26 : vector<32xf32> to vector<1x32xf32>
    %eq3A = arith.constant 0 : i32
    %eq3A_28 = arith.cmpi eq, %arg0, %eq3A : i32
    %convert_element_type3A = arith.extui %eq3A_28 : i1 to i32
    %cond3A = arith.constant 0 : i32
    %cond3A_29 = arith.cmpi ne, %convert_element_type3A, %cond3A : i32
    scf.if %cond3A_29 {
      %swap3A_34 = arith.constant 0 : index
      %swap3A_35 = arith.constant 0 : index
      %swap3A_36 = vector.load %arg7[%swap3A_34, %swap3A_35] : memref<1x32xf32, #tpu.memory_space<vmem>>, vector<1x32xf32>
      tpu.vector_store %arg7[%swap3A_34, %swap3A_35], %broadcast_in_dim3A {strides = array<i32>} : memref<1x32xf32, #tpu.memory_space<vmem>>, vector<1x32xf32>,
      %swap3A_37 = arith.constant 0 : index
      %swap3A_38 = arith.constant 0 : index
      %swap3A_39 = vector.load %arg8[%swap3A_37, %swap3A_38] : memref<1x32xf32, #tpu.memory_space<vmem>>, vector<1x32xf32>
      tpu.vector_store %arg8[%swap3A_37, %swap3A_38], %broadcast_in_dim3A_27 {strides = array<i32>} : memref<1x32xf32, #tpu.memory_space<vmem>>, vector<1x32xf32>,
    } else {
    }
    %ne3A = arith.constant 0 : i32
    %ne3A_30 = arith.cmpi ne, %arg0, %ne3A : i32
    %convert_element_type3A_31 = arith.extui %ne3A_30 : i1 to i32
    %cond3A_32 = arith.constant 0 : i32
    %cond3A_33 = arith.cmpi ne, %convert_element_type3A_31, %cond3A_32 : i32
    scf.if %cond3A_33 {
      %get3A_34 = arith.constant 0 : index
      %get3A_35 = arith.constant 0 : index
      %get3A_36 = vector.load %arg7[%get3A_34, %get3A_35] : memref<1x32xf32, #tpu.memory_space<vmem>>, vector<1x32xf32>
      %add3A_37 = arith.addf %get3A_36, %broadcast_in_dim3A : vector<1x32xf32>
      %swap3A_38 = arith.constant 0 : index
      %swap3A_39 = arith.constant 0 : index
      %swap3A_40 = vector.load %arg7[%swap3A_38, %swap3A_39] : memref<1x32xf32, #tpu.memory_space<vmem>>, vector<1x32xf32>
      tpu.vector_store %arg7[%swap3A_38, %swap3A_39], %add3A_37 {strides = array<i32>} : memref<1x32xf32, #tpu.memory_space<vmem>>, vector<1x32xf32>,
      %get3A_41 = arith.constant 0 : index
      %get3A_42 = arith.constant 0 : index
      %get3A_43 = vector.load %arg8[%get3A_41, %get3A_42] : memref<1x32xf32, #tpu.memory_space<vmem>>, vector<1x32xf32>
      %add3A_44 = arith.addf %get3A_43, %broadcast_in_dim3A_27 : vector<1x32xf32>
      %swap3A_45 = arith.constant 0 : index
      %swap3A_46 = arith.constant 0 : index
      %swap3A_47 = vector.load %arg8[%swap3A_45, %swap3A_46] : memref<1x32xf32, #tpu.memory_space<vmem>>, vector<1x32xf32>
      tpu.vector_store %arg8[%swap3A_45, %swap3A_46], %add3A_44 {strides = array<i32>} : memref<1x32xf32, #tpu.memory_space<vmem>>, vector<1x32xf32>,
    } else {
    }
    return
  }
  func.func @transform_0(%arg0: i32) -> (i32, i32) {
    %c0_i32 = arith.constant 0 : i32
    %c0_i32_0 = arith.constant 0 : i32
    return %arg0, %c0_i32 : i32, i32
  }
  func.func @transform_1(%arg0: i32) -> (i32, i32) {
    %c0_i32 = arith.constant 0 : i32
    %c0_i32_0 = arith.constant 0 : i32
    %c0_i32_1 = arith.constant 0 : i32
    return %c0_i32, %c0_i32_0 : i32, i32
  }
  func.func @transform_2(%arg0: i32) -> (i32, i32) {
    %c0_i32 = arith.constant 0 : i32
    %c0_i32_0 = arith.constant 0 : i32
    %c0_i32_1 = arith.constant 0 : i32
    return %c0_i32, %c0_i32_0 : i32, i32
  }
  func.func @transform_3(%arg0: i32) -> (i32, i32) {
    %c0_i32 = arith.constant 0 : i32
    %c0_i32_0 = arith.constant 0 : i32
    %c0_i32_1 = arith.constant 0 : i32
    return %c0_i32, %c0_i32_0 : i32, i32
  }
  func.func @transform_4(%arg0: i32) -> (i32, i32) {
    %c0_i32 = arith.constant 0 : i32
    %c0_i32_0 = arith.constant 0 : i32
    %c0_i32_1 = arith.constant 0 : i32
    return %c0_i32, %c0_i32_0 : i32, i32
  }
  func.func @transform_5(%arg0: i32) -> (i32, i32) {
    %c0_i32 = arith.constant 0 : i32
    %c0_i32_0 = arith.constant 0 : i32
    return %arg0, %c0_i32 : i32, i32
  }
  func.func @transform_6(%arg0: i32) -> (i32, i32) {
    %c0_i32 = arith.constant 0 : i32
    %c0_i32_0 = arith.constant 0 : i32
    %c0_i32_1 = arith.constant 0 : i32
    return %c0_i32, %c0_i32_0 : i32, i32
  }
  func.func @transform_7(%arg0: i32) -> (i32, i32) {
    %c0_i32 = arith.constant 0 : i32
    %c0_i32_0 = arith.constant 0 : i32
    %c0_i32_1 = arith.constant 0 : i32
    return %c0_i32, %c0_i32_0 : i32, i32
  }
}

module attributes {stable_mosaic.version = 14 : i64} {
  func.func @_layer_body(%arg0: i32, %arg1: memref<8192x32xf32, #tpu.memory_space<vmem>>, %arg2: memref<1x32xf32, #tpu.memory_space<vmem>>, %arg3: memref<1x32xf32, #tpu.memory_space<vmem>>, %arg4: memref<32x64xf32, #tpu.memory_space<vmem>>, %arg5: memref<1x64xf32, #tpu.memory_space<vmem>>, %arg6: memref<8192x64xf32, #tpu.memory_space<vmem>>, %arg7: memref<1x64xf32, #tpu.memory_space<vmem>>, %arg8: memref<1x64xf32, #tpu.memory_space<vmem>>) attributes {dimension_semantics = [#tpu.dimension_semantics<arbitrary>], iteration_bounds = array<i64: 32>, scalar_prefetch = 0 : i64, scratch_operands = 0 : i64, tpu.core_type = #tpu.core_type<tc>, window_params = [{transform_indices = @transform_0, window_bounds = array<i64: 8192, 32>}, {pipeline_mode = #tpu.pipeline_mode<synchronous>, transform_indices = @transform_1, window_bounds = array<i64: 1, 32>}, {pipeline_mode = #tpu.pipeline_mode<synchronous>, transform_indices = @transform_2, window_bounds = array<i64: 1, 32>}, {pipeline_mode = #tpu.pipeline_mode<synchronous>, transform_indices = @transform_3, window_bounds = array<i64: 32, 64>}, {pipeline_mode = #tpu.pipeline_mode<synchronous>, transform_indices = @transform_4, window_bounds = array<i64: 1, 64>}, {transform_indices = @transform_5, window_bounds = array<i64: 8192, 64>}, {pipeline_mode = #tpu.pipeline_mode<synchronous>, transform_indices = @transform_6, window_bounds = array<i64: 1, 64>}, {pipeline_mode = #tpu.pipeline_mode<synchronous>, transform_indices = @transform_7, window_bounds = array<i64: 1, 64>}]} {
    %get3A = arith.constant 0 : index
    %get3A_0 = arith.constant 0 : index
    %get3A_1 = vector.load %arg1[%get3A, %get3A_0] : memref<8192x32xf32, #tpu.memory_space<vmem>>, vector<8192x32xf32>
    %get3A_2 = arith.constant 0 : index
    %get3A_3 = arith.constant 0 : index
    %get3A_4 = vector.load %arg2[%get3A_2, %get3A_3] : memref<1x32xf32, #tpu.memory_space<vmem>>, vector<1x32xf32>
    %mul3A = vector.broadcast %get3A_4 : vector<1x32xf32> to vector<8192x32xf32>
    %mul3A_5 = arith.mulf %get3A_1, %mul3A : vector<8192x32xf32>
    %get3A_6 = arith.constant 0 : index
    %get3A_7 = arith.constant 0 : index
    %get3A_8 = vector.load %arg3[%get3A_6, %get3A_7] : memref<1x32xf32, #tpu.memory_space<vmem>>, vector<1x32xf32>
    %add3A = vector.broadcast %get3A_8 : vector<1x32xf32> to vector<8192x32xf32>
    %add3A_9 = arith.addf %mul3A_5, %add3A : vector<8192x32xf32>
    %max3A = arith.constant 0.000000e+00 : f32
    %max3A_10 = vector.broadcast %max3A : f32 to vector<8192x32xf32>
    %max3A_11 = arith.maximumf %add3A_9, %max3A_10 : vector<8192x32xf32>
    %get3A_12 = arith.constant 0 : index
    %get3A_13 = arith.constant 0 : index
    %get3A_14 = vector.load %arg4[%get3A_12, %get3A_13] : memref<32x64xf32, #tpu.memory_space<vmem>>, vector<32x64xf32>
    %dot_general3A = arith.constant dense<0.000000e+00> : vector<8192x64xf32>
    %dot_general3A_15 = tpu.matmul %max3A_11, %get3A_14, %dot_general3A {dimension_numbers = #tpu.dot_dimension_numbers<[1], [0], [0], [1], [0, 0, 1, 1], [], []>, transpose_lhs_hint = false} : vector<8192x32xf32>, vector<32x64xf32>, vector<8192x64xf32> -> vector<8192x64xf32>
    %get3A_16 = arith.constant 0 : index
    %get3A_17 = arith.constant 0 : index
    %get3A_18 = vector.load %arg5[%get3A_16, %get3A_17] : memref<1x64xf32, #tpu.memory_space<vmem>>, vector<1x64xf32>
    %add3A_19 = vector.broadcast %get3A_18 : vector<1x64xf32> to vector<8192x64xf32>
    %add3A_20 = arith.addf %dot_general3A_15, %add3A_19 : vector<8192x64xf32>
    %swap3A = arith.constant 0 : index
    %swap3A_21 = arith.constant 0 : index
    %swap3A_22 = vector.load %arg6[%swap3A, %swap3A_21] : memref<8192x64xf32, #tpu.memory_space<vmem>>, vector<8192x64xf32>
    tpu.vector_store %arg6[%swap3A, %swap3A_21], %add3A_20 {strides = array<i32>} : memref<8192x64xf32, #tpu.memory_space<vmem>>, vector<8192x64xf32>,
    %reduce_sum3A = arith.constant dense<0.000000e+00> : vector<64xf32>
    %reduce_sum3A_23 = vector.multi_reduction <add>, %add3A_20, %reduce_sum3A [0] : vector<8192x64xf32> to vector<64xf32>
    %broadcast_in_dim3A = vector.shape_cast %reduce_sum3A_23 : vector<64xf32> to vector<1x64xf32>
    %mul3A_24 = arith.mulf %add3A_20, %add3A_20 : vector<8192x64xf32>
    %reduce_sum3A_25 = arith.constant dense<0.000000e+00> : vector<64xf32>
    %reduce_sum3A_26 = vector.multi_reduction <add>, %mul3A_24, %reduce_sum3A_25 [0] : vector<8192x64xf32> to vector<64xf32>
    %broadcast_in_dim3A_27 = vector.shape_cast %reduce_sum3A_26 : vector<64xf32> to vector<1x64xf32>
    %eq3A = arith.constant 0 : i32
    %eq3A_28 = arith.cmpi eq, %arg0, %eq3A : i32
    %convert_element_type3A = arith.extui %eq3A_28 : i1 to i32
    %cond3A = arith.constant 0 : i32
    %cond3A_29 = arith.cmpi ne, %convert_element_type3A, %cond3A : i32
    scf.if %cond3A_29 {
      %swap3A_34 = arith.constant 0 : index
      %swap3A_35 = arith.constant 0 : index
      %swap3A_36 = vector.load %arg7[%swap3A_34, %swap3A_35] : memref<1x64xf32, #tpu.memory_space<vmem>>, vector<1x64xf32>
      tpu.vector_store %arg7[%swap3A_34, %swap3A_35], %broadcast_in_dim3A {strides = array<i32>} : memref<1x64xf32, #tpu.memory_space<vmem>>, vector<1x64xf32>,
      %swap3A_37 = arith.constant 0 : index
      %swap3A_38 = arith.constant 0 : index
      %swap3A_39 = vector.load %arg8[%swap3A_37, %swap3A_38] : memref<1x64xf32, #tpu.memory_space<vmem>>, vector<1x64xf32>
      tpu.vector_store %arg8[%swap3A_37, %swap3A_38], %broadcast_in_dim3A_27 {strides = array<i32>} : memref<1x64xf32, #tpu.memory_space<vmem>>, vector<1x64xf32>,
    } else {
    }
    %ne3A = arith.constant 0 : i32
    %ne3A_30 = arith.cmpi ne, %arg0, %ne3A : i32
    %convert_element_type3A_31 = arith.extui %ne3A_30 : i1 to i32
    %cond3A_32 = arith.constant 0 : i32
    %cond3A_33 = arith.cmpi ne, %convert_element_type3A_31, %cond3A_32 : i32
    scf.if %cond3A_33 {
      %get3A_34 = arith.constant 0 : index
      %get3A_35 = arith.constant 0 : index
      %get3A_36 = vector.load %arg7[%get3A_34, %get3A_35] : memref<1x64xf32, #tpu.memory_space<vmem>>, vector<1x64xf32>
      %add3A_37 = arith.addf %get3A_36, %broadcast_in_dim3A : vector<1x64xf32>
      %swap3A_38 = arith.constant 0 : index
      %swap3A_39 = arith.constant 0 : index
      %swap3A_40 = vector.load %arg7[%swap3A_38, %swap3A_39] : memref<1x64xf32, #tpu.memory_space<vmem>>, vector<1x64xf32>
      tpu.vector_store %arg7[%swap3A_38, %swap3A_39], %add3A_37 {strides = array<i32>} : memref<1x64xf32, #tpu.memory_space<vmem>>, vector<1x64xf32>,
      %get3A_41 = arith.constant 0 : index
      %get3A_42 = arith.constant 0 : index
      %get3A_43 = vector.load %arg8[%get3A_41, %get3A_42] : memref<1x64xf32, #tpu.memory_space<vmem>>, vector<1x64xf32>
      %add3A_44 = arith.addf %get3A_43, %broadcast_in_dim3A_27 : vector<1x64xf32>
      %swap3A_45 = arith.constant 0 : index
      %swap3A_46 = arith.constant 0 : index
      %swap3A_47 = vector.load %arg8[%swap3A_45, %swap3A_46] : memref<1x64xf32, #tpu.memory_space<vmem>>, vector<1x64xf32>
      tpu.vector_store %arg8[%swap3A_45, %swap3A_46], %add3A_44 {strides = array<i32>} : memref<1x64xf32, #tpu.memory_space<vmem>>, vector<1x64xf32>,
    } else {
    }
    return
  }
  func.func @transform_0(%arg0: i32) -> (i32, i32) {
    %c0_i32 = arith.constant 0 : i32
    %c0_i32_0 = arith.constant 0 : i32
    return %arg0, %c0_i32 : i32, i32
  }
  func.func @transform_1(%arg0: i32) -> (i32, i32) {
    %c0_i32 = arith.constant 0 : i32
    %c0_i32_0 = arith.constant 0 : i32
    %c0_i32_1 = arith.constant 0 : i32
    return %c0_i32, %c0_i32_0 : i32, i32
  }
  func.func @transform_2(%arg0: i32) -> (i32, i32) {
    %c0_i32 = arith.constant 0 : i32
    %c0_i32_0 = arith.constant 0 : i32
    %c0_i32_1 = arith.constant 0 : i32
    return %c0_i32, %c0_i32_0 : i32, i32
  }
  func.func @transform_3(%arg0: i32) -> (i32, i32) {
    %c0_i32 = arith.constant 0 : i32
    %c0_i32_0 = arith.constant 0 : i32
    %c0_i32_1 = arith.constant 0 : i32
    return %c0_i32, %c0_i32_0 : i32, i32
  }
  func.func @transform_4(%arg0: i32) -> (i32, i32) {
    %c0_i32 = arith.constant 0 : i32
    %c0_i32_0 = arith.constant 0 : i32
    %c0_i32_1 = arith.constant 0 : i32
    return %c0_i32, %c0_i32_0 : i32, i32
  }
  func.func @transform_5(%arg0: i32) -> (i32, i32) {
    %c0_i32 = arith.constant 0 : i32
    %c0_i32_0 = arith.constant 0 : i32
    return %arg0, %c0_i32 : i32, i32
  }
  func.func @transform_6(%arg0: i32) -> (i32, i32) {
    %c0_i32 = arith.constant 0 : i32
    %c0_i32_0 = arith.constant 0 : i32
    %c0_i32_1 = arith.constant 0 : i32
    return %c0_i32, %c0_i32_0 : i32, i32
  }
  func.func @transform_7(%arg0: i32) -> (i32, i32) {
    %c0_i32 = arith.constant 0 : i32
    %c0_i32_0 = arith.constant 0 : i32
    %c0_i32_1 = arith.constant 0 : i32
    return %c0_i32, %c0_i32_0 : i32, i32
  }
}

module attributes {stable_mosaic.version = 14 : i64} {
  func.func @_norm_max_body(%arg0: i32, %arg1: memref<512x32x64xf32, #tpu.memory_space<vmem>>, %arg2: memref<1x1x64xf32, #tpu.memory_space<vmem>>, %arg3: memref<1x1x64xf32, #tpu.memory_space<vmem>>, %arg4: memref<512x64xf32, #tpu.memory_space<vmem>>) attributes {dimension_semantics = [#tpu.dimension_semantics<arbitrary>], iteration_bounds = array<i64: 16>, scalar_prefetch = 0 : i64, scratch_operands = 0 : i64, tpu.core_type = #tpu.core_type<tc>, window_params = [{transform_indices = @transform_0, window_bounds = array<i64: 512, 32, 64>}, {pipeline_mode = #tpu.pipeline_mode<synchronous>, transform_indices = @transform_1, window_bounds = array<i64: 1, 1, 64>}, {pipeline_mode = #tpu.pipeline_mode<synchronous>, transform_indices = @transform_2, window_bounds = array<i64: 1, 1, 64>}, {transform_indices = @transform_3, window_bounds = array<i64: 512, 64>}]} {
    %get3A = arith.constant 0 : index
    %get3A_0 = arith.constant 0 : index
    %get3A_1 = arith.constant 0 : index
    %get3A_2 = vector.load %arg1[%get3A, %get3A_0, %get3A_1] : memref<512x32x64xf32, #tpu.memory_space<vmem>>, vector<512x32x64xf32>
    %get3A_3 = arith.constant 0 : index
    %get3A_4 = arith.constant 0 : index
    %get3A_5 = arith.constant 0 : index
    %get3A_6 = vector.load %arg2[%get3A_3, %get3A_4, %get3A_5] : memref<1x1x64xf32, #tpu.memory_space<vmem>>, vector<1x1x64xf32>
    %mul3A = vector.broadcast %get3A_6 : vector<1x1x64xf32> to vector<512x32x64xf32>
    %mul3A_7 = arith.mulf %get3A_2, %mul3A : vector<512x32x64xf32>
    %get3A_8 = arith.constant 0 : index
    %get3A_9 = arith.constant 0 : index
    %get3A_10 = arith.constant 0 : index
    %get3A_11 = vector.load %arg3[%get3A_8, %get3A_9, %get3A_10] : memref<1x1x64xf32, #tpu.memory_space<vmem>>, vector<1x1x64xf32>
    %add3A = vector.broadcast %get3A_11 : vector<1x1x64xf32> to vector<512x32x64xf32>
    %add3A_12 = arith.addf %mul3A_7, %add3A : vector<512x32x64xf32>
    %max3A = arith.constant 0.000000e+00 : f32
    %max3A_13 = vector.broadcast %max3A : f32 to vector<512x32x64xf32>
    %max3A_14 = arith.maximumf %add3A_12, %max3A_13 : vector<512x32x64xf32>
    %reduce_max3A = arith.constant dense<0xFF800000> : vector<512x64xf32>
    %reduce_max3A_15 = vector.multi_reduction <maximumf>, %max3A_14, %reduce_max3A [1] : vector<512x32x64xf32> to vector<512x64xf32>
    %swap3A = arith.constant 0 : index
    %swap3A_16 = arith.constant 0 : index
    %swap3A_17 = vector.load %arg4[%swap3A, %swap3A_16] : memref<512x64xf32, #tpu.memory_space<vmem>>, vector<512x64xf32>
    tpu.vector_store %arg4[%swap3A, %swap3A_16], %reduce_max3A_15 {strides = array<i32>} : memref<512x64xf32, #tpu.memory_space<vmem>>, vector<512x64xf32>,
    return
  }
  func.func @transform_0(%arg0: i32) -> (i32, i32, i32) {
    %c0_i32 = arith.constant 0 : i32
    %c0_i32_0 = arith.constant 0 : i32
    %c0_i32_1 = arith.constant 0 : i32
    return %arg0, %c0_i32, %c0_i32_0 : i32, i32, i32
  }
  func.func @transform_1(%arg0: i32) -> (i32, i32, i32) {
    %c0_i32 = arith.constant 0 : i32
    %c0_i32_0 = arith.constant 0 : i32
    %c0_i32_1 = arith.constant 0 : i32
    %c0_i32_2 = arith.constant 0 : i32
    return %c0_i32, %c0_i32_0, %c0_i32_1 : i32, i32, i32
  }
  func.func @transform_2(%arg0: i32) -> (i32, i32, i32) {
    %c0_i32 = arith.constant 0 : i32
    %c0_i32_0 = arith.constant 0 : i32
    %c0_i32_1 = arith.constant 0 : i32
    %c0_i32_2 = arith.constant 0 : i32
    return %c0_i32, %c0_i32_0, %c0_i32_1 : i32, i32, i32
  }
  func.func @transform_3(%arg0: i32) -> (i32, i32) {
    %c0_i32 = arith.constant 0 : i32
    %c0_i32_0 = arith.constant 0 : i32
    return %arg0, %c0_i32 : i32, i32
  }
}

module attributes {stable_mosaic.version = 14 : i64} {
  func.func @_layer_body(%arg0: i32, %arg1: memref<8192x67xf32, #tpu.memory_space<vmem>>, %arg2: memref<1x67xf32, #tpu.memory_space<vmem>>, %arg3: memref<1x67xf32, #tpu.memory_space<vmem>>, %arg4: memref<67x64xf32, #tpu.memory_space<vmem>>, %arg5: memref<1x64xf32, #tpu.memory_space<vmem>>, %arg6: memref<8192x64xf32, #tpu.memory_space<vmem>>, %arg7: memref<1x64xf32, #tpu.memory_space<vmem>>, %arg8: memref<1x64xf32, #tpu.memory_space<vmem>>) attributes {dimension_semantics = [#tpu.dimension_semantics<arbitrary>], iteration_bounds = array<i64: 8>, scalar_prefetch = 0 : i64, scratch_operands = 0 : i64, tpu.core_type = #tpu.core_type<tc>, window_params = [{transform_indices = @transform_0, window_bounds = array<i64: 8192, 67>}, {pipeline_mode = #tpu.pipeline_mode<synchronous>, transform_indices = @transform_1, window_bounds = array<i64: 1, 67>}, {pipeline_mode = #tpu.pipeline_mode<synchronous>, transform_indices = @transform_2, window_bounds = array<i64: 1, 67>}, {pipeline_mode = #tpu.pipeline_mode<synchronous>, transform_indices = @transform_3, window_bounds = array<i64: 67, 64>}, {pipeline_mode = #tpu.pipeline_mode<synchronous>, transform_indices = @transform_4, window_bounds = array<i64: 1, 64>}, {transform_indices = @transform_5, window_bounds = array<i64: 8192, 64>}, {pipeline_mode = #tpu.pipeline_mode<synchronous>, transform_indices = @transform_6, window_bounds = array<i64: 1, 64>}, {pipeline_mode = #tpu.pipeline_mode<synchronous>, transform_indices = @transform_7, window_bounds = array<i64: 1, 64>}]} {
    %get3A = arith.constant 0 : index
    %get3A_0 = arith.constant 0 : index
    %get3A_1 = vector.load %arg1[%get3A, %get3A_0] : memref<8192x67xf32, #tpu.memory_space<vmem>>, vector<8192x67xf32>
    %get3A_2 = arith.constant 0 : index
    %get3A_3 = arith.constant 0 : index
    %get3A_4 = vector.load %arg4[%get3A_2, %get3A_3] : memref<67x64xf32, #tpu.memory_space<vmem>>, vector<67x64xf32>
    %dot_general3A = arith.constant dense<0.000000e+00> : vector<8192x64xf32>
    %dot_general3A_5 = tpu.matmul %get3A_1, %get3A_4, %dot_general3A {dimension_numbers = #tpu.dot_dimension_numbers<[1], [0], [0], [1], [0, 0, 1, 1], [], []>, transpose_lhs_hint = false} : vector<8192x67xf32>, vector<67x64xf32>, vector<8192x64xf32> -> vector<8192x64xf32>
    %get3A_6 = arith.constant 0 : index
    %get3A_7 = arith.constant 0 : index
    %get3A_8 = vector.load %arg5[%get3A_6, %get3A_7] : memref<1x64xf32, #tpu.memory_space<vmem>>, vector<1x64xf32>
    %add3A = vector.broadcast %get3A_8 : vector<1x64xf32> to vector<8192x64xf32>
    %add3A_9 = arith.addf %dot_general3A_5, %add3A : vector<8192x64xf32>
    %swap3A = arith.constant 0 : index
    %swap3A_10 = arith.constant 0 : index
    %swap3A_11 = vector.load %arg6[%swap3A, %swap3A_10] : memref<8192x64xf32, #tpu.memory_space<vmem>>, vector<8192x64xf32>
    tpu.vector_store %arg6[%swap3A, %swap3A_10], %add3A_9 {strides = array<i32>} : memref<8192x64xf32, #tpu.memory_space<vmem>>, vector<8192x64xf32>,
    %reduce_sum3A = arith.constant dense<0.000000e+00> : vector<64xf32>
    %reduce_sum3A_12 = vector.multi_reduction <add>, %add3A_9, %reduce_sum3A [0] : vector<8192x64xf32> to vector<64xf32>
    %broadcast_in_dim3A = vector.shape_cast %reduce_sum3A_12 : vector<64xf32> to vector<1x64xf32>
    %mul3A = arith.mulf %add3A_9, %add3A_9 : vector<8192x64xf32>
    %reduce_sum3A_13 = arith.constant dense<0.000000e+00> : vector<64xf32>
    %reduce_sum3A_14 = vector.multi_reduction <add>, %mul3A, %reduce_sum3A_13 [0] : vector<8192x64xf32> to vector<64xf32>
    %broadcast_in_dim3A_15 = vector.shape_cast %reduce_sum3A_14 : vector<64xf32> to vector<1x64xf32>
    %eq3A = arith.constant 0 : i32
    %eq3A_16 = arith.cmpi eq, %arg0, %eq3A : i32
    %convert_element_type3A = arith.extui %eq3A_16 : i1 to i32
    %cond3A = arith.constant 0 : i32
    %cond3A_17 = arith.cmpi ne, %convert_element_type3A, %cond3A : i32
    scf.if %cond3A_17 {
      %swap3A_22 = arith.constant 0 : index
      %swap3A_23 = arith.constant 0 : index
      %swap3A_24 = vector.load %arg7[%swap3A_22, %swap3A_23] : memref<1x64xf32, #tpu.memory_space<vmem>>, vector<1x64xf32>
      tpu.vector_store %arg7[%swap3A_22, %swap3A_23], %broadcast_in_dim3A {strides = array<i32>} : memref<1x64xf32, #tpu.memory_space<vmem>>, vector<1x64xf32>,
      %swap3A_25 = arith.constant 0 : index
      %swap3A_26 = arith.constant 0 : index
      %swap3A_27 = vector.load %arg8[%swap3A_25, %swap3A_26] : memref<1x64xf32, #tpu.memory_space<vmem>>, vector<1x64xf32>
      tpu.vector_store %arg8[%swap3A_25, %swap3A_26], %broadcast_in_dim3A_15 {strides = array<i32>} : memref<1x64xf32, #tpu.memory_space<vmem>>, vector<1x64xf32>,
    } else {
    }
    %ne3A = arith.constant 0 : i32
    %ne3A_18 = arith.cmpi ne, %arg0, %ne3A : i32
    %convert_element_type3A_19 = arith.extui %ne3A_18 : i1 to i32
    %cond3A_20 = arith.constant 0 : i32
    %cond3A_21 = arith.cmpi ne, %convert_element_type3A_19, %cond3A_20 : i32
    scf.if %cond3A_21 {
      %get3A_22 = arith.constant 0 : index
      %get3A_23 = arith.constant 0 : index
      %get3A_24 = vector.load %arg7[%get3A_22, %get3A_23] : memref<1x64xf32, #tpu.memory_space<vmem>>, vector<1x64xf32>
      %add3A_25 = arith.addf %get3A_24, %broadcast_in_dim3A : vector<1x64xf32>
      %swap3A_26 = arith.constant 0 : index
      %swap3A_27 = arith.constant 0 : index
      %swap3A_28 = vector.load %arg7[%swap3A_26, %swap3A_27] : memref<1x64xf32, #tpu.memory_space<vmem>>, vector<1x64xf32>
      tpu.vector_store %arg7[%swap3A_26, %swap3A_27], %add3A_25 {strides = array<i32>} : memref<1x64xf32, #tpu.memory_space<vmem>>, vector<1x64xf32>,
      %get3A_29 = arith.constant 0 : index
      %get3A_30 = arith.constant 0 : index
      %get3A_31 = vector.load %arg8[%get3A_29, %get3A_30] : memref<1x64xf32, #tpu.memory_space<vmem>>, vector<1x64xf32>
      %add3A_32 = arith.addf %get3A_31, %broadcast_in_dim3A_15 : vector<1x64xf32>
      %swap3A_33 = arith.constant 0 : index
      %swap3A_34 = arith.constant 0 : index
      %swap3A_35 = vector.load %arg8[%swap3A_33, %swap3A_34] : memref<1x64xf32, #tpu.memory_space<vmem>>, vector<1x64xf32>
      tpu.vector_store %arg8[%swap3A_33, %swap3A_34], %add3A_32 {strides = array<i32>} : memref<1x64xf32, #tpu.memory_space<vmem>>, vector<1x64xf32>,
    } else {
    }
    return
  }
  func.func @transform_0(%arg0: i32) -> (i32, i32) {
    %c0_i32 = arith.constant 0 : i32
    %c0_i32_0 = arith.constant 0 : i32
    return %arg0, %c0_i32 : i32, i32
  }
  func.func @transform_1(%arg0: i32) -> (i32, i32) {
    %c0_i32 = arith.constant 0 : i32
    %c0_i32_0 = arith.constant 0 : i32
    %c0_i32_1 = arith.constant 0 : i32
    return %c0_i32, %c0_i32_0 : i32, i32
  }
  func.func @transform_2(%arg0: i32) -> (i32, i32) {
    %c0_i32 = arith.constant 0 : i32
    %c0_i32_0 = arith.constant 0 : i32
    %c0_i32_1 = arith.constant 0 : i32
    return %c0_i32, %c0_i32_0 : i32, i32
  }
  func.func @transform_3(%arg0: i32) -> (i32, i32) {
    %c0_i32 = arith.constant 0 : i32
    %c0_i32_0 = arith.constant 0 : i32
    %c0_i32_1 = arith.constant 0 : i32
    return %c0_i32, %c0_i32_0 : i32, i32
  }
  func.func @transform_4(%arg0: i32) -> (i32, i32) {
    %c0_i32 = arith.constant 0 : i32
    %c0_i32_0 = arith.constant 0 : i32
    %c0_i32_1 = arith.constant 0 : i32
    return %c0_i32, %c0_i32_0 : i32, i32
  }
  func.func @transform_5(%arg0: i32) -> (i32, i32) {
    %c0_i32 = arith.constant 0 : i32
    %c0_i32_0 = arith.constant 0 : i32
    return %arg0, %c0_i32 : i32, i32
  }
  func.func @transform_6(%arg0: i32) -> (i32, i32) {
    %c0_i32 = arith.constant 0 : i32
    %c0_i32_0 = arith.constant 0 : i32
    %c0_i32_1 = arith.constant 0 : i32
    return %c0_i32, %c0_i32_0 : i32, i32
  }
  func.func @transform_7(%arg0: i32) -> (i32, i32) {
    %c0_i32 = arith.constant 0 : i32
    %c0_i32_0 = arith.constant 0 : i32
    %c0_i32_1 = arith.constant 0 : i32
    return %c0_i32, %c0_i32_0 : i32, i32
  }
}

module attributes {stable_mosaic.version = 14 : i64} {
  func.func @_layer_body(%arg0: i32, %arg1: memref<8192x64xf32, #tpu.memory_space<vmem>>, %arg2: memref<1x64xf32, #tpu.memory_space<vmem>>, %arg3: memref<1x64xf32, #tpu.memory_space<vmem>>, %arg4: memref<64x64xf32, #tpu.memory_space<vmem>>, %arg5: memref<1x64xf32, #tpu.memory_space<vmem>>, %arg6: memref<8192x64xf32, #tpu.memory_space<vmem>>, %arg7: memref<1x64xf32, #tpu.memory_space<vmem>>, %arg8: memref<1x64xf32, #tpu.memory_space<vmem>>) attributes {dimension_semantics = [#tpu.dimension_semantics<arbitrary>], iteration_bounds = array<i64: 8>, scalar_prefetch = 0 : i64, scratch_operands = 0 : i64, tpu.core_type = #tpu.core_type<tc>, window_params = [{transform_indices = @transform_0, window_bounds = array<i64: 8192, 64>}, {pipeline_mode = #tpu.pipeline_mode<synchronous>, transform_indices = @transform_1, window_bounds = array<i64: 1, 64>}, {pipeline_mode = #tpu.pipeline_mode<synchronous>, transform_indices = @transform_2, window_bounds = array<i64: 1, 64>}, {pipeline_mode = #tpu.pipeline_mode<synchronous>, transform_indices = @transform_3, window_bounds = array<i64: 64, 64>}, {pipeline_mode = #tpu.pipeline_mode<synchronous>, transform_indices = @transform_4, window_bounds = array<i64: 1, 64>}, {transform_indices = @transform_5, window_bounds = array<i64: 8192, 64>}, {pipeline_mode = #tpu.pipeline_mode<synchronous>, transform_indices = @transform_6, window_bounds = array<i64: 1, 64>}, {pipeline_mode = #tpu.pipeline_mode<synchronous>, transform_indices = @transform_7, window_bounds = array<i64: 1, 64>}]} {
    %get3A = arith.constant 0 : index
    %get3A_0 = arith.constant 0 : index
    %get3A_1 = vector.load %arg1[%get3A, %get3A_0] : memref<8192x64xf32, #tpu.memory_space<vmem>>, vector<8192x64xf32>
    %get3A_2 = arith.constant 0 : index
    %get3A_3 = arith.constant 0 : index
    %get3A_4 = vector.load %arg2[%get3A_2, %get3A_3] : memref<1x64xf32, #tpu.memory_space<vmem>>, vector<1x64xf32>
    %mul3A = vector.broadcast %get3A_4 : vector<1x64xf32> to vector<8192x64xf32>
    %mul3A_5 = arith.mulf %get3A_1, %mul3A : vector<8192x64xf32>
    %get3A_6 = arith.constant 0 : index
    %get3A_7 = arith.constant 0 : index
    %get3A_8 = vector.load %arg3[%get3A_6, %get3A_7] : memref<1x64xf32, #tpu.memory_space<vmem>>, vector<1x64xf32>
    %add3A = vector.broadcast %get3A_8 : vector<1x64xf32> to vector<8192x64xf32>
    %add3A_9 = arith.addf %mul3A_5, %add3A : vector<8192x64xf32>
    %max3A = arith.constant 0.000000e+00 : f32
    %max3A_10 = vector.broadcast %max3A : f32 to vector<8192x64xf32>
    %max3A_11 = arith.maximumf %add3A_9, %max3A_10 : vector<8192x64xf32>
    %get3A_12 = arith.constant 0 : index
    %get3A_13 = arith.constant 0 : index
    %get3A_14 = vector.load %arg4[%get3A_12, %get3A_13] : memref<64x64xf32, #tpu.memory_space<vmem>>, vector<64x64xf32>
    %dot_general3A = arith.constant dense<0.000000e+00> : vector<8192x64xf32>
    %dot_general3A_15 = tpu.matmul %max3A_11, %get3A_14, %dot_general3A {dimension_numbers = #tpu.dot_dimension_numbers<[1], [0], [0], [1], [0, 0, 1, 1], [], []>, transpose_lhs_hint = false} : vector<8192x64xf32>, vector<64x64xf32>, vector<8192x64xf32> -> vector<8192x64xf32>
    %get3A_16 = arith.constant 0 : index
    %get3A_17 = arith.constant 0 : index
    %get3A_18 = vector.load %arg5[%get3A_16, %get3A_17] : memref<1x64xf32, #tpu.memory_space<vmem>>, vector<1x64xf32>
    %add3A_19 = vector.broadcast %get3A_18 : vector<1x64xf32> to vector<8192x64xf32>
    %add3A_20 = arith.addf %dot_general3A_15, %add3A_19 : vector<8192x64xf32>
    %swap3A = arith.constant 0 : index
    %swap3A_21 = arith.constant 0 : index
    %swap3A_22 = vector.load %arg6[%swap3A, %swap3A_21] : memref<8192x64xf32, #tpu.memory_space<vmem>>, vector<8192x64xf32>
    tpu.vector_store %arg6[%swap3A, %swap3A_21], %add3A_20 {strides = array<i32>} : memref<8192x64xf32, #tpu.memory_space<vmem>>, vector<8192x64xf32>,
    %reduce_sum3A = arith.constant dense<0.000000e+00> : vector<64xf32>
    %reduce_sum3A_23 = vector.multi_reduction <add>, %add3A_20, %reduce_sum3A [0] : vector<8192x64xf32> to vector<64xf32>
    %broadcast_in_dim3A = vector.shape_cast %reduce_sum3A_23 : vector<64xf32> to vector<1x64xf32>
    %mul3A_24 = arith.mulf %add3A_20, %add3A_20 : vector<8192x64xf32>
    %reduce_sum3A_25 = arith.constant dense<0.000000e+00> : vector<64xf32>
    %reduce_sum3A_26 = vector.multi_reduction <add>, %mul3A_24, %reduce_sum3A_25 [0] : vector<8192x64xf32> to vector<64xf32>
    %broadcast_in_dim3A_27 = vector.shape_cast %reduce_sum3A_26 : vector<64xf32> to vector<1x64xf32>
    %eq3A = arith.constant 0 : i32
    %eq3A_28 = arith.cmpi eq, %arg0, %eq3A : i32
    %convert_element_type3A = arith.extui %eq3A_28 : i1 to i32
    %cond3A = arith.constant 0 : i32
    %cond3A_29 = arith.cmpi ne, %convert_element_type3A, %cond3A : i32
    scf.if %cond3A_29 {
      %swap3A_34 = arith.constant 0 : index
      %swap3A_35 = arith.constant 0 : index
      %swap3A_36 = vector.load %arg7[%swap3A_34, %swap3A_35] : memref<1x64xf32, #tpu.memory_space<vmem>>, vector<1x64xf32>
      tpu.vector_store %arg7[%swap3A_34, %swap3A_35], %broadcast_in_dim3A {strides = array<i32>} : memref<1x64xf32, #tpu.memory_space<vmem>>, vector<1x64xf32>,
      %swap3A_37 = arith.constant 0 : index
      %swap3A_38 = arith.constant 0 : index
      %swap3A_39 = vector.load %arg8[%swap3A_37, %swap3A_38] : memref<1x64xf32, #tpu.memory_space<vmem>>, vector<1x64xf32>
      tpu.vector_store %arg8[%swap3A_37, %swap3A_38], %broadcast_in_dim3A_27 {strides = array<i32>} : memref<1x64xf32, #tpu.memory_space<vmem>>, vector<1x64xf32>,
    } else {
    }
    %ne3A = arith.constant 0 : i32
    %ne3A_30 = arith.cmpi ne, %arg0, %ne3A : i32
    %convert_element_type3A_31 = arith.extui %ne3A_30 : i1 to i32
    %cond3A_32 = arith.constant 0 : i32
    %cond3A_33 = arith.cmpi ne, %convert_element_type3A_31, %cond3A_32 : i32
    scf.if %cond3A_33 {
      %get3A_34 = arith.constant 0 : index
      %get3A_35 = arith.constant 0 : index
      %get3A_36 = vector.load %arg7[%get3A_34, %get3A_35] : memref<1x64xf32, #tpu.memory_space<vmem>>, vector<1x64xf32>
      %add3A_37 = arith.addf %get3A_36, %broadcast_in_dim3A : vector<1x64xf32>
      %swap3A_38 = arith.constant 0 : index
      %swap3A_39 = arith.constant 0 : index
      %swap3A_40 = vector.load %arg7[%swap3A_38, %swap3A_39] : memref<1x64xf32, #tpu.memory_space<vmem>>, vector<1x64xf32>
      tpu.vector_store %arg7[%swap3A_38, %swap3A_39], %add3A_37 {strides = array<i32>} : memref<1x64xf32, #tpu.memory_space<vmem>>, vector<1x64xf32>,
      %get3A_41 = arith.constant 0 : index
      %get3A_42 = arith.constant 0 : index
      %get3A_43 = vector.load %arg8[%get3A_41, %get3A_42] : memref<1x64xf32, #tpu.memory_space<vmem>>, vector<1x64xf32>
      %add3A_44 = arith.addf %get3A_43, %broadcast_in_dim3A_27 : vector<1x64xf32>
      %swap3A_45 = arith.constant 0 : index
      %swap3A_46 = arith.constant 0 : index
      %swap3A_47 = vector.load %arg8[%swap3A_45, %swap3A_46] : memref<1x64xf32, #tpu.memory_space<vmem>>, vector<1x64xf32>
      tpu.vector_store %arg8[%swap3A_45, %swap3A_46], %add3A_44 {strides = array<i32>} : memref<1x64xf32, #tpu.memory_space<vmem>>, vector<1x64xf32>,
    } else {
    }
    return
  }
  func.func @transform_0(%arg0: i32) -> (i32, i32) {
    %c0_i32 = arith.constant 0 : i32
    %c0_i32_0 = arith.constant 0 : i32
    return %arg0, %c0_i32 : i32, i32
  }
  func.func @transform_1(%arg0: i32) -> (i32, i32) {
    %c0_i32 = arith.constant 0 : i32
    %c0_i32_0 = arith.constant 0 : i32
    %c0_i32_1 = arith.constant 0 : i32
    return %c0_i32, %c0_i32_0 : i32, i32
  }
  func.func @transform_2(%arg0: i32) -> (i32, i32) {
    %c0_i32 = arith.constant 0 : i32
    %c0_i32_0 = arith.constant 0 : i32
    %c0_i32_1 = arith.constant 0 : i32
    return %c0_i32, %c0_i32_0 : i32, i32
  }
  func.func @transform_3(%arg0: i32) -> (i32, i32) {
    %c0_i32 = arith.constant 0 : i32
    %c0_i32_0 = arith.constant 0 : i32
    %c0_i32_1 = arith.constant 0 : i32
    return %c0_i32, %c0_i32_0 : i32, i32
  }
  func.func @transform_4(%arg0: i32) -> (i32, i32) {
    %c0_i32 = arith.constant 0 : i32
    %c0_i32_0 = arith.constant 0 : i32
    %c0_i32_1 = arith.constant 0 : i32
    return %c0_i32, %c0_i32_0 : i32, i32
  }
  func.func @transform_5(%arg0: i32) -> (i32, i32) {
    %c0_i32 = arith.constant 0 : i32
    %c0_i32_0 = arith.constant 0 : i32
    return %arg0, %c0_i32 : i32, i32
  }
  func.func @transform_6(%arg0: i32) -> (i32, i32) {
    %c0_i32 = arith.constant 0 : i32
    %c0_i32_0 = arith.constant 0 : i32
    %c0_i32_1 = arith.constant 0 : i32
    return %c0_i32, %c0_i32_0 : i32, i32
  }
  func.func @transform_7(%arg0: i32) -> (i32, i32) {
    %c0_i32 = arith.constant 0 : i32
    %c0_i32_0 = arith.constant 0 : i32
    %c0_i32_1 = arith.constant 0 : i32
    return %c0_i32, %c0_i32_0 : i32, i32
  }
}

module attributes {stable_mosaic.version = 14 : i64} {
  func.func @_layer_body(%arg0: i32, %arg1: memref<8192x64xf32, #tpu.memory_space<vmem>>, %arg2: memref<1x64xf32, #tpu.memory_space<vmem>>, %arg3: memref<1x64xf32, #tpu.memory_space<vmem>>, %arg4: memref<64x128xf32, #tpu.memory_space<vmem>>, %arg5: memref<1x128xf32, #tpu.memory_space<vmem>>, %arg6: memref<8192x128xf32, #tpu.memory_space<vmem>>, %arg7: memref<1x128xf32, #tpu.memory_space<vmem>>, %arg8: memref<1x128xf32, #tpu.memory_space<vmem>>) attributes {dimension_semantics = [#tpu.dimension_semantics<arbitrary>], iteration_bounds = array<i64: 8>, scalar_prefetch = 0 : i64, scratch_operands = 0 : i64, tpu.core_type = #tpu.core_type<tc>, window_params = [{transform_indices = @transform_0, window_bounds = array<i64: 8192, 64>}, {pipeline_mode = #tpu.pipeline_mode<synchronous>, transform_indices = @transform_1, window_bounds = array<i64: 1, 64>}, {pipeline_mode = #tpu.pipeline_mode<synchronous>, transform_indices = @transform_2, window_bounds = array<i64: 1, 64>}, {pipeline_mode = #tpu.pipeline_mode<synchronous>, transform_indices = @transform_3, window_bounds = array<i64: 64, 128>}, {pipeline_mode = #tpu.pipeline_mode<synchronous>, transform_indices = @transform_4, window_bounds = array<i64: 1, 128>}, {transform_indices = @transform_5, window_bounds = array<i64: 8192, 128>}, {pipeline_mode = #tpu.pipeline_mode<synchronous>, transform_indices = @transform_6, window_bounds = array<i64: 1, 128>}, {pipeline_mode = #tpu.pipeline_mode<synchronous>, transform_indices = @transform_7, window_bounds = array<i64: 1, 128>}]} {
    %get3A = arith.constant 0 : index
    %get3A_0 = arith.constant 0 : index
    %get3A_1 = vector.load %arg1[%get3A, %get3A_0] : memref<8192x64xf32, #tpu.memory_space<vmem>>, vector<8192x64xf32>
    %get3A_2 = arith.constant 0 : index
    %get3A_3 = arith.constant 0 : index
    %get3A_4 = vector.load %arg2[%get3A_2, %get3A_3] : memref<1x64xf32, #tpu.memory_space<vmem>>, vector<1x64xf32>
    %mul3A = vector.broadcast %get3A_4 : vector<1x64xf32> to vector<8192x64xf32>
    %mul3A_5 = arith.mulf %get3A_1, %mul3A : vector<8192x64xf32>
    %get3A_6 = arith.constant 0 : index
    %get3A_7 = arith.constant 0 : index
    %get3A_8 = vector.load %arg3[%get3A_6, %get3A_7] : memref<1x64xf32, #tpu.memory_space<vmem>>, vector<1x64xf32>
    %add3A = vector.broadcast %get3A_8 : vector<1x64xf32> to vector<8192x64xf32>
    %add3A_9 = arith.addf %mul3A_5, %add3A : vector<8192x64xf32>
    %max3A = arith.constant 0.000000e+00 : f32
    %max3A_10 = vector.broadcast %max3A : f32 to vector<8192x64xf32>
    %max3A_11 = arith.maximumf %add3A_9, %max3A_10 : vector<8192x64xf32>
    %get3A_12 = arith.constant 0 : index
    %get3A_13 = arith.constant 0 : index
    %get3A_14 = vector.load %arg4[%get3A_12, %get3A_13] : memref<64x128xf32, #tpu.memory_space<vmem>>, vector<64x128xf32>
    %dot_general3A = arith.constant dense<0.000000e+00> : vector<8192x128xf32>
    %dot_general3A_15 = tpu.matmul %max3A_11, %get3A_14, %dot_general3A {dimension_numbers = #tpu.dot_dimension_numbers<[1], [0], [0], [1], [0, 0, 1, 1], [], []>, transpose_lhs_hint = false} : vector<8192x64xf32>, vector<64x128xf32>, vector<8192x128xf32> -> vector<8192x128xf32>
    %get3A_16 = arith.constant 0 : index
    %get3A_17 = arith.constant 0 : index
    %get3A_18 = vector.load %arg5[%get3A_16, %get3A_17] : memref<1x128xf32, #tpu.memory_space<vmem>>, vector<1x128xf32>
    %add3A_19 = vector.broadcast %get3A_18 : vector<1x128xf32> to vector<8192x128xf32>
    %add3A_20 = arith.addf %dot_general3A_15, %add3A_19 : vector<8192x128xf32>
    %swap3A = arith.constant 0 : index
    %swap3A_21 = arith.constant 0 : index
    %swap3A_22 = vector.load %arg6[%swap3A, %swap3A_21] : memref<8192x128xf32, #tpu.memory_space<vmem>>, vector<8192x128xf32>
    tpu.vector_store %arg6[%swap3A, %swap3A_21], %add3A_20 {strides = array<i32>} : memref<8192x128xf32, #tpu.memory_space<vmem>>, vector<8192x128xf32>,
    %reduce_sum3A = arith.constant dense<0.000000e+00> : vector<128xf32>
    %reduce_sum3A_23 = vector.multi_reduction <add>, %add3A_20, %reduce_sum3A [0] : vector<8192x128xf32> to vector<128xf32>
    %broadcast_in_dim3A = vector.shape_cast %reduce_sum3A_23 : vector<128xf32> to vector<1x128xf32>
    %mul3A_24 = arith.mulf %add3A_20, %add3A_20 : vector<8192x128xf32>
    %reduce_sum3A_25 = arith.constant dense<0.000000e+00> : vector<128xf32>
    %reduce_sum3A_26 = vector.multi_reduction <add>, %mul3A_24, %reduce_sum3A_25 [0] : vector<8192x128xf32> to vector<128xf32>
    %broadcast_in_dim3A_27 = vector.shape_cast %reduce_sum3A_26 : vector<128xf32> to vector<1x128xf32>
    %eq3A = arith.constant 0 : i32
    %eq3A_28 = arith.cmpi eq, %arg0, %eq3A : i32
    %convert_element_type3A = arith.extui %eq3A_28 : i1 to i32
    %cond3A = arith.constant 0 : i32
    %cond3A_29 = arith.cmpi ne, %convert_element_type3A, %cond3A : i32
    scf.if %cond3A_29 {
      %swap3A_34 = arith.constant 0 : index
      %swap3A_35 = arith.constant 0 : index
      %swap3A_36 = vector.load %arg7[%swap3A_34, %swap3A_35] : memref<1x128xf32, #tpu.memory_space<vmem>>, vector<1x128xf32>
      tpu.vector_store %arg7[%swap3A_34, %swap3A_35], %broadcast_in_dim3A {strides = array<i32>} : memref<1x128xf32, #tpu.memory_space<vmem>>, vector<1x128xf32>,
      %swap3A_37 = arith.constant 0 : index
      %swap3A_38 = arith.constant 0 : index
      %swap3A_39 = vector.load %arg8[%swap3A_37, %swap3A_38] : memref<1x128xf32, #tpu.memory_space<vmem>>, vector<1x128xf32>
      tpu.vector_store %arg8[%swap3A_37, %swap3A_38], %broadcast_in_dim3A_27 {strides = array<i32>} : memref<1x128xf32, #tpu.memory_space<vmem>>, vector<1x128xf32>,
    } else {
    }
    %ne3A = arith.constant 0 : i32
    %ne3A_30 = arith.cmpi ne, %arg0, %ne3A : i32
    %convert_element_type3A_31 = arith.extui %ne3A_30 : i1 to i32
    %cond3A_32 = arith.constant 0 : i32
    %cond3A_33 = arith.cmpi ne, %convert_element_type3A_31, %cond3A_32 : i32
    scf.if %cond3A_33 {
      %get3A_34 = arith.constant 0 : index
      %get3A_35 = arith.constant 0 : index
      %get3A_36 = vector.load %arg7[%get3A_34, %get3A_35] : memref<1x128xf32, #tpu.memory_space<vmem>>, vector<1x128xf32>
      %add3A_37 = arith.addf %get3A_36, %broadcast_in_dim3A : vector<1x128xf32>
      %swap3A_38 = arith.constant 0 : index
      %swap3A_39 = arith.constant 0 : index
      %swap3A_40 = vector.load %arg7[%swap3A_38, %swap3A_39] : memref<1x128xf32, #tpu.memory_space<vmem>>, vector<1x128xf32>
      tpu.vector_store %arg7[%swap3A_38, %swap3A_39], %add3A_37 {strides = array<i32>} : memref<1x128xf32, #tpu.memory_space<vmem>>, vector<1x128xf32>,
      %get3A_41 = arith.constant 0 : index
      %get3A_42 = arith.constant 0 : index
      %get3A_43 = vector.load %arg8[%get3A_41, %get3A_42] : memref<1x128xf32, #tpu.memory_space<vmem>>, vector<1x128xf32>
      %add3A_44 = arith.addf %get3A_43, %broadcast_in_dim3A_27 : vector<1x128xf32>
      %swap3A_45 = arith.constant 0 : index
      %swap3A_46 = arith.constant 0 : index
      %swap3A_47 = vector.load %arg8[%swap3A_45, %swap3A_46] : memref<1x128xf32, #tpu.memory_space<vmem>>, vector<1x128xf32>
      tpu.vector_store %arg8[%swap3A_45, %swap3A_46], %add3A_44 {strides = array<i32>} : memref<1x128xf32, #tpu.memory_space<vmem>>, vector<1x128xf32>,
    } else {
    }
    return
  }
  func.func @transform_0(%arg0: i32) -> (i32, i32) {
    %c0_i32 = arith.constant 0 : i32
    %c0_i32_0 = arith.constant 0 : i32
    return %arg0, %c0_i32 : i32, i32
  }
  func.func @transform_1(%arg0: i32) -> (i32, i32) {
    %c0_i32 = arith.constant 0 : i32
    %c0_i32_0 = arith.constant 0 : i32
    %c0_i32_1 = arith.constant 0 : i32
    return %c0_i32, %c0_i32_0 : i32, i32
  }
  func.func @transform_2(%arg0: i32) -> (i32, i32) {
    %c0_i32 = arith.constant 0 : i32
    %c0_i32_0 = arith.constant 0 : i32
    %c0_i32_1 = arith.constant 0 : i32
    return %c0_i32, %c0_i32_0 : i32, i32
  }
  func.func @transform_3(%arg0: i32) -> (i32, i32) {
    %c0_i32 = arith.constant 0 : i32
    %c0_i32_0 = arith.constant 0 : i32
    %c0_i32_1 = arith.constant 0 : i32
    return %c0_i32, %c0_i32_0 : i32, i32
  }
  func.func @transform_4(%arg0: i32) -> (i32, i32) {
    %c0_i32 = arith.constant 0 : i32
    %c0_i32_0 = arith.constant 0 : i32
    %c0_i32_1 = arith.constant 0 : i32
    return %c0_i32, %c0_i32_0 : i32, i32
  }
  func.func @transform_5(%arg0: i32) -> (i32, i32) {
    %c0_i32 = arith.constant 0 : i32
    %c0_i32_0 = arith.constant 0 : i32
    return %arg0, %c0_i32 : i32, i32
  }
  func.func @transform_6(%arg0: i32) -> (i32, i32) {
    %c0_i32 = arith.constant 0 : i32
    %c0_i32_0 = arith.constant 0 : i32
    %c0_i32_1 = arith.constant 0 : i32
    return %c0_i32, %c0_i32_0 : i32, i32
  }
  func.func @transform_7(%arg0: i32) -> (i32, i32) {
    %c0_i32 = arith.constant 0 : i32
    %c0_i32_0 = arith.constant 0 : i32
    %c0_i32_1 = arith.constant 0 : i32
    return %c0_i32, %c0_i32_0 : i32, i32
  }
}

module attributes {stable_mosaic.version = 14 : i64} {
  func.func @_norm_max_body(%arg0: i32, %arg1: memref<512x32x128xf32, #tpu.memory_space<vmem>>, %arg2: memref<1x1x128xf32, #tpu.memory_space<vmem>>, %arg3: memref<1x1x128xf32, #tpu.memory_space<vmem>>, %arg4: memref<512x128xf32, #tpu.memory_space<vmem>>) attributes {dimension_semantics = [#tpu.dimension_semantics<arbitrary>], iteration_bounds = array<i64: 4>, scalar_prefetch = 0 : i64, scratch_operands = 0 : i64, tpu.core_type = #tpu.core_type<tc>, window_params = [{transform_indices = @transform_0, window_bounds = array<i64: 512, 32, 128>}, {pipeline_mode = #tpu.pipeline_mode<synchronous>, transform_indices = @transform_1, window_bounds = array<i64: 1, 1, 128>}, {pipeline_mode = #tpu.pipeline_mode<synchronous>, transform_indices = @transform_2, window_bounds = array<i64: 1, 1, 128>}, {transform_indices = @transform_3, window_bounds = array<i64: 512, 128>}]} {
    %get3A = arith.constant 0 : index
    %get3A_0 = arith.constant 0 : index
    %get3A_1 = arith.constant 0 : index
    %get3A_2 = vector.load %arg1[%get3A, %get3A_0, %get3A_1] : memref<512x32x128xf32, #tpu.memory_space<vmem>>, vector<512x32x128xf32>
    %get3A_3 = arith.constant 0 : index
    %get3A_4 = arith.constant 0 : index
    %get3A_5 = arith.constant 0 : index
    %get3A_6 = vector.load %arg2[%get3A_3, %get3A_4, %get3A_5] : memref<1x1x128xf32, #tpu.memory_space<vmem>>, vector<1x1x128xf32>
    %mul3A = vector.broadcast %get3A_6 : vector<1x1x128xf32> to vector<512x32x128xf32>
    %mul3A_7 = arith.mulf %get3A_2, %mul3A : vector<512x32x128xf32>
    %get3A_8 = arith.constant 0 : index
    %get3A_9 = arith.constant 0 : index
    %get3A_10 = arith.constant 0 : index
    %get3A_11 = vector.load %arg3[%get3A_8, %get3A_9, %get3A_10] : memref<1x1x128xf32, #tpu.memory_space<vmem>>, vector<1x1x128xf32>
    %add3A = vector.broadcast %get3A_11 : vector<1x1x128xf32> to vector<512x32x128xf32>
    %add3A_12 = arith.addf %mul3A_7, %add3A : vector<512x32x128xf32>
    %max3A = arith.constant 0.000000e+00 : f32
    %max3A_13 = vector.broadcast %max3A : f32 to vector<512x32x128xf32>
    %max3A_14 = arith.maximumf %add3A_12, %max3A_13 : vector<512x32x128xf32>
    %reduce_max3A = arith.constant dense<0xFF800000> : vector<512x128xf32>
    %reduce_max3A_15 = vector.multi_reduction <maximumf>, %max3A_14, %reduce_max3A [1] : vector<512x32x128xf32> to vector<512x128xf32>
    %swap3A = arith.constant 0 : index
    %swap3A_16 = arith.constant 0 : index
    %swap3A_17 = vector.load %arg4[%swap3A, %swap3A_16] : memref<512x128xf32, #tpu.memory_space<vmem>>, vector<512x128xf32>
    tpu.vector_store %arg4[%swap3A, %swap3A_16], %reduce_max3A_15 {strides = array<i32>} : memref<512x128xf32, #tpu.memory_space<vmem>>, vector<512x128xf32>,
    return
  }
  func.func @transform_0(%arg0: i32) -> (i32, i32, i32) {
    %c0_i32 = arith.constant 0 : i32
    %c0_i32_0 = arith.constant 0 : i32
    %c0_i32_1 = arith.constant 0 : i32
    return %arg0, %c0_i32, %c0_i32_0 : i32, i32, i32
  }
  func.func @transform_1(%arg0: i32) -> (i32, i32, i32) {
    %c0_i32 = arith.constant 0 : i32
    %c0_i32_0 = arith.constant 0 : i32
    %c0_i32_1 = arith.constant 0 : i32
    %c0_i32_2 = arith.constant 0 : i32
    return %c0_i32, %c0_i32_0, %c0_i32_1 : i32, i32, i32
  }
  func.func @transform_2(%arg0: i32) -> (i32, i32, i32) {
    %c0_i32 = arith.constant 0 : i32
    %c0_i32_0 = arith.constant 0 : i32
    %c0_i32_1 = arith.constant 0 : i32
    %c0_i32_2 = arith.constant 0 : i32
    return %c0_i32, %c0_i32_0, %c0_i32_1 : i32, i32, i32
  }
  func.func @transform_3(%arg0: i32) -> (i32, i32) {
    %c0_i32 = arith.constant 0 : i32
    %c0_i32_0 = arith.constant 0 : i32
    return %arg0, %c0_i32 : i32, i32
  }
}

module attributes {stable_mosaic.version = 14 : i64} {
  func.func @_layer_body(%arg0: i32, %arg1: memref<2048x131xf32, #tpu.memory_space<vmem>>, %arg2: memref<1x131xf32, #tpu.memory_space<vmem>>, %arg3: memref<1x131xf32, #tpu.memory_space<vmem>>, %arg4: memref<131x128xf32, #tpu.memory_space<vmem>>, %arg5: memref<1x128xf32, #tpu.memory_space<vmem>>, %arg6: memref<2048x128xf32, #tpu.memory_space<vmem>>, %arg7: memref<1x128xf32, #tpu.memory_space<vmem>>, %arg8: memref<1x128xf32, #tpu.memory_space<vmem>>) attributes {dimension_semantics = [#tpu.dimension_semantics<arbitrary>], iteration_bounds = array<i64: 8>, scalar_prefetch = 0 : i64, scratch_operands = 0 : i64, tpu.core_type = #tpu.core_type<tc>, window_params = [{transform_indices = @transform_0, window_bounds = array<i64: 2048, 131>}, {pipeline_mode = #tpu.pipeline_mode<synchronous>, transform_indices = @transform_1, window_bounds = array<i64: 1, 131>}, {pipeline_mode = #tpu.pipeline_mode<synchronous>, transform_indices = @transform_2, window_bounds = array<i64: 1, 131>}, {pipeline_mode = #tpu.pipeline_mode<synchronous>, transform_indices = @transform_3, window_bounds = array<i64: 131, 128>}, {pipeline_mode = #tpu.pipeline_mode<synchronous>, transform_indices = @transform_4, window_bounds = array<i64: 1, 128>}, {transform_indices = @transform_5, window_bounds = array<i64: 2048, 128>}, {pipeline_mode = #tpu.pipeline_mode<synchronous>, transform_indices = @transform_6, window_bounds = array<i64: 1, 128>}, {pipeline_mode = #tpu.pipeline_mode<synchronous>, transform_indices = @transform_7, window_bounds = array<i64: 1, 128>}]} {
    %get3A = arith.constant 0 : index
    %get3A_0 = arith.constant 0 : index
    %get3A_1 = vector.load %arg1[%get3A, %get3A_0] : memref<2048x131xf32, #tpu.memory_space<vmem>>, vector<2048x131xf32>
    %get3A_2 = arith.constant 0 : index
    %get3A_3 = arith.constant 0 : index
    %get3A_4 = vector.load %arg4[%get3A_2, %get3A_3] : memref<131x128xf32, #tpu.memory_space<vmem>>, vector<131x128xf32>
    %dot_general3A = arith.constant dense<0.000000e+00> : vector<2048x128xf32>
    %dot_general3A_5 = tpu.matmul %get3A_1, %get3A_4, %dot_general3A {dimension_numbers = #tpu.dot_dimension_numbers<[1], [0], [0], [1], [0, 0, 1, 1], [], []>, transpose_lhs_hint = false} : vector<2048x131xf32>, vector<131x128xf32>, vector<2048x128xf32> -> vector<2048x128xf32>
    %get3A_6 = arith.constant 0 : index
    %get3A_7 = arith.constant 0 : index
    %get3A_8 = vector.load %arg5[%get3A_6, %get3A_7] : memref<1x128xf32, #tpu.memory_space<vmem>>, vector<1x128xf32>
    %add3A = vector.broadcast %get3A_8 : vector<1x128xf32> to vector<2048x128xf32>
    %add3A_9 = arith.addf %dot_general3A_5, %add3A : vector<2048x128xf32>
    %swap3A = arith.constant 0 : index
    %swap3A_10 = arith.constant 0 : index
    %swap3A_11 = vector.load %arg6[%swap3A, %swap3A_10] : memref<2048x128xf32, #tpu.memory_space<vmem>>, vector<2048x128xf32>
    tpu.vector_store %arg6[%swap3A, %swap3A_10], %add3A_9 {strides = array<i32>} : memref<2048x128xf32, #tpu.memory_space<vmem>>, vector<2048x128xf32>,
    %reduce_sum3A = arith.constant dense<0.000000e+00> : vector<128xf32>
    %reduce_sum3A_12 = vector.multi_reduction <add>, %add3A_9, %reduce_sum3A [0] : vector<2048x128xf32> to vector<128xf32>
    %broadcast_in_dim3A = vector.shape_cast %reduce_sum3A_12 : vector<128xf32> to vector<1x128xf32>
    %mul3A = arith.mulf %add3A_9, %add3A_9 : vector<2048x128xf32>
    %reduce_sum3A_13 = arith.constant dense<0.000000e+00> : vector<128xf32>
    %reduce_sum3A_14 = vector.multi_reduction <add>, %mul3A, %reduce_sum3A_13 [0] : vector<2048x128xf32> to vector<128xf32>
    %broadcast_in_dim3A_15 = vector.shape_cast %reduce_sum3A_14 : vector<128xf32> to vector<1x128xf32>
    %eq3A = arith.constant 0 : i32
    %eq3A_16 = arith.cmpi eq, %arg0, %eq3A : i32
    %convert_element_type3A = arith.extui %eq3A_16 : i1 to i32
    %cond3A = arith.constant 0 : i32
    %cond3A_17 = arith.cmpi ne, %convert_element_type3A, %cond3A : i32
    scf.if %cond3A_17 {
      %swap3A_22 = arith.constant 0 : index
      %swap3A_23 = arith.constant 0 : index
      %swap3A_24 = vector.load %arg7[%swap3A_22, %swap3A_23] : memref<1x128xf32, #tpu.memory_space<vmem>>, vector<1x128xf32>
      tpu.vector_store %arg7[%swap3A_22, %swap3A_23], %broadcast_in_dim3A {strides = array<i32>} : memref<1x128xf32, #tpu.memory_space<vmem>>, vector<1x128xf32>,
      %swap3A_25 = arith.constant 0 : index
      %swap3A_26 = arith.constant 0 : index
      %swap3A_27 = vector.load %arg8[%swap3A_25, %swap3A_26] : memref<1x128xf32, #tpu.memory_space<vmem>>, vector<1x128xf32>
      tpu.vector_store %arg8[%swap3A_25, %swap3A_26], %broadcast_in_dim3A_15 {strides = array<i32>} : memref<1x128xf32, #tpu.memory_space<vmem>>, vector<1x128xf32>,
    } else {
    }
    %ne3A = arith.constant 0 : i32
    %ne3A_18 = arith.cmpi ne, %arg0, %ne3A : i32
    %convert_element_type3A_19 = arith.extui %ne3A_18 : i1 to i32
    %cond3A_20 = arith.constant 0 : i32
    %cond3A_21 = arith.cmpi ne, %convert_element_type3A_19, %cond3A_20 : i32
    scf.if %cond3A_21 {
      %get3A_22 = arith.constant 0 : index
      %get3A_23 = arith.constant 0 : index
      %get3A_24 = vector.load %arg7[%get3A_22, %get3A_23] : memref<1x128xf32, #tpu.memory_space<vmem>>, vector<1x128xf32>
      %add3A_25 = arith.addf %get3A_24, %broadcast_in_dim3A : vector<1x128xf32>
      %swap3A_26 = arith.constant 0 : index
      %swap3A_27 = arith.constant 0 : index
      %swap3A_28 = vector.load %arg7[%swap3A_26, %swap3A_27] : memref<1x128xf32, #tpu.memory_space<vmem>>, vector<1x128xf32>
      tpu.vector_store %arg7[%swap3A_26, %swap3A_27], %add3A_25 {strides = array<i32>} : memref<1x128xf32, #tpu.memory_space<vmem>>, vector<1x128xf32>,
      %get3A_29 = arith.constant 0 : index
      %get3A_30 = arith.constant 0 : index
      %get3A_31 = vector.load %arg8[%get3A_29, %get3A_30] : memref<1x128xf32, #tpu.memory_space<vmem>>, vector<1x128xf32>
      %add3A_32 = arith.addf %get3A_31, %broadcast_in_dim3A_15 : vector<1x128xf32>
      %swap3A_33 = arith.constant 0 : index
      %swap3A_34 = arith.constant 0 : index
      %swap3A_35 = vector.load %arg8[%swap3A_33, %swap3A_34] : memref<1x128xf32, #tpu.memory_space<vmem>>, vector<1x128xf32>
      tpu.vector_store %arg8[%swap3A_33, %swap3A_34], %add3A_32 {strides = array<i32>} : memref<1x128xf32, #tpu.memory_space<vmem>>, vector<1x128xf32>,
    } else {
    }
    return
  }
  func.func @transform_0(%arg0: i32) -> (i32, i32) {
    %c0_i32 = arith.constant 0 : i32
    %c0_i32_0 = arith.constant 0 : i32
    return %arg0, %c0_i32 : i32, i32
  }
  func.func @transform_1(%arg0: i32) -> (i32, i32) {
    %c0_i32 = arith.constant 0 : i32
    %c0_i32_0 = arith.constant 0 : i32
    %c0_i32_1 = arith.constant 0 : i32
    return %c0_i32, %c0_i32_0 : i32, i32
  }
  func.func @transform_2(%arg0: i32) -> (i32, i32) {
    %c0_i32 = arith.constant 0 : i32
    %c0_i32_0 = arith.constant 0 : i32
    %c0_i32_1 = arith.constant 0 : i32
    return %c0_i32, %c0_i32_0 : i32, i32
  }
  func.func @transform_3(%arg0: i32) -> (i32, i32) {
    %c0_i32 = arith.constant 0 : i32
    %c0_i32_0 = arith.constant 0 : i32
    %c0_i32_1 = arith.constant 0 : i32
    return %c0_i32, %c0_i32_0 : i32, i32
  }
  func.func @transform_4(%arg0: i32) -> (i32, i32) {
    %c0_i32 = arith.constant 0 : i32
    %c0_i32_0 = arith.constant 0 : i32
    %c0_i32_1 = arith.constant 0 : i32
    return %c0_i32, %c0_i32_0 : i32, i32
  }
  func.func @transform_5(%arg0: i32) -> (i32, i32) {
    %c0_i32 = arith.constant 0 : i32
    %c0_i32_0 = arith.constant 0 : i32
    return %arg0, %c0_i32 : i32, i32
  }
  func.func @transform_6(%arg0: i32) -> (i32, i32) {
    %c0_i32 = arith.constant 0 : i32
    %c0_i32_0 = arith.constant 0 : i32
    %c0_i32_1 = arith.constant 0 : i32
    return %c0_i32, %c0_i32_0 : i32, i32
  }
  func.func @transform_7(%arg0: i32) -> (i32, i32) {
    %c0_i32 = arith.constant 0 : i32
    %c0_i32_0 = arith.constant 0 : i32
    %c0_i32_1 = arith.constant 0 : i32
    return %c0_i32, %c0_i32_0 : i32, i32
  }
}

module attributes {stable_mosaic.version = 14 : i64} {
  func.func @_layer_body(%arg0: i32, %arg1: memref<8192x128xf32, #tpu.memory_space<vmem>>, %arg2: memref<1x128xf32, #tpu.memory_space<vmem>>, %arg3: memref<1x128xf32, #tpu.memory_space<vmem>>, %arg4: memref<128x128xf32, #tpu.memory_space<vmem>>, %arg5: memref<1x128xf32, #tpu.memory_space<vmem>>, %arg6: memref<8192x128xf32, #tpu.memory_space<vmem>>, %arg7: memref<1x128xf32, #tpu.memory_space<vmem>>, %arg8: memref<1x128xf32, #tpu.memory_space<vmem>>) attributes {dimension_semantics = [#tpu.dimension_semantics<arbitrary>], iteration_bounds = array<i64: 2>, scalar_prefetch = 0 : i64, scratch_operands = 0 : i64, tpu.core_type = #tpu.core_type<tc>, window_params = [{transform_indices = @transform_0, window_bounds = array<i64: 8192, 128>}, {pipeline_mode = #tpu.pipeline_mode<synchronous>, transform_indices = @transform_1, window_bounds = array<i64: 1, 128>}, {pipeline_mode = #tpu.pipeline_mode<synchronous>, transform_indices = @transform_2, window_bounds = array<i64: 1, 128>}, {pipeline_mode = #tpu.pipeline_mode<synchronous>, transform_indices = @transform_3, window_bounds = array<i64: 128, 128>}, {pipeline_mode = #tpu.pipeline_mode<synchronous>, transform_indices = @transform_4, window_bounds = array<i64: 1, 128>}, {transform_indices = @transform_5, window_bounds = array<i64: 8192, 128>}, {pipeline_mode = #tpu.pipeline_mode<synchronous>, transform_indices = @transform_6, window_bounds = array<i64: 1, 128>}, {pipeline_mode = #tpu.pipeline_mode<synchronous>, transform_indices = @transform_7, window_bounds = array<i64: 1, 128>}]} {
    %get3A = arith.constant 0 : index
    %get3A_0 = arith.constant 0 : index
    %get3A_1 = vector.load %arg1[%get3A, %get3A_0] : memref<8192x128xf32, #tpu.memory_space<vmem>>, vector<8192x128xf32>
    %get3A_2 = arith.constant 0 : index
    %get3A_3 = arith.constant 0 : index
    %get3A_4 = vector.load %arg2[%get3A_2, %get3A_3] : memref<1x128xf32, #tpu.memory_space<vmem>>, vector<1x128xf32>
    %mul3A = vector.broadcast %get3A_4 : vector<1x128xf32> to vector<8192x128xf32>
    %mul3A_5 = arith.mulf %get3A_1, %mul3A : vector<8192x128xf32>
    %get3A_6 = arith.constant 0 : index
    %get3A_7 = arith.constant 0 : index
    %get3A_8 = vector.load %arg3[%get3A_6, %get3A_7] : memref<1x128xf32, #tpu.memory_space<vmem>>, vector<1x128xf32>
    %add3A = vector.broadcast %get3A_8 : vector<1x128xf32> to vector<8192x128xf32>
    %add3A_9 = arith.addf %mul3A_5, %add3A : vector<8192x128xf32>
    %max3A = arith.constant 0.000000e+00 : f32
    %max3A_10 = vector.broadcast %max3A : f32 to vector<8192x128xf32>
    %max3A_11 = arith.maximumf %add3A_9, %max3A_10 : vector<8192x128xf32>
    %get3A_12 = arith.constant 0 : index
    %get3A_13 = arith.constant 0 : index
    %get3A_14 = vector.load %arg4[%get3A_12, %get3A_13] : memref<128x128xf32, #tpu.memory_space<vmem>>, vector<128x128xf32>
    %dot_general3A = arith.constant dense<0.000000e+00> : vector<8192x128xf32>
    %dot_general3A_15 = tpu.matmul %max3A_11, %get3A_14, %dot_general3A {dimension_numbers = #tpu.dot_dimension_numbers<[1], [0], [0], [1], [0, 0, 1, 1], [], []>, transpose_lhs_hint = false} : vector<8192x128xf32>, vector<128x128xf32>, vector<8192x128xf32> -> vector<8192x128xf32>
    %get3A_16 = arith.constant 0 : index
    %get3A_17 = arith.constant 0 : index
    %get3A_18 = vector.load %arg5[%get3A_16, %get3A_17] : memref<1x128xf32, #tpu.memory_space<vmem>>, vector<1x128xf32>
    %add3A_19 = vector.broadcast %get3A_18 : vector<1x128xf32> to vector<8192x128xf32>
    %add3A_20 = arith.addf %dot_general3A_15, %add3A_19 : vector<8192x128xf32>
    %swap3A = arith.constant 0 : index
    %swap3A_21 = arith.constant 0 : index
    %swap3A_22 = vector.load %arg6[%swap3A, %swap3A_21] : memref<8192x128xf32, #tpu.memory_space<vmem>>, vector<8192x128xf32>
    tpu.vector_store %arg6[%swap3A, %swap3A_21], %add3A_20 {strides = array<i32>} : memref<8192x128xf32, #tpu.memory_space<vmem>>, vector<8192x128xf32>,
    %reduce_sum3A = arith.constant dense<0.000000e+00> : vector<128xf32>
    %reduce_sum3A_23 = vector.multi_reduction <add>, %add3A_20, %reduce_sum3A [0] : vector<8192x128xf32> to vector<128xf32>
    %broadcast_in_dim3A = vector.shape_cast %reduce_sum3A_23 : vector<128xf32> to vector<1x128xf32>
    %mul3A_24 = arith.mulf %add3A_20, %add3A_20 : vector<8192x128xf32>
    %reduce_sum3A_25 = arith.constant dense<0.000000e+00> : vector<128xf32>
    %reduce_sum3A_26 = vector.multi_reduction <add>, %mul3A_24, %reduce_sum3A_25 [0] : vector<8192x128xf32> to vector<128xf32>
    %broadcast_in_dim3A_27 = vector.shape_cast %reduce_sum3A_26 : vector<128xf32> to vector<1x128xf32>
    %eq3A = arith.constant 0 : i32
    %eq3A_28 = arith.cmpi eq, %arg0, %eq3A : i32
    %convert_element_type3A = arith.extui %eq3A_28 : i1 to i32
    %cond3A = arith.constant 0 : i32
    %cond3A_29 = arith.cmpi ne, %convert_element_type3A, %cond3A : i32
    scf.if %cond3A_29 {
      %swap3A_34 = arith.constant 0 : index
      %swap3A_35 = arith.constant 0 : index
      %swap3A_36 = vector.load %arg7[%swap3A_34, %swap3A_35] : memref<1x128xf32, #tpu.memory_space<vmem>>, vector<1x128xf32>
      tpu.vector_store %arg7[%swap3A_34, %swap3A_35], %broadcast_in_dim3A {strides = array<i32>} : memref<1x128xf32, #tpu.memory_space<vmem>>, vector<1x128xf32>,
      %swap3A_37 = arith.constant 0 : index
      %swap3A_38 = arith.constant 0 : index
      %swap3A_39 = vector.load %arg8[%swap3A_37, %swap3A_38] : memref<1x128xf32, #tpu.memory_space<vmem>>, vector<1x128xf32>
      tpu.vector_store %arg8[%swap3A_37, %swap3A_38], %broadcast_in_dim3A_27 {strides = array<i32>} : memref<1x128xf32, #tpu.memory_space<vmem>>, vector<1x128xf32>,
    } else {
    }
    %ne3A = arith.constant 0 : i32
    %ne3A_30 = arith.cmpi ne, %arg0, %ne3A : i32
    %convert_element_type3A_31 = arith.extui %ne3A_30 : i1 to i32
    %cond3A_32 = arith.constant 0 : i32
    %cond3A_33 = arith.cmpi ne, %convert_element_type3A_31, %cond3A_32 : i32
    scf.if %cond3A_33 {
      %get3A_34 = arith.constant 0 : index
      %get3A_35 = arith.constant 0 : index
      %get3A_36 = vector.load %arg7[%get3A_34, %get3A_35] : memref<1x128xf32, #tpu.memory_space<vmem>>, vector<1x128xf32>
      %add3A_37 = arith.addf %get3A_36, %broadcast_in_dim3A : vector<1x128xf32>
      %swap3A_38 = arith.constant 0 : index
      %swap3A_39 = arith.constant 0 : index
      %swap3A_40 = vector.load %arg7[%swap3A_38, %swap3A_39] : memref<1x128xf32, #tpu.memory_space<vmem>>, vector<1x128xf32>
      tpu.vector_store %arg7[%swap3A_38, %swap3A_39], %add3A_37 {strides = array<i32>} : memref<1x128xf32, #tpu.memory_space<vmem>>, vector<1x128xf32>,
      %get3A_41 = arith.constant 0 : index
      %get3A_42 = arith.constant 0 : index
      %get3A_43 = vector.load %arg8[%get3A_41, %get3A_42] : memref<1x128xf32, #tpu.memory_space<vmem>>, vector<1x128xf32>
      %add3A_44 = arith.addf %get3A_43, %broadcast_in_dim3A_27 : vector<1x128xf32>
      %swap3A_45 = arith.constant 0 : index
      %swap3A_46 = arith.constant 0 : index
      %swap3A_47 = vector.load %arg8[%swap3A_45, %swap3A_46] : memref<1x128xf32, #tpu.memory_space<vmem>>, vector<1x128xf32>
      tpu.vector_store %arg8[%swap3A_45, %swap3A_46], %add3A_44 {strides = array<i32>} : memref<1x128xf32, #tpu.memory_space<vmem>>, vector<1x128xf32>,
    } else {
    }
    return
  }
  func.func @transform_0(%arg0: i32) -> (i32, i32) {
    %c0_i32 = arith.constant 0 : i32
    %c0_i32_0 = arith.constant 0 : i32
    return %arg0, %c0_i32 : i32, i32
  }
  func.func @transform_1(%arg0: i32) -> (i32, i32) {
    %c0_i32 = arith.constant 0 : i32
    %c0_i32_0 = arith.constant 0 : i32
    %c0_i32_1 = arith.constant 0 : i32
    return %c0_i32, %c0_i32_0 : i32, i32
  }
  func.func @transform_2(%arg0: i32) -> (i32, i32) {
    %c0_i32 = arith.constant 0 : i32
    %c0_i32_0 = arith.constant 0 : i32
    %c0_i32_1 = arith.constant 0 : i32
    return %c0_i32, %c0_i32_0 : i32, i32
  }
  func.func @transform_3(%arg0: i32) -> (i32, i32) {
    %c0_i32 = arith.constant 0 : i32
    %c0_i32_0 = arith.constant 0 : i32
    %c0_i32_1 = arith.constant 0 : i32
    return %c0_i32, %c0_i32_0 : i32, i32
  }
  func.func @transform_4(%arg0: i32) -> (i32, i32) {
    %c0_i32 = arith.constant 0 : i32
    %c0_i32_0 = arith.constant 0 : i32
    %c0_i32_1 = arith.constant 0 : i32
    return %c0_i32, %c0_i32_0 : i32, i32
  }
  func.func @transform_5(%arg0: i32) -> (i32, i32) {
    %c0_i32 = arith.constant 0 : i32
    %c0_i32_0 = arith.constant 0 : i32
    return %arg0, %c0_i32 : i32, i32
  }
  func.func @transform_6(%arg0: i32) -> (i32, i32) {
    %c0_i32 = arith.constant 0 : i32
    %c0_i32_0 = arith.constant 0 : i32
    %c0_i32_1 = arith.constant 0 : i32
    return %c0_i32, %c0_i32_0 : i32, i32
  }
  func.func @transform_7(%arg0: i32) -> (i32, i32) {
    %c0_i32 = arith.constant 0 : i32
    %c0_i32_0 = arith.constant 0 : i32
    %c0_i32_1 = arith.constant 0 : i32
    return %c0_i32, %c0_i32_0 : i32, i32
  }
}

module attributes {stable_mosaic.version = 14 : i64} {
  func.func @_layer_body(%arg0: i32, %arg1: memref<8192x128xf32, #tpu.memory_space<vmem>>, %arg2: memref<1x128xf32, #tpu.memory_space<vmem>>, %arg3: memref<1x128xf32, #tpu.memory_space<vmem>>, %arg4: memref<128x256xf32, #tpu.memory_space<vmem>>, %arg5: memref<1x256xf32, #tpu.memory_space<vmem>>, %arg6: memref<8192x256xf32, #tpu.memory_space<vmem>>, %arg7: memref<1x256xf32, #tpu.memory_space<vmem>>, %arg8: memref<1x256xf32, #tpu.memory_space<vmem>>) attributes {dimension_semantics = [#tpu.dimension_semantics<arbitrary>], iteration_bounds = array<i64: 2>, scalar_prefetch = 0 : i64, scratch_operands = 0 : i64, tpu.core_type = #tpu.core_type<tc>, window_params = [{transform_indices = @transform_0, window_bounds = array<i64: 8192, 128>}, {pipeline_mode = #tpu.pipeline_mode<synchronous>, transform_indices = @transform_1, window_bounds = array<i64: 1, 128>}, {pipeline_mode = #tpu.pipeline_mode<synchronous>, transform_indices = @transform_2, window_bounds = array<i64: 1, 128>}, {pipeline_mode = #tpu.pipeline_mode<synchronous>, transform_indices = @transform_3, window_bounds = array<i64: 128, 256>}, {pipeline_mode = #tpu.pipeline_mode<synchronous>, transform_indices = @transform_4, window_bounds = array<i64: 1, 256>}, {transform_indices = @transform_5, window_bounds = array<i64: 8192, 256>}, {pipeline_mode = #tpu.pipeline_mode<synchronous>, transform_indices = @transform_6, window_bounds = array<i64: 1, 256>}, {pipeline_mode = #tpu.pipeline_mode<synchronous>, transform_indices = @transform_7, window_bounds = array<i64: 1, 256>}]} {
    %get3A = arith.constant 0 : index
    %get3A_0 = arith.constant 0 : index
    %get3A_1 = vector.load %arg1[%get3A, %get3A_0] : memref<8192x128xf32, #tpu.memory_space<vmem>>, vector<8192x128xf32>
    %get3A_2 = arith.constant 0 : index
    %get3A_3 = arith.constant 0 : index
    %get3A_4 = vector.load %arg2[%get3A_2, %get3A_3] : memref<1x128xf32, #tpu.memory_space<vmem>>, vector<1x128xf32>
    %mul3A = vector.broadcast %get3A_4 : vector<1x128xf32> to vector<8192x128xf32>
    %mul3A_5 = arith.mulf %get3A_1, %mul3A : vector<8192x128xf32>
    %get3A_6 = arith.constant 0 : index
    %get3A_7 = arith.constant 0 : index
    %get3A_8 = vector.load %arg3[%get3A_6, %get3A_7] : memref<1x128xf32, #tpu.memory_space<vmem>>, vector<1x128xf32>
    %add3A = vector.broadcast %get3A_8 : vector<1x128xf32> to vector<8192x128xf32>
    %add3A_9 = arith.addf %mul3A_5, %add3A : vector<8192x128xf32>
    %max3A = arith.constant 0.000000e+00 : f32
    %max3A_10 = vector.broadcast %max3A : f32 to vector<8192x128xf32>
    %max3A_11 = arith.maximumf %add3A_9, %max3A_10 : vector<8192x128xf32>
    %get3A_12 = arith.constant 0 : index
    %get3A_13 = arith.constant 0 : index
    %get3A_14 = vector.load %arg4[%get3A_12, %get3A_13] : memref<128x256xf32, #tpu.memory_space<vmem>>, vector<128x256xf32>
    %dot_general3A = arith.constant dense<0.000000e+00> : vector<8192x256xf32>
    %dot_general3A_15 = tpu.matmul %max3A_11, %get3A_14, %dot_general3A {dimension_numbers = #tpu.dot_dimension_numbers<[1], [0], [0], [1], [0, 0, 1, 1], [], []>, transpose_lhs_hint = false} : vector<8192x128xf32>, vector<128x256xf32>, vector<8192x256xf32> -> vector<8192x256xf32>
    %get3A_16 = arith.constant 0 : index
    %get3A_17 = arith.constant 0 : index
    %get3A_18 = vector.load %arg5[%get3A_16, %get3A_17] : memref<1x256xf32, #tpu.memory_space<vmem>>, vector<1x256xf32>
    %add3A_19 = vector.broadcast %get3A_18 : vector<1x256xf32> to vector<8192x256xf32>
    %add3A_20 = arith.addf %dot_general3A_15, %add3A_19 : vector<8192x256xf32>
    %swap3A = arith.constant 0 : index
    %swap3A_21 = arith.constant 0 : index
    %swap3A_22 = vector.load %arg6[%swap3A, %swap3A_21] : memref<8192x256xf32, #tpu.memory_space<vmem>>, vector<8192x256xf32>
    tpu.vector_store %arg6[%swap3A, %swap3A_21], %add3A_20 {strides = array<i32>} : memref<8192x256xf32, #tpu.memory_space<vmem>>, vector<8192x256xf32>,
    %reduce_sum3A = arith.constant dense<0.000000e+00> : vector<256xf32>
    %reduce_sum3A_23 = vector.multi_reduction <add>, %add3A_20, %reduce_sum3A [0] : vector<8192x256xf32> to vector<256xf32>
    %broadcast_in_dim3A = vector.shape_cast %reduce_sum3A_23 : vector<256xf32> to vector<1x256xf32>
    %mul3A_24 = arith.mulf %add3A_20, %add3A_20 : vector<8192x256xf32>
    %reduce_sum3A_25 = arith.constant dense<0.000000e+00> : vector<256xf32>
    %reduce_sum3A_26 = vector.multi_reduction <add>, %mul3A_24, %reduce_sum3A_25 [0] : vector<8192x256xf32> to vector<256xf32>
    %broadcast_in_dim3A_27 = vector.shape_cast %reduce_sum3A_26 : vector<256xf32> to vector<1x256xf32>
    %eq3A = arith.constant 0 : i32
    %eq3A_28 = arith.cmpi eq, %arg0, %eq3A : i32
    %convert_element_type3A = arith.extui %eq3A_28 : i1 to i32
    %cond3A = arith.constant 0 : i32
    %cond3A_29 = arith.cmpi ne, %convert_element_type3A, %cond3A : i32
    scf.if %cond3A_29 {
      %swap3A_34 = arith.constant 0 : index
      %swap3A_35 = arith.constant 0 : index
      %swap3A_36 = vector.load %arg7[%swap3A_34, %swap3A_35] : memref<1x256xf32, #tpu.memory_space<vmem>>, vector<1x256xf32>
      tpu.vector_store %arg7[%swap3A_34, %swap3A_35], %broadcast_in_dim3A {strides = array<i32>} : memref<1x256xf32, #tpu.memory_space<vmem>>, vector<1x256xf32>,
      %swap3A_37 = arith.constant 0 : index
      %swap3A_38 = arith.constant 0 : index
      %swap3A_39 = vector.load %arg8[%swap3A_37, %swap3A_38] : memref<1x256xf32, #tpu.memory_space<vmem>>, vector<1x256xf32>
      tpu.vector_store %arg8[%swap3A_37, %swap3A_38], %broadcast_in_dim3A_27 {strides = array<i32>} : memref<1x256xf32, #tpu.memory_space<vmem>>, vector<1x256xf32>,
    } else {
    }
    %ne3A = arith.constant 0 : i32
    %ne3A_30 = arith.cmpi ne, %arg0, %ne3A : i32
    %convert_element_type3A_31 = arith.extui %ne3A_30 : i1 to i32
    %cond3A_32 = arith.constant 0 : i32
    %cond3A_33 = arith.cmpi ne, %convert_element_type3A_31, %cond3A_32 : i32
    scf.if %cond3A_33 {
      %get3A_34 = arith.constant 0 : index
      %get3A_35 = arith.constant 0 : index
      %get3A_36 = vector.load %arg7[%get3A_34, %get3A_35] : memref<1x256xf32, #tpu.memory_space<vmem>>, vector<1x256xf32>
      %add3A_37 = arith.addf %get3A_36, %broadcast_in_dim3A : vector<1x256xf32>
      %swap3A_38 = arith.constant 0 : index
      %swap3A_39 = arith.constant 0 : index
      %swap3A_40 = vector.load %arg7[%swap3A_38, %swap3A_39] : memref<1x256xf32, #tpu.memory_space<vmem>>, vector<1x256xf32>
      tpu.vector_store %arg7[%swap3A_38, %swap3A_39], %add3A_37 {strides = array<i32>} : memref<1x256xf32, #tpu.memory_space<vmem>>, vector<1x256xf32>,
      %get3A_41 = arith.constant 0 : index
      %get3A_42 = arith.constant 0 : index
      %get3A_43 = vector.load %arg8[%get3A_41, %get3A_42] : memref<1x256xf32, #tpu.memory_space<vmem>>, vector<1x256xf32>
      %add3A_44 = arith.addf %get3A_43, %broadcast_in_dim3A_27 : vector<1x256xf32>
      %swap3A_45 = arith.constant 0 : index
      %swap3A_46 = arith.constant 0 : index
      %swap3A_47 = vector.load %arg8[%swap3A_45, %swap3A_46] : memref<1x256xf32, #tpu.memory_space<vmem>>, vector<1x256xf32>
      tpu.vector_store %arg8[%swap3A_45, %swap3A_46], %add3A_44 {strides = array<i32>} : memref<1x256xf32, #tpu.memory_space<vmem>>, vector<1x256xf32>,
    } else {
    }
    return
  }
  func.func @transform_0(%arg0: i32) -> (i32, i32) {
    %c0_i32 = arith.constant 0 : i32
    %c0_i32_0 = arith.constant 0 : i32
    return %arg0, %c0_i32 : i32, i32
  }
  func.func @transform_1(%arg0: i32) -> (i32, i32) {
    %c0_i32 = arith.constant 0 : i32
    %c0_i32_0 = arith.constant 0 : i32
    %c0_i32_1 = arith.constant 0 : i32
    return %c0_i32, %c0_i32_0 : i32, i32
  }
  func.func @transform_2(%arg0: i32) -> (i32, i32) {
    %c0_i32 = arith.constant 0 : i32
    %c0_i32_0 = arith.constant 0 : i32
    %c0_i32_1 = arith.constant 0 : i32
    return %c0_i32, %c0_i32_0 : i32, i32
  }
  func.func @transform_3(%arg0: i32) -> (i32, i32) {
    %c0_i32 = arith.constant 0 : i32
    %c0_i32_0 = arith.constant 0 : i32
    %c0_i32_1 = arith.constant 0 : i32
    return %c0_i32, %c0_i32_0 : i32, i32
  }
  func.func @transform_4(%arg0: i32) -> (i32, i32) {
    %c0_i32 = arith.constant 0 : i32
    %c0_i32_0 = arith.constant 0 : i32
    %c0_i32_1 = arith.constant 0 : i32
    return %c0_i32, %c0_i32_0 : i32, i32
  }
  func.func @transform_5(%arg0: i32) -> (i32, i32) {
    %c0_i32 = arith.constant 0 : i32
    %c0_i32_0 = arith.constant 0 : i32
    return %arg0, %c0_i32 : i32, i32
  }
  func.func @transform_6(%arg0: i32) -> (i32, i32) {
    %c0_i32 = arith.constant 0 : i32
    %c0_i32_0 = arith.constant 0 : i32
    %c0_i32_1 = arith.constant 0 : i32
    return %c0_i32, %c0_i32_0 : i32, i32
  }
  func.func @transform_7(%arg0: i32) -> (i32, i32) {
    %c0_i32 = arith.constant 0 : i32
    %c0_i32_0 = arith.constant 0 : i32
    %c0_i32_1 = arith.constant 0 : i32
    return %c0_i32, %c0_i32_0 : i32, i32
  }
}

module attributes {stable_mosaic.version = 14 : i64} {
  func.func @_norm_max_body(%arg0: i32, %arg1: memref<512x32x256xf32, #tpu.memory_space<vmem>>, %arg2: memref<1x1x256xf32, #tpu.memory_space<vmem>>, %arg3: memref<1x1x256xf32, #tpu.memory_space<vmem>>, %arg4: memref<512x256xf32, #tpu.memory_space<vmem>>) attributes {dimension_semantics = [#tpu.dimension_semantics<arbitrary>], iteration_bounds = array<i64: 1>, scalar_prefetch = 0 : i64, scratch_operands = 0 : i64, tpu.core_type = #tpu.core_type<tc>, window_params = [{transform_indices = @transform_0, window_bounds = array<i64: 512, 32, 256>}, {pipeline_mode = #tpu.pipeline_mode<synchronous>, transform_indices = @transform_1, window_bounds = array<i64: 1, 1, 256>}, {pipeline_mode = #tpu.pipeline_mode<synchronous>, transform_indices = @transform_2, window_bounds = array<i64: 1, 1, 256>}, {transform_indices = @transform_3, window_bounds = array<i64: 512, 256>}]} {
    %get3A = arith.constant 0 : index
    %get3A_0 = arith.constant 0 : index
    %get3A_1 = arith.constant 0 : index
    %get3A_2 = vector.load %arg1[%get3A, %get3A_0, %get3A_1] : memref<512x32x256xf32, #tpu.memory_space<vmem>>, vector<512x32x256xf32>
    %get3A_3 = arith.constant 0 : index
    %get3A_4 = arith.constant 0 : index
    %get3A_5 = arith.constant 0 : index
    %get3A_6 = vector.load %arg2[%get3A_3, %get3A_4, %get3A_5] : memref<1x1x256xf32, #tpu.memory_space<vmem>>, vector<1x1x256xf32>
    %mul3A = vector.broadcast %get3A_6 : vector<1x1x256xf32> to vector<512x32x256xf32>
    %mul3A_7 = arith.mulf %get3A_2, %mul3A : vector<512x32x256xf32>
    %get3A_8 = arith.constant 0 : index
    %get3A_9 = arith.constant 0 : index
    %get3A_10 = arith.constant 0 : index
    %get3A_11 = vector.load %arg3[%get3A_8, %get3A_9, %get3A_10] : memref<1x1x256xf32, #tpu.memory_space<vmem>>, vector<1x1x256xf32>
    %add3A = vector.broadcast %get3A_11 : vector<1x1x256xf32> to vector<512x32x256xf32>
    %add3A_12 = arith.addf %mul3A_7, %add3A : vector<512x32x256xf32>
    %max3A = arith.constant 0.000000e+00 : f32
    %max3A_13 = vector.broadcast %max3A : f32 to vector<512x32x256xf32>
    %max3A_14 = arith.maximumf %add3A_12, %max3A_13 : vector<512x32x256xf32>
    %reduce_max3A = arith.constant dense<0xFF800000> : vector<512x256xf32>
    %reduce_max3A_15 = vector.multi_reduction <maximumf>, %max3A_14, %reduce_max3A [1] : vector<512x32x256xf32> to vector<512x256xf32>
    %swap3A = arith.constant 0 : index
    %swap3A_16 = arith.constant 0 : index
    %swap3A_17 = vector.load %arg4[%swap3A, %swap3A_16] : memref<512x256xf32, #tpu.memory_space<vmem>>, vector<512x256xf32>
    tpu.vector_store %arg4[%swap3A, %swap3A_16], %reduce_max3A_15 {strides = array<i32>} : memref<512x256xf32, #tpu.memory_space<vmem>>, vector<512x256xf32>,
    return
  }
  func.func @transform_0(%arg0: i32) -> (i32, i32, i32) {
    %c0_i32 = arith.constant 0 : i32
    %c0_i32_0 = arith.constant 0 : i32
    %c0_i32_1 = arith.constant 0 : i32
    return %arg0, %c0_i32, %c0_i32_0 : i32, i32, i32
  }
  func.func @transform_1(%arg0: i32) -> (i32, i32, i32) {
    %c0_i32 = arith.constant 0 : i32
    %c0_i32_0 = arith.constant 0 : i32
    %c0_i32_1 = arith.constant 0 : i32
    %c0_i32_2 = arith.constant 0 : i32
    return %c0_i32, %c0_i32_0, %c0_i32_1 : i32, i32, i32
  }
  func.func @transform_2(%arg0: i32) -> (i32, i32, i32) {
    %c0_i32 = arith.constant 0 : i32
    %c0_i32_0 = arith.constant 0 : i32
    %c0_i32_1 = arith.constant 0 : i32
    %c0_i32_2 = arith.constant 0 : i32
    return %c0_i32, %c0_i32_0, %c0_i32_1 : i32, i32, i32
  }
  func.func @transform_3(%arg0: i32) -> (i32, i32) {
    %c0_i32 = arith.constant 0 : i32
    %c0_i32_0 = arith.constant 0 : i32
    return %arg0, %c0_i32 : i32, i32
  }
}

module attributes {stable_mosaic.version = 14 : i64} {
  func.func @_layer_body(%arg0: i32, %arg1: memref<2048x259xf32, #tpu.memory_space<vmem>>, %arg2: memref<1x259xf32, #tpu.memory_space<vmem>>, %arg3: memref<1x259xf32, #tpu.memory_space<vmem>>, %arg4: memref<259x256xf32, #tpu.memory_space<vmem>>, %arg5: memref<1x256xf32, #tpu.memory_space<vmem>>, %arg6: memref<2048x256xf32, #tpu.memory_space<vmem>>, %arg7: memref<1x256xf32, #tpu.memory_space<vmem>>, %arg8: memref<1x256xf32, #tpu.memory_space<vmem>>) attributes {dimension_semantics = [#tpu.dimension_semantics<arbitrary>], iteration_bounds = array<i64: 2>, scalar_prefetch = 0 : i64, scratch_operands = 0 : i64, tpu.core_type = #tpu.core_type<tc>, window_params = [{transform_indices = @transform_0, window_bounds = array<i64: 2048, 259>}, {pipeline_mode = #tpu.pipeline_mode<synchronous>, transform_indices = @transform_1, window_bounds = array<i64: 1, 259>}, {pipeline_mode = #tpu.pipeline_mode<synchronous>, transform_indices = @transform_2, window_bounds = array<i64: 1, 259>}, {pipeline_mode = #tpu.pipeline_mode<synchronous>, transform_indices = @transform_3, window_bounds = array<i64: 259, 256>}, {pipeline_mode = #tpu.pipeline_mode<synchronous>, transform_indices = @transform_4, window_bounds = array<i64: 1, 256>}, {transform_indices = @transform_5, window_bounds = array<i64: 2048, 256>}, {pipeline_mode = #tpu.pipeline_mode<synchronous>, transform_indices = @transform_6, window_bounds = array<i64: 1, 256>}, {pipeline_mode = #tpu.pipeline_mode<synchronous>, transform_indices = @transform_7, window_bounds = array<i64: 1, 256>}]} {
    %get3A = arith.constant 0 : index
    %get3A_0 = arith.constant 0 : index
    %get3A_1 = vector.load %arg1[%get3A, %get3A_0] : memref<2048x259xf32, #tpu.memory_space<vmem>>, vector<2048x259xf32>
    %get3A_2 = arith.constant 0 : index
    %get3A_3 = arith.constant 0 : index
    %get3A_4 = vector.load %arg4[%get3A_2, %get3A_3] : memref<259x256xf32, #tpu.memory_space<vmem>>, vector<259x256xf32>
    %dot_general3A = arith.constant dense<0.000000e+00> : vector<2048x256xf32>
    %dot_general3A_5 = tpu.matmul %get3A_1, %get3A_4, %dot_general3A {dimension_numbers = #tpu.dot_dimension_numbers<[1], [0], [0], [1], [0, 0, 1, 1], [], []>, transpose_lhs_hint = false} : vector<2048x259xf32>, vector<259x256xf32>, vector<2048x256xf32> -> vector<2048x256xf32>
    %get3A_6 = arith.constant 0 : index
    %get3A_7 = arith.constant 0 : index
    %get3A_8 = vector.load %arg5[%get3A_6, %get3A_7] : memref<1x256xf32, #tpu.memory_space<vmem>>, vector<1x256xf32>
    %add3A = vector.broadcast %get3A_8 : vector<1x256xf32> to vector<2048x256xf32>
    %add3A_9 = arith.addf %dot_general3A_5, %add3A : vector<2048x256xf32>
    %swap3A = arith.constant 0 : index
    %swap3A_10 = arith.constant 0 : index
    %swap3A_11 = vector.load %arg6[%swap3A, %swap3A_10] : memref<2048x256xf32, #tpu.memory_space<vmem>>, vector<2048x256xf32>
    tpu.vector_store %arg6[%swap3A, %swap3A_10], %add3A_9 {strides = array<i32>} : memref<2048x256xf32, #tpu.memory_space<vmem>>, vector<2048x256xf32>,
    %reduce_sum3A = arith.constant dense<0.000000e+00> : vector<256xf32>
    %reduce_sum3A_12 = vector.multi_reduction <add>, %add3A_9, %reduce_sum3A [0] : vector<2048x256xf32> to vector<256xf32>
    %broadcast_in_dim3A = vector.shape_cast %reduce_sum3A_12 : vector<256xf32> to vector<1x256xf32>
    %mul3A = arith.mulf %add3A_9, %add3A_9 : vector<2048x256xf32>
    %reduce_sum3A_13 = arith.constant dense<0.000000e+00> : vector<256xf32>
    %reduce_sum3A_14 = vector.multi_reduction <add>, %mul3A, %reduce_sum3A_13 [0] : vector<2048x256xf32> to vector<256xf32>
    %broadcast_in_dim3A_15 = vector.shape_cast %reduce_sum3A_14 : vector<256xf32> to vector<1x256xf32>
    %eq3A = arith.constant 0 : i32
    %eq3A_16 = arith.cmpi eq, %arg0, %eq3A : i32
    %convert_element_type3A = arith.extui %eq3A_16 : i1 to i32
    %cond3A = arith.constant 0 : i32
    %cond3A_17 = arith.cmpi ne, %convert_element_type3A, %cond3A : i32
    scf.if %cond3A_17 {
      %swap3A_22 = arith.constant 0 : index
      %swap3A_23 = arith.constant 0 : index
      %swap3A_24 = vector.load %arg7[%swap3A_22, %swap3A_23] : memref<1x256xf32, #tpu.memory_space<vmem>>, vector<1x256xf32>
      tpu.vector_store %arg7[%swap3A_22, %swap3A_23], %broadcast_in_dim3A {strides = array<i32>} : memref<1x256xf32, #tpu.memory_space<vmem>>, vector<1x256xf32>,
      %swap3A_25 = arith.constant 0 : index
      %swap3A_26 = arith.constant 0 : index
      %swap3A_27 = vector.load %arg8[%swap3A_25, %swap3A_26] : memref<1x256xf32, #tpu.memory_space<vmem>>, vector<1x256xf32>
      tpu.vector_store %arg8[%swap3A_25, %swap3A_26], %broadcast_in_dim3A_15 {strides = array<i32>} : memref<1x256xf32, #tpu.memory_space<vmem>>, vector<1x256xf32>,
    } else {
    }
    %ne3A = arith.constant 0 : i32
    %ne3A_18 = arith.cmpi ne, %arg0, %ne3A : i32
    %convert_element_type3A_19 = arith.extui %ne3A_18 : i1 to i32
    %cond3A_20 = arith.constant 0 : i32
    %cond3A_21 = arith.cmpi ne, %convert_element_type3A_19, %cond3A_20 : i32
    scf.if %cond3A_21 {
      %get3A_22 = arith.constant 0 : index
      %get3A_23 = arith.constant 0 : index
      %get3A_24 = vector.load %arg7[%get3A_22, %get3A_23] : memref<1x256xf32, #tpu.memory_space<vmem>>, vector<1x256xf32>
      %add3A_25 = arith.addf %get3A_24, %broadcast_in_dim3A : vector<1x256xf32>
      %swap3A_26 = arith.constant 0 : index
      %swap3A_27 = arith.constant 0 : index
      %swap3A_28 = vector.load %arg7[%swap3A_26, %swap3A_27] : memref<1x256xf32, #tpu.memory_space<vmem>>, vector<1x256xf32>
      tpu.vector_store %arg7[%swap3A_26, %swap3A_27], %add3A_25 {strides = array<i32>} : memref<1x256xf32, #tpu.memory_space<vmem>>, vector<1x256xf32>,
      %get3A_29 = arith.constant 0 : index
      %get3A_30 = arith.constant 0 : index
      %get3A_31 = vector.load %arg8[%get3A_29, %get3A_30] : memref<1x256xf32, #tpu.memory_space<vmem>>, vector<1x256xf32>
      %add3A_32 = arith.addf %get3A_31, %broadcast_in_dim3A_15 : vector<1x256xf32>
      %swap3A_33 = arith.constant 0 : index
      %swap3A_34 = arith.constant 0 : index
      %swap3A_35 = vector.load %arg8[%swap3A_33, %swap3A_34] : memref<1x256xf32, #tpu.memory_space<vmem>>, vector<1x256xf32>
      tpu.vector_store %arg8[%swap3A_33, %swap3A_34], %add3A_32 {strides = array<i32>} : memref<1x256xf32, #tpu.memory_space<vmem>>, vector<1x256xf32>,
    } else {
    }
    return
  }
  func.func @transform_0(%arg0: i32) -> (i32, i32) {
    %c0_i32 = arith.constant 0 : i32
    %c0_i32_0 = arith.constant 0 : i32
    return %arg0, %c0_i32 : i32, i32
  }
  func.func @transform_1(%arg0: i32) -> (i32, i32) {
    %c0_i32 = arith.constant 0 : i32
    %c0_i32_0 = arith.constant 0 : i32
    %c0_i32_1 = arith.constant 0 : i32
    return %c0_i32, %c0_i32_0 : i32, i32
  }
  func.func @transform_2(%arg0: i32) -> (i32, i32) {
    %c0_i32 = arith.constant 0 : i32
    %c0_i32_0 = arith.constant 0 : i32
    %c0_i32_1 = arith.constant 0 : i32
    return %c0_i32, %c0_i32_0 : i32, i32
  }
  func.func @transform_3(%arg0: i32) -> (i32, i32) {
    %c0_i32 = arith.constant 0 : i32
    %c0_i32_0 = arith.constant 0 : i32
    %c0_i32_1 = arith.constant 0 : i32
    return %c0_i32, %c0_i32_0 : i32, i32
  }
  func.func @transform_4(%arg0: i32) -> (i32, i32) {
    %c0_i32 = arith.constant 0 : i32
    %c0_i32_0 = arith.constant 0 : i32
    %c0_i32_1 = arith.constant 0 : i32
    return %c0_i32, %c0_i32_0 : i32, i32
  }
  func.func @transform_5(%arg0: i32) -> (i32, i32) {
    %c0_i32 = arith.constant 0 : i32
    %c0_i32_0 = arith.constant 0 : i32
    return %arg0, %c0_i32 : i32, i32
  }
  func.func @transform_6(%arg0: i32) -> (i32, i32) {
    %c0_i32 = arith.constant 0 : i32
    %c0_i32_0 = arith.constant 0 : i32
    %c0_i32_1 = arith.constant 0 : i32
    return %c0_i32, %c0_i32_0 : i32, i32
  }
  func.func @transform_7(%arg0: i32) -> (i32, i32) {
    %c0_i32 = arith.constant 0 : i32
    %c0_i32_0 = arith.constant 0 : i32
    %c0_i32_1 = arith.constant 0 : i32
    return %c0_i32, %c0_i32_0 : i32, i32
  }
}

module attributes {stable_mosaic.version = 14 : i64} {
  func.func @_layer_body(%arg0: i32, %arg1: memref<2048x256xf32, #tpu.memory_space<vmem>>, %arg2: memref<1x256xf32, #tpu.memory_space<vmem>>, %arg3: memref<1x256xf32, #tpu.memory_space<vmem>>, %arg4: memref<256x256xf32, #tpu.memory_space<vmem>>, %arg5: memref<1x256xf32, #tpu.memory_space<vmem>>, %arg6: memref<2048x256xf32, #tpu.memory_space<vmem>>, %arg7: memref<1x256xf32, #tpu.memory_space<vmem>>, %arg8: memref<1x256xf32, #tpu.memory_space<vmem>>) attributes {dimension_semantics = [#tpu.dimension_semantics<arbitrary>], iteration_bounds = array<i64: 2>, scalar_prefetch = 0 : i64, scratch_operands = 0 : i64, tpu.core_type = #tpu.core_type<tc>, window_params = [{transform_indices = @transform_0, window_bounds = array<i64: 2048, 256>}, {pipeline_mode = #tpu.pipeline_mode<synchronous>, transform_indices = @transform_1, window_bounds = array<i64: 1, 256>}, {pipeline_mode = #tpu.pipeline_mode<synchronous>, transform_indices = @transform_2, window_bounds = array<i64: 1, 256>}, {pipeline_mode = #tpu.pipeline_mode<synchronous>, transform_indices = @transform_3, window_bounds = array<i64: 256, 256>}, {pipeline_mode = #tpu.pipeline_mode<synchronous>, transform_indices = @transform_4, window_bounds = array<i64: 1, 256>}, {transform_indices = @transform_5, window_bounds = array<i64: 2048, 256>}, {pipeline_mode = #tpu.pipeline_mode<synchronous>, transform_indices = @transform_6, window_bounds = array<i64: 1, 256>}, {pipeline_mode = #tpu.pipeline_mode<synchronous>, transform_indices = @transform_7, window_bounds = array<i64: 1, 256>}]} {
    %get3A = arith.constant 0 : index
    %get3A_0 = arith.constant 0 : index
    %get3A_1 = vector.load %arg1[%get3A, %get3A_0] : memref<2048x256xf32, #tpu.memory_space<vmem>>, vector<2048x256xf32>
    %get3A_2 = arith.constant 0 : index
    %get3A_3 = arith.constant 0 : index
    %get3A_4 = vector.load %arg2[%get3A_2, %get3A_3] : memref<1x256xf32, #tpu.memory_space<vmem>>, vector<1x256xf32>
    %mul3A = vector.broadcast %get3A_4 : vector<1x256xf32> to vector<2048x256xf32>
    %mul3A_5 = arith.mulf %get3A_1, %mul3A : vector<2048x256xf32>
    %get3A_6 = arith.constant 0 : index
    %get3A_7 = arith.constant 0 : index
    %get3A_8 = vector.load %arg3[%get3A_6, %get3A_7] : memref<1x256xf32, #tpu.memory_space<vmem>>, vector<1x256xf32>
    %add3A = vector.broadcast %get3A_8 : vector<1x256xf32> to vector<2048x256xf32>
    %add3A_9 = arith.addf %mul3A_5, %add3A : vector<2048x256xf32>
    %max3A = arith.constant 0.000000e+00 : f32
    %max3A_10 = vector.broadcast %max3A : f32 to vector<2048x256xf32>
    %max3A_11 = arith.maximumf %add3A_9, %max3A_10 : vector<2048x256xf32>
    %get3A_12 = arith.constant 0 : index
    %get3A_13 = arith.constant 0 : index
    %get3A_14 = vector.load %arg4[%get3A_12, %get3A_13] : memref<256x256xf32, #tpu.memory_space<vmem>>, vector<256x256xf32>
    %dot_general3A = arith.constant dense<0.000000e+00> : vector<2048x256xf32>
    %dot_general3A_15 = tpu.matmul %max3A_11, %get3A_14, %dot_general3A {dimension_numbers = #tpu.dot_dimension_numbers<[1], [0], [0], [1], [0, 0, 1, 1], [], []>, transpose_lhs_hint = false} : vector<2048x256xf32>, vector<256x256xf32>, vector<2048x256xf32> -> vector<2048x256xf32>
    %get3A_16 = arith.constant 0 : index
    %get3A_17 = arith.constant 0 : index
    %get3A_18 = vector.load %arg5[%get3A_16, %get3A_17] : memref<1x256xf32, #tpu.memory_space<vmem>>, vector<1x256xf32>
    %add3A_19 = vector.broadcast %get3A_18 : vector<1x256xf32> to vector<2048x256xf32>
    %add3A_20 = arith.addf %dot_general3A_15, %add3A_19 : vector<2048x256xf32>
    %swap3A = arith.constant 0 : index
    %swap3A_21 = arith.constant 0 : index
    %swap3A_22 = vector.load %arg6[%swap3A, %swap3A_21] : memref<2048x256xf32, #tpu.memory_space<vmem>>, vector<2048x256xf32>
    tpu.vector_store %arg6[%swap3A, %swap3A_21], %add3A_20 {strides = array<i32>} : memref<2048x256xf32, #tpu.memory_space<vmem>>, vector<2048x256xf32>,
    %reduce_sum3A = arith.constant dense<0.000000e+00> : vector<256xf32>
    %reduce_sum3A_23 = vector.multi_reduction <add>, %add3A_20, %reduce_sum3A [0] : vector<2048x256xf32> to vector<256xf32>
    %broadcast_in_dim3A = vector.shape_cast %reduce_sum3A_23 : vector<256xf32> to vector<1x256xf32>
    %mul3A_24 = arith.mulf %add3A_20, %add3A_20 : vector<2048x256xf32>
    %reduce_sum3A_25 = arith.constant dense<0.000000e+00> : vector<256xf32>
    %reduce_sum3A_26 = vector.multi_reduction <add>, %mul3A_24, %reduce_sum3A_25 [0] : vector<2048x256xf32> to vector<256xf32>
    %broadcast_in_dim3A_27 = vector.shape_cast %reduce_sum3A_26 : vector<256xf32> to vector<1x256xf32>
    %eq3A = arith.constant 0 : i32
    %eq3A_28 = arith.cmpi eq, %arg0, %eq3A : i32
    %convert_element_type3A = arith.extui %eq3A_28 : i1 to i32
    %cond3A = arith.constant 0 : i32
    %cond3A_29 = arith.cmpi ne, %convert_element_type3A, %cond3A : i32
    scf.if %cond3A_29 {
      %swap3A_34 = arith.constant 0 : index
      %swap3A_35 = arith.constant 0 : index
      %swap3A_36 = vector.load %arg7[%swap3A_34, %swap3A_35] : memref<1x256xf32, #tpu.memory_space<vmem>>, vector<1x256xf32>
      tpu.vector_store %arg7[%swap3A_34, %swap3A_35], %broadcast_in_dim3A {strides = array<i32>} : memref<1x256xf32, #tpu.memory_space<vmem>>, vector<1x256xf32>,
      %swap3A_37 = arith.constant 0 : index
      %swap3A_38 = arith.constant 0 : index
      %swap3A_39 = vector.load %arg8[%swap3A_37, %swap3A_38] : memref<1x256xf32, #tpu.memory_space<vmem>>, vector<1x256xf32>
      tpu.vector_store %arg8[%swap3A_37, %swap3A_38], %broadcast_in_dim3A_27 {strides = array<i32>} : memref<1x256xf32, #tpu.memory_space<vmem>>, vector<1x256xf32>,
    } else {
    }
    %ne3A = arith.constant 0 : i32
    %ne3A_30 = arith.cmpi ne, %arg0, %ne3A : i32
    %convert_element_type3A_31 = arith.extui %ne3A_30 : i1 to i32
    %cond3A_32 = arith.constant 0 : i32
    %cond3A_33 = arith.cmpi ne, %convert_element_type3A_31, %cond3A_32 : i32
    scf.if %cond3A_33 {
      %get3A_34 = arith.constant 0 : index
      %get3A_35 = arith.constant 0 : index
      %get3A_36 = vector.load %arg7[%get3A_34, %get3A_35] : memref<1x256xf32, #tpu.memory_space<vmem>>, vector<1x256xf32>
      %add3A_37 = arith.addf %get3A_36, %broadcast_in_dim3A : vector<1x256xf32>
      %swap3A_38 = arith.constant 0 : index
      %swap3A_39 = arith.constant 0 : index
      %swap3A_40 = vector.load %arg7[%swap3A_38, %swap3A_39] : memref<1x256xf32, #tpu.memory_space<vmem>>, vector<1x256xf32>
      tpu.vector_store %arg7[%swap3A_38, %swap3A_39], %add3A_37 {strides = array<i32>} : memref<1x256xf32, #tpu.memory_space<vmem>>, vector<1x256xf32>,
      %get3A_41 = arith.constant 0 : index
      %get3A_42 = arith.constant 0 : index
      %get3A_43 = vector.load %arg8[%get3A_41, %get3A_42] : memref<1x256xf32, #tpu.memory_space<vmem>>, vector<1x256xf32>
      %add3A_44 = arith.addf %get3A_43, %broadcast_in_dim3A_27 : vector<1x256xf32>
      %swap3A_45 = arith.constant 0 : index
      %swap3A_46 = arith.constant 0 : index
      %swap3A_47 = vector.load %arg8[%swap3A_45, %swap3A_46] : memref<1x256xf32, #tpu.memory_space<vmem>>, vector<1x256xf32>
      tpu.vector_store %arg8[%swap3A_45, %swap3A_46], %add3A_44 {strides = array<i32>} : memref<1x256xf32, #tpu.memory_space<vmem>>, vector<1x256xf32>,
    } else {
    }
    return
  }
  func.func @transform_0(%arg0: i32) -> (i32, i32) {
    %c0_i32 = arith.constant 0 : i32
    %c0_i32_0 = arith.constant 0 : i32
    return %arg0, %c0_i32 : i32, i32
  }
  func.func @transform_1(%arg0: i32) -> (i32, i32) {
    %c0_i32 = arith.constant 0 : i32
    %c0_i32_0 = arith.constant 0 : i32
    %c0_i32_1 = arith.constant 0 : i32
    return %c0_i32, %c0_i32_0 : i32, i32
  }
  func.func @transform_2(%arg0: i32) -> (i32, i32) {
    %c0_i32 = arith.constant 0 : i32
    %c0_i32_0 = arith.constant 0 : i32
    %c0_i32_1 = arith.constant 0 : i32
    return %c0_i32, %c0_i32_0 : i32, i32
  }
  func.func @transform_3(%arg0: i32) -> (i32, i32) {
    %c0_i32 = arith.constant 0 : i32
    %c0_i32_0 = arith.constant 0 : i32
    %c0_i32_1 = arith.constant 0 : i32
    return %c0_i32, %c0_i32_0 : i32, i32
  }
  func.func @transform_4(%arg0: i32) -> (i32, i32) {
    %c0_i32 = arith.constant 0 : i32
    %c0_i32_0 = arith.constant 0 : i32
    %c0_i32_1 = arith.constant 0 : i32
    return %c0_i32, %c0_i32_0 : i32, i32
  }
  func.func @transform_5(%arg0: i32) -> (i32, i32) {
    %c0_i32 = arith.constant 0 : i32
    %c0_i32_0 = arith.constant 0 : i32
    return %arg0, %c0_i32 : i32, i32
  }
  func.func @transform_6(%arg0: i32) -> (i32, i32) {
    %c0_i32 = arith.constant 0 : i32
    %c0_i32_0 = arith.constant 0 : i32
    %c0_i32_1 = arith.constant 0 : i32
    return %c0_i32, %c0_i32_0 : i32, i32
  }
  func.func @transform_7(%arg0: i32) -> (i32, i32) {
    %c0_i32 = arith.constant 0 : i32
    %c0_i32_0 = arith.constant 0 : i32
    %c0_i32_1 = arith.constant 0 : i32
    return %c0_i32, %c0_i32_0 : i32, i32
  }
}

module attributes {stable_mosaic.version = 14 : i64} {
  func.func @_layer_body(%arg0: i32, %arg1: memref<2048x256xf32, #tpu.memory_space<vmem>>, %arg2: memref<1x256xf32, #tpu.memory_space<vmem>>, %arg3: memref<1x256xf32, #tpu.memory_space<vmem>>, %arg4: memref<256x512xf32, #tpu.memory_space<vmem>>, %arg5: memref<1x512xf32, #tpu.memory_space<vmem>>, %arg6: memref<2048x512xf32, #tpu.memory_space<vmem>>, %arg7: memref<1x512xf32, #tpu.memory_space<vmem>>, %arg8: memref<1x512xf32, #tpu.memory_space<vmem>>) attributes {dimension_semantics = [#tpu.dimension_semantics<arbitrary>], iteration_bounds = array<i64: 2>, scalar_prefetch = 0 : i64, scratch_operands = 0 : i64, tpu.core_type = #tpu.core_type<tc>, window_params = [{transform_indices = @transform_0, window_bounds = array<i64: 2048, 256>}, {pipeline_mode = #tpu.pipeline_mode<synchronous>, transform_indices = @transform_1, window_bounds = array<i64: 1, 256>}, {pipeline_mode = #tpu.pipeline_mode<synchronous>, transform_indices = @transform_2, window_bounds = array<i64: 1, 256>}, {pipeline_mode = #tpu.pipeline_mode<synchronous>, transform_indices = @transform_3, window_bounds = array<i64: 256, 512>}, {pipeline_mode = #tpu.pipeline_mode<synchronous>, transform_indices = @transform_4, window_bounds = array<i64: 1, 512>}, {transform_indices = @transform_5, window_bounds = array<i64: 2048, 512>}, {pipeline_mode = #tpu.pipeline_mode<synchronous>, transform_indices = @transform_6, window_bounds = array<i64: 1, 512>}, {pipeline_mode = #tpu.pipeline_mode<synchronous>, transform_indices = @transform_7, window_bounds = array<i64: 1, 512>}]} {
    %get3A = arith.constant 0 : index
    %get3A_0 = arith.constant 0 : index
    %get3A_1 = vector.load %arg1[%get3A, %get3A_0] : memref<2048x256xf32, #tpu.memory_space<vmem>>, vector<2048x256xf32>
    %get3A_2 = arith.constant 0 : index
    %get3A_3 = arith.constant 0 : index
    %get3A_4 = vector.load %arg2[%get3A_2, %get3A_3] : memref<1x256xf32, #tpu.memory_space<vmem>>, vector<1x256xf32>
    %mul3A = vector.broadcast %get3A_4 : vector<1x256xf32> to vector<2048x256xf32>
    %mul3A_5 = arith.mulf %get3A_1, %mul3A : vector<2048x256xf32>
    %get3A_6 = arith.constant 0 : index
    %get3A_7 = arith.constant 0 : index
    %get3A_8 = vector.load %arg3[%get3A_6, %get3A_7] : memref<1x256xf32, #tpu.memory_space<vmem>>, vector<1x256xf32>
    %add3A = vector.broadcast %get3A_8 : vector<1x256xf32> to vector<2048x256xf32>
    %add3A_9 = arith.addf %mul3A_5, %add3A : vector<2048x256xf32>
    %max3A = arith.constant 0.000000e+00 : f32
    %max3A_10 = vector.broadcast %max3A : f32 to vector<2048x256xf32>
    %max3A_11 = arith.maximumf %add3A_9, %max3A_10 : vector<2048x256xf32>
    %get3A_12 = arith.constant 0 : index
    %get3A_13 = arith.constant 0 : index
    %get3A_14 = vector.load %arg4[%get3A_12, %get3A_13] : memref<256x512xf32, #tpu.memory_space<vmem>>, vector<256x512xf32>
    %dot_general3A = arith.constant dense<0.000000e+00> : vector<2048x512xf32>
    %dot_general3A_15 = tpu.matmul %max3A_11, %get3A_14, %dot_general3A {dimension_numbers = #tpu.dot_dimension_numbers<[1], [0], [0], [1], [0, 0, 1, 1], [], []>, transpose_lhs_hint = false} : vector<2048x256xf32>, vector<256x512xf32>, vector<2048x512xf32> -> vector<2048x512xf32>
    %get3A_16 = arith.constant 0 : index
    %get3A_17 = arith.constant 0 : index
    %get3A_18 = vector.load %arg5[%get3A_16, %get3A_17] : memref<1x512xf32, #tpu.memory_space<vmem>>, vector<1x512xf32>
    %add3A_19 = vector.broadcast %get3A_18 : vector<1x512xf32> to vector<2048x512xf32>
    %add3A_20 = arith.addf %dot_general3A_15, %add3A_19 : vector<2048x512xf32>
    %swap3A = arith.constant 0 : index
    %swap3A_21 = arith.constant 0 : index
    %swap3A_22 = vector.load %arg6[%swap3A, %swap3A_21] : memref<2048x512xf32, #tpu.memory_space<vmem>>, vector<2048x512xf32>
    tpu.vector_store %arg6[%swap3A, %swap3A_21], %add3A_20 {strides = array<i32>} : memref<2048x512xf32, #tpu.memory_space<vmem>>, vector<2048x512xf32>,
    %reduce_sum3A = arith.constant dense<0.000000e+00> : vector<512xf32>
    %reduce_sum3A_23 = vector.multi_reduction <add>, %add3A_20, %reduce_sum3A [0] : vector<2048x512xf32> to vector<512xf32>
    %broadcast_in_dim3A = vector.shape_cast %reduce_sum3A_23 : vector<512xf32> to vector<1x512xf32>
    %mul3A_24 = arith.mulf %add3A_20, %add3A_20 : vector<2048x512xf32>
    %reduce_sum3A_25 = arith.constant dense<0.000000e+00> : vector<512xf32>
    %reduce_sum3A_26 = vector.multi_reduction <add>, %mul3A_24, %reduce_sum3A_25 [0] : vector<2048x512xf32> to vector<512xf32>
    %broadcast_in_dim3A_27 = vector.shape_cast %reduce_sum3A_26 : vector<512xf32> to vector<1x512xf32>
    %eq3A = arith.constant 0 : i32
    %eq3A_28 = arith.cmpi eq, %arg0, %eq3A : i32
    %convert_element_type3A = arith.extui %eq3A_28 : i1 to i32
    %cond3A = arith.constant 0 : i32
    %cond3A_29 = arith.cmpi ne, %convert_element_type3A, %cond3A : i32
    scf.if %cond3A_29 {
      %swap3A_34 = arith.constant 0 : index
      %swap3A_35 = arith.constant 0 : index
      %swap3A_36 = vector.load %arg7[%swap3A_34, %swap3A_35] : memref<1x512xf32, #tpu.memory_space<vmem>>, vector<1x512xf32>
      tpu.vector_store %arg7[%swap3A_34, %swap3A_35], %broadcast_in_dim3A {strides = array<i32>} : memref<1x512xf32, #tpu.memory_space<vmem>>, vector<1x512xf32>,
      %swap3A_37 = arith.constant 0 : index
      %swap3A_38 = arith.constant 0 : index
      %swap3A_39 = vector.load %arg8[%swap3A_37, %swap3A_38] : memref<1x512xf32, #tpu.memory_space<vmem>>, vector<1x512xf32>
      tpu.vector_store %arg8[%swap3A_37, %swap3A_38], %broadcast_in_dim3A_27 {strides = array<i32>} : memref<1x512xf32, #tpu.memory_space<vmem>>, vector<1x512xf32>,
    } else {
    }
    %ne3A = arith.constant 0 : i32
    %ne3A_30 = arith.cmpi ne, %arg0, %ne3A : i32
    %convert_element_type3A_31 = arith.extui %ne3A_30 : i1 to i32
    %cond3A_32 = arith.constant 0 : i32
    %cond3A_33 = arith.cmpi ne, %convert_element_type3A_31, %cond3A_32 : i32
    scf.if %cond3A_33 {
      %get3A_34 = arith.constant 0 : index
      %get3A_35 = arith.constant 0 : index
      %get3A_36 = vector.load %arg7[%get3A_34, %get3A_35] : memref<1x512xf32, #tpu.memory_space<vmem>>, vector<1x512xf32>
      %add3A_37 = arith.addf %get3A_36, %broadcast_in_dim3A : vector<1x512xf32>
      %swap3A_38 = arith.constant 0 : index
      %swap3A_39 = arith.constant 0 : index
      %swap3A_40 = vector.load %arg7[%swap3A_38, %swap3A_39] : memref<1x512xf32, #tpu.memory_space<vmem>>, vector<1x512xf32>
      tpu.vector_store %arg7[%swap3A_38, %swap3A_39], %add3A_37 {strides = array<i32>} : memref<1x512xf32, #tpu.memory_space<vmem>>, vector<1x512xf32>,
      %get3A_41 = arith.constant 0 : index
      %get3A_42 = arith.constant 0 : index
      %get3A_43 = vector.load %arg8[%get3A_41, %get3A_42] : memref<1x512xf32, #tpu.memory_space<vmem>>, vector<1x512xf32>
      %add3A_44 = arith.addf %get3A_43, %broadcast_in_dim3A_27 : vector<1x512xf32>
      %swap3A_45 = arith.constant 0 : index
      %swap3A_46 = arith.constant 0 : index
      %swap3A_47 = vector.load %arg8[%swap3A_45, %swap3A_46] : memref<1x512xf32, #tpu.memory_space<vmem>>, vector<1x512xf32>
      tpu.vector_store %arg8[%swap3A_45, %swap3A_46], %add3A_44 {strides = array<i32>} : memref<1x512xf32, #tpu.memory_space<vmem>>, vector<1x512xf32>,
    } else {
    }
    return
  }
  func.func @transform_0(%arg0: i32) -> (i32, i32) {
    %c0_i32 = arith.constant 0 : i32
    %c0_i32_0 = arith.constant 0 : i32
    return %arg0, %c0_i32 : i32, i32
  }
  func.func @transform_1(%arg0: i32) -> (i32, i32) {
    %c0_i32 = arith.constant 0 : i32
    %c0_i32_0 = arith.constant 0 : i32
    %c0_i32_1 = arith.constant 0 : i32
    return %c0_i32, %c0_i32_0 : i32, i32
  }
  func.func @transform_2(%arg0: i32) -> (i32, i32) {
    %c0_i32 = arith.constant 0 : i32
    %c0_i32_0 = arith.constant 0 : i32
    %c0_i32_1 = arith.constant 0 : i32
    return %c0_i32, %c0_i32_0 : i32, i32
  }
  func.func @transform_3(%arg0: i32) -> (i32, i32) {
    %c0_i32 = arith.constant 0 : i32
    %c0_i32_0 = arith.constant 0 : i32
    %c0_i32_1 = arith.constant 0 : i32
    return %c0_i32, %c0_i32_0 : i32, i32
  }
  func.func @transform_4(%arg0: i32) -> (i32, i32) {
    %c0_i32 = arith.constant 0 : i32
    %c0_i32_0 = arith.constant 0 : i32
    %c0_i32_1 = arith.constant 0 : i32
    return %c0_i32, %c0_i32_0 : i32, i32
  }
  func.func @transform_5(%arg0: i32) -> (i32, i32) {
    %c0_i32 = arith.constant 0 : i32
    %c0_i32_0 = arith.constant 0 : i32
    return %arg0, %c0_i32 : i32, i32
  }
  func.func @transform_6(%arg0: i32) -> (i32, i32) {
    %c0_i32 = arith.constant 0 : i32
    %c0_i32_0 = arith.constant 0 : i32
    %c0_i32_1 = arith.constant 0 : i32
    return %c0_i32, %c0_i32_0 : i32, i32
  }
  func.func @transform_7(%arg0: i32) -> (i32, i32) {
    %c0_i32 = arith.constant 0 : i32
    %c0_i32_0 = arith.constant 0 : i32
    %c0_i32_1 = arith.constant 0 : i32
    return %c0_i32, %c0_i32_0 : i32, i32
  }
}

module attributes {stable_mosaic.version = 14 : i64} {
  func.func @_norm_max_body(%arg0: i32, %arg1: memref<128x32x512xf32, #tpu.memory_space<vmem>>, %arg2: memref<1x1x512xf32, #tpu.memory_space<vmem>>, %arg3: memref<1x1x512xf32, #tpu.memory_space<vmem>>, %arg4: memref<128x512xf32, #tpu.memory_space<vmem>>) attributes {dimension_semantics = [#tpu.dimension_semantics<arbitrary>], iteration_bounds = array<i64: 1>, scalar_prefetch = 0 : i64, scratch_operands = 0 : i64, tpu.core_type = #tpu.core_type<tc>, window_params = [{transform_indices = @transform_0, window_bounds = array<i64: 128, 32, 512>}, {pipeline_mode = #tpu.pipeline_mode<synchronous>, transform_indices = @transform_1, window_bounds = array<i64: 1, 1, 512>}, {pipeline_mode = #tpu.pipeline_mode<synchronous>, transform_indices = @transform_2, window_bounds = array<i64: 1, 1, 512>}, {transform_indices = @transform_3, window_bounds = array<i64: 128, 512>}]} {
    %get3A = arith.constant 0 : index
    %get3A_0 = arith.constant 0 : index
    %get3A_1 = arith.constant 0 : index
    %get3A_2 = vector.load %arg1[%get3A, %get3A_0, %get3A_1] : memref<128x32x512xf32, #tpu.memory_space<vmem>>, vector<128x32x512xf32>
    %get3A_3 = arith.constant 0 : index
    %get3A_4 = arith.constant 0 : index
    %get3A_5 = arith.constant 0 : index
    %get3A_6 = vector.load %arg2[%get3A_3, %get3A_4, %get3A_5] : memref<1x1x512xf32, #tpu.memory_space<vmem>>, vector<1x1x512xf32>
    %mul3A = vector.broadcast %get3A_6 : vector<1x1x512xf32> to vector<128x32x512xf32>
    %mul3A_7 = arith.mulf %get3A_2, %mul3A : vector<128x32x512xf32>
    %get3A_8 = arith.constant 0 : index
    %get3A_9 = arith.constant 0 : index
    %get3A_10 = arith.constant 0 : index
    %get3A_11 = vector.load %arg3[%get3A_8, %get3A_9, %get3A_10] : memref<1x1x512xf32, #tpu.memory_space<vmem>>, vector<1x1x512xf32>
    %add3A = vector.broadcast %get3A_11 : vector<1x1x512xf32> to vector<128x32x512xf32>
    %add3A_12 = arith.addf %mul3A_7, %add3A : vector<128x32x512xf32>
    %max3A = arith.constant 0.000000e+00 : f32
    %max3A_13 = vector.broadcast %max3A : f32 to vector<128x32x512xf32>
    %max3A_14 = arith.maximumf %add3A_12, %max3A_13 : vector<128x32x512xf32>
    %reduce_max3A = arith.constant dense<0xFF800000> : vector<128x512xf32>
    %reduce_max3A_15 = vector.multi_reduction <maximumf>, %max3A_14, %reduce_max3A [1] : vector<128x32x512xf32> to vector<128x512xf32>
    %swap3A = arith.constant 0 : index
    %swap3A_16 = arith.constant 0 : index
    %swap3A_17 = vector.load %arg4[%swap3A, %swap3A_16] : memref<128x512xf32, #tpu.memory_space<vmem>>, vector<128x512xf32>
    tpu.vector_store %arg4[%swap3A, %swap3A_16], %reduce_max3A_15 {strides = array<i32>} : memref<128x512xf32, #tpu.memory_space<vmem>>, vector<128x512xf32>,
    return
  }
  func.func @transform_0(%arg0: i32) -> (i32, i32, i32) {
    %c0_i32 = arith.constant 0 : i32
    %c0_i32_0 = arith.constant 0 : i32
    %c0_i32_1 = arith.constant 0 : i32
    return %arg0, %c0_i32, %c0_i32_0 : i32, i32, i32
  }
  func.func @transform_1(%arg0: i32) -> (i32, i32, i32) {
    %c0_i32 = arith.constant 0 : i32
    %c0_i32_0 = arith.constant 0 : i32
    %c0_i32_1 = arith.constant 0 : i32
    %c0_i32_2 = arith.constant 0 : i32
    return %c0_i32, %c0_i32_0, %c0_i32_1 : i32, i32, i32
  }
  func.func @transform_2(%arg0: i32) -> (i32, i32, i32) {
    %c0_i32 = arith.constant 0 : i32
    %c0_i32_0 = arith.constant 0 : i32
    %c0_i32_1 = arith.constant 0 : i32
    %c0_i32_2 = arith.constant 0 : i32
    return %c0_i32, %c0_i32_0, %c0_i32_1 : i32, i32, i32
  }
  func.func @transform_3(%arg0: i32) -> (i32, i32) {
    %c0_i32 = arith.constant 0 : i32
    %c0_i32_0 = arith.constant 0 : i32
    return %arg0, %c0_i32 : i32, i32
  }
}

module attributes {stable_mosaic.version = 14 : i64} {
  func.func @_wgather_body(%arg0: i32, %arg1: i32, %arg2: memref<1x64x3xi32, #tpu.memory_space<vmem>>, %arg3: memref<1x64x3xf32, #tpu.memory_space<vmem>>, %arg4: memref<1x16x512xf32, #tpu.memory_space<vmem>>, %arg5: memref<1x64x512xf32, #tpu.memory_space<vmem>>) attributes {dimension_semantics = [#tpu.dimension_semantics<arbitrary>, #tpu.dimension_semantics<arbitrary>], iteration_bounds = array<i64: 8, 1>, scalar_prefetch = 0 : i64, scratch_operands = 0 : i64, tpu.core_type = #tpu.core_type<tc>, window_params = [{transform_indices = @transform_0, window_bounds = array<i64: 1, 64, 3>}, {transform_indices = @transform_1, window_bounds = array<i64: 1, 64, 3>}, {transform_indices = @transform_2, window_bounds = array<i64: 1, 16, 512>}, {transform_indices = @transform_3, window_bounds = array<i64: 1, 64, 512>}]} {
    %get3A = arith.constant 0 : index
    %get3A_0 = arith.constant 0 : index
    %get3A_1 = arith.constant 0 : index
    %get3A_2 = vector.load %arg2[%get3A, %get3A_0, %get3A_1] : memref<1x64x3xi32, #tpu.memory_space<vmem>>, vector<1x64x3xi32>
    %get3A_3 = vector.shape_cast %get3A_2 : vector<1x64x3xi32> to vector<64x3xi32>
    %get3A_4 = arith.constant 0 : index
    %get3A_5 = arith.constant 0 : index
    %get3A_6 = arith.constant 0 : index
    %get3A_7 = vector.load %arg3[%get3A_4, %get3A_5, %get3A_6] : memref<1x64x3xf32, #tpu.memory_space<vmem>>, vector<1x64x3xf32>
    %get3A_8 = vector.shape_cast %get3A_7 : vector<1x64x3xf32> to vector<64x3xf32>
    %get3A_9 = arith.constant 0 : index
    %get3A_10 = arith.constant 0 : index
    %get3A_11 = arith.constant 0 : index
    %get3A_12 = vector.load %arg4[%get3A_9, %get3A_10, %get3A_11] : memref<1x16x512xf32, #tpu.memory_space<vmem>>, vector<1x16x512xf32>
    %get3A_13 = vector.shape_cast %get3A_12 : vector<1x16x512xf32> to vector<16x512xf32>
    %iota3A = tpu.iota {dimensions = array<i32: 1>} : vector<64x16xi32>
    %broadcast_in_dim3A = arith.constant 0.000000e+00 : f32
    %broadcast_in_dim3A_14 = vector.broadcast %broadcast_in_dim3A : f32 to vector<64x16xf32>
    %slice3A = vector.extract_strided_slice %get3A_8 {offsets = [0, 0], sizes = [64, 1], strides = [1, 1]} : vector<64x3xf32> to vector<64x1xf32>
    %slice3A_15 = vector.extract_strided_slice %get3A_3 {offsets = [0, 0], sizes = [64, 1], strides = [1, 1]} : vector<64x3xi32> to vector<64x1xi32>
    %eq3A = vector.broadcast %slice3A_15 : vector<64x1xi32> to vector<64x16xi32>
    %eq3A_16 = arith.cmpi eq, %iota3A, %eq3A : vector<64x16xi32>
    %convert_element_type3A = arith.extui %eq3A_16 : vector<64x16xi1> to vector<64x16xi32>
    %convert_element_type3A_17 = arith.sitofp %convert_element_type3A : vector<64x16xi32> to vector<64x16xf32>
    %mul3A = vector.broadcast %slice3A : vector<64x1xf32> to vector<64x16xf32>
    %mul3A_18 = arith.mulf %mul3A, %convert_element_type3A_17 : vector<64x16xf32>
    %add3A = arith.addf %broadcast_in_dim3A_14, %mul3A_18 : vector<64x16xf32>
    %slice3A_19 = vector.extract_strided_slice %get3A_8 {offsets = [0, 1], sizes = [64, 1], strides = [1, 1]} : vector<64x3xf32> to vector<64x1xf32>
    %slice3A_20 = vector.extract_strided_slice %get3A_3 {offsets = [0, 1], sizes = [64, 1], strides = [1, 1]} : vector<64x3xi32> to vector<64x1xi32>
    %eq3A_21 = vector.broadcast %slice3A_20 : vector<64x1xi32> to vector<64x16xi32>
    %eq3A_22 = arith.cmpi eq, %iota3A, %eq3A_21 : vector<64x16xi32>
    %convert_element_type3A_23 = arith.extui %eq3A_22 : vector<64x16xi1> to vector<64x16xi32>
    %convert_element_type3A_24 = arith.sitofp %convert_element_type3A_23 : vector<64x16xi32> to vector<64x16xf32>
    %mul3A_25 = vector.broadcast %slice3A_19 : vector<64x1xf32> to vector<64x16xf32>
    %mul3A_26 = arith.mulf %mul3A_25, %convert_element_type3A_24 : vector<64x16xf32>
    %add3A_27 = arith.addf %add3A, %mul3A_26 : vector<64x16xf32>
    %slice3A_28 = vector.extract_strided_slice %get3A_8 {offsets = [0, 2], sizes = [64, 1], strides = [1, 1]} : vector<64x3xf32> to vector<64x1xf32>
    %slice3A_29 = vector.extract_strided_slice %get3A_3 {offsets = [0, 2], sizes = [64, 1], strides = [1, 1]} : vector<64x3xi32> to vector<64x1xi32>
    %eq3A_30 = vector.broadcast %slice3A_29 : vector<64x1xi32> to vector<64x16xi32>
    %eq3A_31 = arith.cmpi eq, %iota3A, %eq3A_30 : vector<64x16xi32>
    %convert_element_type3A_32 = arith.extui %eq3A_31 : vector<64x16xi1> to vector<64x16xi32>
    %convert_element_type3A_33 = arith.sitofp %convert_element_type3A_32 : vector<64x16xi32> to vector<64x16xf32>
    %mul3A_34 = vector.broadcast %slice3A_28 : vector<64x1xf32> to vector<64x16xf32>
    %mul3A_35 = arith.mulf %mul3A_34, %convert_element_type3A_33 : vector<64x16xf32>
    %add3A_36 = arith.addf %add3A_27, %mul3A_35 : vector<64x16xf32>
    %dot_general3A = arith.constant dense<0.000000e+00> : vector<64x512xf32>
    %dot_general3A_37 = tpu.matmul %add3A_36, %get3A_13, %dot_general3A {dimension_numbers = #tpu.dot_dimension_numbers<[1], [0], [0], [1], [0, 0, 1, 1], [], []>, precision = #tpu.contract_precision<fp32>, transpose_lhs_hint = false} : vector<64x16xf32>, vector<16x512xf32>, vector<64x512xf32> -> vector<64x512xf32>
    %swap3A = arith.constant 0 : index
    %swap3A_38 = arith.constant 0 : index
    %swap3A_39 = arith.constant 0 : index
    %swap3A_40 = vector.load %arg5[%swap3A, %swap3A_38, %swap3A_39] : memref<1x64x512xf32, #tpu.memory_space<vmem>>, vector<1x64x512xf32>
    %swap3A_41 = vector.shape_cast %swap3A_40 : vector<1x64x512xf32> to vector<64x512xf32>
    %swap3A_42 = vector.shape_cast %dot_general3A_37 : vector<64x512xf32> to vector<1x64x512xf32>
    tpu.vector_store %arg5[%swap3A, %swap3A_38, %swap3A_39], %swap3A_42 {strides = array<i32>} : memref<1x64x512xf32, #tpu.memory_space<vmem>>, vector<1x64x512xf32>,
    return
  }
  func.func @transform_0(%arg0: i32, %arg1: i32) -> (i32, i32, i32) {
    %c0_i32 = arith.constant 0 : i32
    %c0_i32_0 = arith.constant 0 : i32
    return %arg0, %arg1, %c0_i32 : i32, i32, i32
  }
  func.func @transform_1(%arg0: i32, %arg1: i32) -> (i32, i32, i32) {
    %c0_i32 = arith.constant 0 : i32
    %c0_i32_0 = arith.constant 0 : i32
    return %arg0, %arg1, %c0_i32 : i32, i32, i32
  }
  func.func @transform_2(%arg0: i32, %arg1: i32) -> (i32, i32, i32) {
    %c0_i32 = arith.constant 0 : i32
    %c0_i32_0 = arith.constant 0 : i32
    %c0_i32_1 = arith.constant 0 : i32
    return %arg0, %c0_i32, %c0_i32_0 : i32, i32, i32
  }
  func.func @transform_3(%arg0: i32, %arg1: i32) -> (i32, i32, i32) {
    %c0_i32 = arith.constant 0 : i32
    %c0_i32_0 = arith.constant 0 : i32
    return %arg0, %arg1, %c0_i32 : i32, i32, i32
  }
}

module attributes {stable_mosaic.version = 14 : i64} {
  func.func @_layer_body(%arg0: i32, %arg1: memref<512x768xf32, #tpu.memory_space<vmem>>, %arg2: memref<1x768xf32, #tpu.memory_space<vmem>>, %arg3: memref<1x768xf32, #tpu.memory_space<vmem>>, %arg4: memref<768x256xf32, #tpu.memory_space<vmem>>, %arg5: memref<1x256xf32, #tpu.memory_space<vmem>>, %arg6: memref<512x256xf32, #tpu.memory_space<vmem>>, %arg7: memref<1x256xf32, #tpu.memory_space<vmem>>, %arg8: memref<1x256xf32, #tpu.memory_space<vmem>>) attributes {dimension_semantics = [#tpu.dimension_semantics<arbitrary>], iteration_bounds = array<i64: 1>, scalar_prefetch = 0 : i64, scratch_operands = 0 : i64, tpu.core_type = #tpu.core_type<tc>, window_params = [{transform_indices = @transform_0, window_bounds = array<i64: 512, 768>}, {pipeline_mode = #tpu.pipeline_mode<synchronous>, transform_indices = @transform_1, window_bounds = array<i64: 1, 768>}, {pipeline_mode = #tpu.pipeline_mode<synchronous>, transform_indices = @transform_2, window_bounds = array<i64: 1, 768>}, {pipeline_mode = #tpu.pipeline_mode<synchronous>, transform_indices = @transform_3, window_bounds = array<i64: 768, 256>}, {pipeline_mode = #tpu.pipeline_mode<synchronous>, transform_indices = @transform_4, window_bounds = array<i64: 1, 256>}, {transform_indices = @transform_5, window_bounds = array<i64: 512, 256>}, {pipeline_mode = #tpu.pipeline_mode<synchronous>, transform_indices = @transform_6, window_bounds = array<i64: 1, 256>}, {pipeline_mode = #tpu.pipeline_mode<synchronous>, transform_indices = @transform_7, window_bounds = array<i64: 1, 256>}]} {
    %get3A = arith.constant 0 : index
    %get3A_0 = arith.constant 0 : index
    %get3A_1 = vector.load %arg1[%get3A, %get3A_0] : memref<512x768xf32, #tpu.memory_space<vmem>>, vector<512x768xf32>
    %get3A_2 = arith.constant 0 : index
    %get3A_3 = arith.constant 0 : index
    %get3A_4 = vector.load %arg4[%get3A_2, %get3A_3] : memref<768x256xf32, #tpu.memory_space<vmem>>, vector<768x256xf32>
    %dot_general3A = arith.constant dense<0.000000e+00> : vector<512x256xf32>
    %dot_general3A_5 = tpu.matmul %get3A_1, %get3A_4, %dot_general3A {dimension_numbers = #tpu.dot_dimension_numbers<[1], [0], [0], [1], [0, 0, 1, 1], [], []>, transpose_lhs_hint = false} : vector<512x768xf32>, vector<768x256xf32>, vector<512x256xf32> -> vector<512x256xf32>
    %get3A_6 = arith.constant 0 : index
    %get3A_7 = arith.constant 0 : index
    %get3A_8 = vector.load %arg5[%get3A_6, %get3A_7] : memref<1x256xf32, #tpu.memory_space<vmem>>, vector<1x256xf32>
    %add3A = vector.broadcast %get3A_8 : vector<1x256xf32> to vector<512x256xf32>
    %add3A_9 = arith.addf %dot_general3A_5, %add3A : vector<512x256xf32>
    %swap3A = arith.constant 0 : index
    %swap3A_10 = arith.constant 0 : index
    %swap3A_11 = vector.load %arg6[%swap3A, %swap3A_10] : memref<512x256xf32, #tpu.memory_space<vmem>>, vector<512x256xf32>
    tpu.vector_store %arg6[%swap3A, %swap3A_10], %add3A_9 {strides = array<i32>} : memref<512x256xf32, #tpu.memory_space<vmem>>, vector<512x256xf32>,
    %reduce_sum3A = arith.constant dense<0.000000e+00> : vector<256xf32>
    %reduce_sum3A_12 = vector.multi_reduction <add>, %add3A_9, %reduce_sum3A [0] : vector<512x256xf32> to vector<256xf32>
    %broadcast_in_dim3A = vector.shape_cast %reduce_sum3A_12 : vector<256xf32> to vector<1x256xf32>
    %mul3A = arith.mulf %add3A_9, %add3A_9 : vector<512x256xf32>
    %reduce_sum3A_13 = arith.constant dense<0.000000e+00> : vector<256xf32>
    %reduce_sum3A_14 = vector.multi_reduction <add>, %mul3A, %reduce_sum3A_13 [0] : vector<512x256xf32> to vector<256xf32>
    %broadcast_in_dim3A_15 = vector.shape_cast %reduce_sum3A_14 : vector<256xf32> to vector<1x256xf32>
    %eq3A = arith.constant 0 : i32
    %eq3A_16 = arith.cmpi eq, %arg0, %eq3A : i32
    %convert_element_type3A = arith.extui %eq3A_16 : i1 to i32
    %cond3A = arith.constant 0 : i32
    %cond3A_17 = arith.cmpi ne, %convert_element_type3A, %cond3A : i32
    scf.if %cond3A_17 {
      %swap3A_22 = arith.constant 0 : index
      %swap3A_23 = arith.constant 0 : index
      %swap3A_24 = vector.load %arg7[%swap3A_22, %swap3A_23] : memref<1x256xf32, #tpu.memory_space<vmem>>, vector<1x256xf32>
      tpu.vector_store %arg7[%swap3A_22, %swap3A_23], %broadcast_in_dim3A {strides = array<i32>} : memref<1x256xf32, #tpu.memory_space<vmem>>, vector<1x256xf32>,
      %swap3A_25 = arith.constant 0 : index
      %swap3A_26 = arith.constant 0 : index
      %swap3A_27 = vector.load %arg8[%swap3A_25, %swap3A_26] : memref<1x256xf32, #tpu.memory_space<vmem>>, vector<1x256xf32>
      tpu.vector_store %arg8[%swap3A_25, %swap3A_26], %broadcast_in_dim3A_15 {strides = array<i32>} : memref<1x256xf32, #tpu.memory_space<vmem>>, vector<1x256xf32>,
    } else {
    }
    %ne3A = arith.constant 0 : i32
    %ne3A_18 = arith.cmpi ne, %arg0, %ne3A : i32
    %convert_element_type3A_19 = arith.extui %ne3A_18 : i1 to i32
    %cond3A_20 = arith.constant 0 : i32
    %cond3A_21 = arith.cmpi ne, %convert_element_type3A_19, %cond3A_20 : i32
    scf.if %cond3A_21 {
      %get3A_22 = arith.constant 0 : index
      %get3A_23 = arith.constant 0 : index
      %get3A_24 = vector.load %arg7[%get3A_22, %get3A_23] : memref<1x256xf32, #tpu.memory_space<vmem>>, vector<1x256xf32>
      %add3A_25 = arith.addf %get3A_24, %broadcast_in_dim3A : vector<1x256xf32>
      %swap3A_26 = arith.constant 0 : index
      %swap3A_27 = arith.constant 0 : index
      %swap3A_28 = vector.load %arg7[%swap3A_26, %swap3A_27] : memref<1x256xf32, #tpu.memory_space<vmem>>, vector<1x256xf32>
      tpu.vector_store %arg7[%swap3A_26, %swap3A_27], %add3A_25 {strides = array<i32>} : memref<1x256xf32, #tpu.memory_space<vmem>>, vector<1x256xf32>,
      %get3A_29 = arith.constant 0 : index
      %get3A_30 = arith.constant 0 : index
      %get3A_31 = vector.load %arg8[%get3A_29, %get3A_30] : memref<1x256xf32, #tpu.memory_space<vmem>>, vector<1x256xf32>
      %add3A_32 = arith.addf %get3A_31, %broadcast_in_dim3A_15 : vector<1x256xf32>
      %swap3A_33 = arith.constant 0 : index
      %swap3A_34 = arith.constant 0 : index
      %swap3A_35 = vector.load %arg8[%swap3A_33, %swap3A_34] : memref<1x256xf32, #tpu.memory_space<vmem>>, vector<1x256xf32>
      tpu.vector_store %arg8[%swap3A_33, %swap3A_34], %add3A_32 {strides = array<i32>} : memref<1x256xf32, #tpu.memory_space<vmem>>, vector<1x256xf32>,
    } else {
    }
    return
  }
  func.func @transform_0(%arg0: i32) -> (i32, i32) {
    %c0_i32 = arith.constant 0 : i32
    %c0_i32_0 = arith.constant 0 : i32
    return %arg0, %c0_i32 : i32, i32
  }
  func.func @transform_1(%arg0: i32) -> (i32, i32) {
    %c0_i32 = arith.constant 0 : i32
    %c0_i32_0 = arith.constant 0 : i32
    %c0_i32_1 = arith.constant 0 : i32
    return %c0_i32, %c0_i32_0 : i32, i32
  }
  func.func @transform_2(%arg0: i32) -> (i32, i32) {
    %c0_i32 = arith.constant 0 : i32
    %c0_i32_0 = arith.constant 0 : i32
    %c0_i32_1 = arith.constant 0 : i32
    return %c0_i32, %c0_i32_0 : i32, i32
  }
  func.func @transform_3(%arg0: i32) -> (i32, i32) {
    %c0_i32 = arith.constant 0 : i32
    %c0_i32_0 = arith.constant 0 : i32
    %c0_i32_1 = arith.constant 0 : i32
    return %c0_i32, %c0_i32_0 : i32, i32
  }
  func.func @transform_4(%arg0: i32) -> (i32, i32) {
    %c0_i32 = arith.constant 0 : i32
    %c0_i32_0 = arith.constant 0 : i32
    %c0_i32_1 = arith.constant 0 : i32
    return %c0_i32, %c0_i32_0 : i32, i32
  }
  func.func @transform_5(%arg0: i32) -> (i32, i32) {
    %c0_i32 = arith.constant 0 : i32
    %c0_i32_0 = arith.constant 0 : i32
    return %arg0, %c0_i32 : i32, i32
  }
  func.func @transform_6(%arg0: i32) -> (i32, i32) {
    %c0_i32 = arith.constant 0 : i32
    %c0_i32_0 = arith.constant 0 : i32
    %c0_i32_1 = arith.constant 0 : i32
    return %c0_i32, %c0_i32_0 : i32, i32
  }
  func.func @transform_7(%arg0: i32) -> (i32, i32) {
    %c0_i32 = arith.constant 0 : i32
    %c0_i32_0 = arith.constant 0 : i32
    %c0_i32_1 = arith.constant 0 : i32
    return %c0_i32, %c0_i32_0 : i32, i32
  }
}

module attributes {stable_mosaic.version = 14 : i64} {
  func.func @_layer_body(%arg0: i32, %arg1: memref<512x256xf32, #tpu.memory_space<vmem>>, %arg2: memref<1x256xf32, #tpu.memory_space<vmem>>, %arg3: memref<1x256xf32, #tpu.memory_space<vmem>>, %arg4: memref<256x256xf32, #tpu.memory_space<vmem>>, %arg5: memref<1x256xf32, #tpu.memory_space<vmem>>, %arg6: memref<512x256xf32, #tpu.memory_space<vmem>>, %arg7: memref<1x256xf32, #tpu.memory_space<vmem>>, %arg8: memref<1x256xf32, #tpu.memory_space<vmem>>) attributes {dimension_semantics = [#tpu.dimension_semantics<arbitrary>], iteration_bounds = array<i64: 1>, scalar_prefetch = 0 : i64, scratch_operands = 0 : i64, tpu.core_type = #tpu.core_type<tc>, window_params = [{transform_indices = @transform_0, window_bounds = array<i64: 512, 256>}, {pipeline_mode = #tpu.pipeline_mode<synchronous>, transform_indices = @transform_1, window_bounds = array<i64: 1, 256>}, {pipeline_mode = #tpu.pipeline_mode<synchronous>, transform_indices = @transform_2, window_bounds = array<i64: 1, 256>}, {pipeline_mode = #tpu.pipeline_mode<synchronous>, transform_indices = @transform_3, window_bounds = array<i64: 256, 256>}, {pipeline_mode = #tpu.pipeline_mode<synchronous>, transform_indices = @transform_4, window_bounds = array<i64: 1, 256>}, {transform_indices = @transform_5, window_bounds = array<i64: 512, 256>}, {pipeline_mode = #tpu.pipeline_mode<synchronous>, transform_indices = @transform_6, window_bounds = array<i64: 1, 256>}, {pipeline_mode = #tpu.pipeline_mode<synchronous>, transform_indices = @transform_7, window_bounds = array<i64: 1, 256>}]} {
    %get3A = arith.constant 0 : index
    %get3A_0 = arith.constant 0 : index
    %get3A_1 = vector.load %arg1[%get3A, %get3A_0] : memref<512x256xf32, #tpu.memory_space<vmem>>, vector<512x256xf32>
    %get3A_2 = arith.constant 0 : index
    %get3A_3 = arith.constant 0 : index
    %get3A_4 = vector.load %arg2[%get3A_2, %get3A_3] : memref<1x256xf32, #tpu.memory_space<vmem>>, vector<1x256xf32>
    %mul3A = vector.broadcast %get3A_4 : vector<1x256xf32> to vector<512x256xf32>
    %mul3A_5 = arith.mulf %get3A_1, %mul3A : vector<512x256xf32>
    %get3A_6 = arith.constant 0 : index
    %get3A_7 = arith.constant 0 : index
    %get3A_8 = vector.load %arg3[%get3A_6, %get3A_7] : memref<1x256xf32, #tpu.memory_space<vmem>>, vector<1x256xf32>
    %add3A = vector.broadcast %get3A_8 : vector<1x256xf32> to vector<512x256xf32>
    %add3A_9 = arith.addf %mul3A_5, %add3A : vector<512x256xf32>
    %max3A = arith.constant 0.000000e+00 : f32
    %max3A_10 = vector.broadcast %max3A : f32 to vector<512x256xf32>
    %max3A_11 = arith.maximumf %add3A_9, %max3A_10 : vector<512x256xf32>
    %get3A_12 = arith.constant 0 : index
    %get3A_13 = arith.constant 0 : index
    %get3A_14 = vector.load %arg4[%get3A_12, %get3A_13] : memref<256x256xf32, #tpu.memory_space<vmem>>, vector<256x256xf32>
    %dot_general3A = arith.constant dense<0.000000e+00> : vector<512x256xf32>
    %dot_general3A_15 = tpu.matmul %max3A_11, %get3A_14, %dot_general3A {dimension_numbers = #tpu.dot_dimension_numbers<[1], [0], [0], [1], [0, 0, 1, 1], [], []>, transpose_lhs_hint = false} : vector<512x256xf32>, vector<256x256xf32>, vector<512x256xf32> -> vector<512x256xf32>
    %get3A_16 = arith.constant 0 : index
    %get3A_17 = arith.constant 0 : index
    %get3A_18 = vector.load %arg5[%get3A_16, %get3A_17] : memref<1x256xf32, #tpu.memory_space<vmem>>, vector<1x256xf32>
    %add3A_19 = vector.broadcast %get3A_18 : vector<1x256xf32> to vector<512x256xf32>
    %add3A_20 = arith.addf %dot_general3A_15, %add3A_19 : vector<512x256xf32>
    %swap3A = arith.constant 0 : index
    %swap3A_21 = arith.constant 0 : index
    %swap3A_22 = vector.load %arg6[%swap3A, %swap3A_21] : memref<512x256xf32, #tpu.memory_space<vmem>>, vector<512x256xf32>
    tpu.vector_store %arg6[%swap3A, %swap3A_21], %add3A_20 {strides = array<i32>} : memref<512x256xf32, #tpu.memory_space<vmem>>, vector<512x256xf32>,
    %reduce_sum3A = arith.constant dense<0.000000e+00> : vector<256xf32>
    %reduce_sum3A_23 = vector.multi_reduction <add>, %add3A_20, %reduce_sum3A [0] : vector<512x256xf32> to vector<256xf32>
    %broadcast_in_dim3A = vector.shape_cast %reduce_sum3A_23 : vector<256xf32> to vector<1x256xf32>
    %mul3A_24 = arith.mulf %add3A_20, %add3A_20 : vector<512x256xf32>
    %reduce_sum3A_25 = arith.constant dense<0.000000e+00> : vector<256xf32>
    %reduce_sum3A_26 = vector.multi_reduction <add>, %mul3A_24, %reduce_sum3A_25 [0] : vector<512x256xf32> to vector<256xf32>
    %broadcast_in_dim3A_27 = vector.shape_cast %reduce_sum3A_26 : vector<256xf32> to vector<1x256xf32>
    %eq3A = arith.constant 0 : i32
    %eq3A_28 = arith.cmpi eq, %arg0, %eq3A : i32
    %convert_element_type3A = arith.extui %eq3A_28 : i1 to i32
    %cond3A = arith.constant 0 : i32
    %cond3A_29 = arith.cmpi ne, %convert_element_type3A, %cond3A : i32
    scf.if %cond3A_29 {
      %swap3A_34 = arith.constant 0 : index
      %swap3A_35 = arith.constant 0 : index
      %swap3A_36 = vector.load %arg7[%swap3A_34, %swap3A_35] : memref<1x256xf32, #tpu.memory_space<vmem>>, vector<1x256xf32>
      tpu.vector_store %arg7[%swap3A_34, %swap3A_35], %broadcast_in_dim3A {strides = array<i32>} : memref<1x256xf32, #tpu.memory_space<vmem>>, vector<1x256xf32>,
      %swap3A_37 = arith.constant 0 : index
      %swap3A_38 = arith.constant 0 : index
      %swap3A_39 = vector.load %arg8[%swap3A_37, %swap3A_38] : memref<1x256xf32, #tpu.memory_space<vmem>>, vector<1x256xf32>
      tpu.vector_store %arg8[%swap3A_37, %swap3A_38], %broadcast_in_dim3A_27 {strides = array<i32>} : memref<1x256xf32, #tpu.memory_space<vmem>>, vector<1x256xf32>,
    } else {
    }
    %ne3A = arith.constant 0 : i32
    %ne3A_30 = arith.cmpi ne, %arg0, %ne3A : i32
    %convert_element_type3A_31 = arith.extui %ne3A_30 : i1 to i32
    %cond3A_32 = arith.constant 0 : i32
    %cond3A_33 = arith.cmpi ne, %convert_element_type3A_31, %cond3A_32 : i32
    scf.if %cond3A_33 {
      %get3A_34 = arith.constant 0 : index
      %get3A_35 = arith.constant 0 : index
      %get3A_36 = vector.load %arg7[%get3A_34, %get3A_35] : memref<1x256xf32, #tpu.memory_space<vmem>>, vector<1x256xf32>
      %add3A_37 = arith.addf %get3A_36, %broadcast_in_dim3A : vector<1x256xf32>
      %swap3A_38 = arith.constant 0 : index
      %swap3A_39 = arith.constant 0 : index
      %swap3A_40 = vector.load %arg7[%swap3A_38, %swap3A_39] : memref<1x256xf32, #tpu.memory_space<vmem>>, vector<1x256xf32>
      tpu.vector_store %arg7[%swap3A_38, %swap3A_39], %add3A_37 {strides = array<i32>} : memref<1x256xf32, #tpu.memory_space<vmem>>, vector<1x256xf32>,
      %get3A_41 = arith.constant 0 : index
      %get3A_42 = arith.constant 0 : index
      %get3A_43 = vector.load %arg8[%get3A_41, %get3A_42] : memref<1x256xf32, #tpu.memory_space<vmem>>, vector<1x256xf32>
      %add3A_44 = arith.addf %get3A_43, %broadcast_in_dim3A_27 : vector<1x256xf32>
      %swap3A_45 = arith.constant 0 : index
      %swap3A_46 = arith.constant 0 : index
      %swap3A_47 = vector.load %arg8[%swap3A_45, %swap3A_46] : memref<1x256xf32, #tpu.memory_space<vmem>>, vector<1x256xf32>
      tpu.vector_store %arg8[%swap3A_45, %swap3A_46], %add3A_44 {strides = array<i32>} : memref<1x256xf32, #tpu.memory_space<vmem>>, vector<1x256xf32>,
    } else {
    }
    return
  }
  func.func @transform_0(%arg0: i32) -> (i32, i32) {
    %c0_i32 = arith.constant 0 : i32
    %c0_i32_0 = arith.constant 0 : i32
    return %arg0, %c0_i32 : i32, i32
  }
  func.func @transform_1(%arg0: i32) -> (i32, i32) {
    %c0_i32 = arith.constant 0 : i32
    %c0_i32_0 = arith.constant 0 : i32
    %c0_i32_1 = arith.constant 0 : i32
    return %c0_i32, %c0_i32_0 : i32, i32
  }
  func.func @transform_2(%arg0: i32) -> (i32, i32) {
    %c0_i32 = arith.constant 0 : i32
    %c0_i32_0 = arith.constant 0 : i32
    %c0_i32_1 = arith.constant 0 : i32
    return %c0_i32, %c0_i32_0 : i32, i32
  }
  func.func @transform_3(%arg0: i32) -> (i32, i32) {
    %c0_i32 = arith.constant 0 : i32
    %c0_i32_0 = arith.constant 0 : i32
    %c0_i32_1 = arith.constant 0 : i32
    return %c0_i32, %c0_i32_0 : i32, i32
  }
  func.func @transform_4(%arg0: i32) -> (i32, i32) {
    %c0_i32 = arith.constant 0 : i32
    %c0_i32_0 = arith.constant 0 : i32
    %c0_i32_1 = arith.constant 0 : i32
    return %c0_i32, %c0_i32_0 : i32, i32
  }
  func.func @transform_5(%arg0: i32) -> (i32, i32) {
    %c0_i32 = arith.constant 0 : i32
    %c0_i32_0 = arith.constant 0 : i32
    return %arg0, %c0_i32 : i32, i32
  }
  func.func @transform_6(%arg0: i32) -> (i32, i32) {
    %c0_i32 = arith.constant 0 : i32
    %c0_i32_0 = arith.constant 0 : i32
    %c0_i32_1 = arith.constant 0 : i32
    return %c0_i32, %c0_i32_0 : i32, i32
  }
  func.func @transform_7(%arg0: i32) -> (i32, i32) {
    %c0_i32 = arith.constant 0 : i32
    %c0_i32_0 = arith.constant 0 : i32
    %c0_i32_1 = arith.constant 0 : i32
    return %c0_i32, %c0_i32_0 : i32, i32
  }
}

module attributes {stable_mosaic.version = 14 : i64} {
  func.func @_norm_body(%arg0: i32, %arg1: memref<512x256xf32, #tpu.memory_space<vmem>>, %arg2: memref<1x256xf32, #tpu.memory_space<vmem>>, %arg3: memref<1x256xf32, #tpu.memory_space<vmem>>, %arg4: memref<512x256xf32, #tpu.memory_space<vmem>>) attributes {dimension_semantics = [#tpu.dimension_semantics<arbitrary>], iteration_bounds = array<i64: 1>, scalar_prefetch = 0 : i64, scratch_operands = 0 : i64, tpu.core_type = #tpu.core_type<tc>, window_params = [{transform_indices = @transform_0, window_bounds = array<i64: 512, 256>}, {pipeline_mode = #tpu.pipeline_mode<synchronous>, transform_indices = @transform_1, window_bounds = array<i64: 1, 256>}, {pipeline_mode = #tpu.pipeline_mode<synchronous>, transform_indices = @transform_2, window_bounds = array<i64: 1, 256>}, {transform_indices = @transform_3, window_bounds = array<i64: 512, 256>}]} {
    %get3A = arith.constant 0 : index
    %get3A_0 = arith.constant 0 : index
    %get3A_1 = vector.load %arg1[%get3A, %get3A_0] : memref<512x256xf32, #tpu.memory_space<vmem>>, vector<512x256xf32>
    %get3A_2 = arith.constant 0 : index
    %get3A_3 = arith.constant 0 : index
    %get3A_4 = vector.load %arg2[%get3A_2, %get3A_3] : memref<1x256xf32, #tpu.memory_space<vmem>>, vector<1x256xf32>
    %mul3A = vector.broadcast %get3A_4 : vector<1x256xf32> to vector<512x256xf32>
    %mul3A_5 = arith.mulf %get3A_1, %mul3A : vector<512x256xf32>
    %get3A_6 = arith.constant 0 : index
    %get3A_7 = arith.constant 0 : index
    %get3A_8 = vector.load %arg3[%get3A_6, %get3A_7] : memref<1x256xf32, #tpu.memory_space<vmem>>, vector<1x256xf32>
    %add3A = vector.broadcast %get3A_8 : vector<1x256xf32> to vector<512x256xf32>
    %add3A_9 = arith.addf %mul3A_5, %add3A : vector<512x256xf32>
    %max3A = arith.constant 0.000000e+00 : f32
    %max3A_10 = vector.broadcast %max3A : f32 to vector<512x256xf32>
    %max3A_11 = arith.maximumf %add3A_9, %max3A_10 : vector<512x256xf32>
    %swap3A = arith.constant 0 : index
    %swap3A_12 = arith.constant 0 : index
    %swap3A_13 = vector.load %arg4[%swap3A, %swap3A_12] : memref<512x256xf32, #tpu.memory_space<vmem>>, vector<512x256xf32>
    tpu.vector_store %arg4[%swap3A, %swap3A_12], %max3A_11 {strides = array<i32>} : memref<512x256xf32, #tpu.memory_space<vmem>>, vector<512x256xf32>,
    return
  }
  func.func @transform_0(%arg0: i32) -> (i32, i32) {
    %c0_i32 = arith.constant 0 : i32
    %c0_i32_0 = arith.constant 0 : i32
    return %arg0, %c0_i32 : i32, i32
  }
  func.func @transform_1(%arg0: i32) -> (i32, i32) {
    %c0_i32 = arith.constant 0 : i32
    %c0_i32_0 = arith.constant 0 : i32
    %c0_i32_1 = arith.constant 0 : i32
    return %c0_i32, %c0_i32_0 : i32, i32
  }
  func.func @transform_2(%arg0: i32) -> (i32, i32) {
    %c0_i32 = arith.constant 0 : i32
    %c0_i32_0 = arith.constant 0 : i32
    %c0_i32_1 = arith.constant 0 : i32
    return %c0_i32, %c0_i32_0 : i32, i32
  }
  func.func @transform_3(%arg0: i32) -> (i32, i32) {
    %c0_i32 = arith.constant 0 : i32
    %c0_i32_0 = arith.constant 0 : i32
    return %arg0, %c0_i32 : i32, i32
  }
}

module attributes {stable_mosaic.version = 14 : i64} {
  func.func @_wgather_body(%arg0: i32, %arg1: i32, %arg2: memref<1x256x3xi32, #tpu.memory_space<vmem>>, %arg3: memref<1x256x3xf32, #tpu.memory_space<vmem>>, %arg4: memref<1x64x256xf32, #tpu.memory_space<vmem>>, %arg5: memref<1x256x256xf32, #tpu.memory_space<vmem>>) attributes {dimension_semantics = [#tpu.dimension_semantics<arbitrary>, #tpu.dimension_semantics<arbitrary>], iteration_bounds = array<i64: 8, 1>, scalar_prefetch = 0 : i64, scratch_operands = 0 : i64, tpu.core_type = #tpu.core_type<tc>, window_params = [{transform_indices = @transform_0, window_bounds = array<i64: 1, 256, 3>}, {transform_indices = @transform_1, window_bounds = array<i64: 1, 256, 3>}, {transform_indices = @transform_2, window_bounds = array<i64: 1, 64, 256>}, {transform_indices = @transform_3, window_bounds = array<i64: 1, 256, 256>}]} {
    %get3A = arith.constant 0 : index
    %get3A_0 = arith.constant 0 : index
    %get3A_1 = arith.constant 0 : index
    %get3A_2 = vector.load %arg2[%get3A, %get3A_0, %get3A_1] : memref<1x256x3xi32, #tpu.memory_space<vmem>>, vector<1x256x3xi32>
    %get3A_3 = vector.shape_cast %get3A_2 : vector<1x256x3xi32> to vector<256x3xi32>
    %get3A_4 = arith.constant 0 : index
    %get3A_5 = arith.constant 0 : index
    %get3A_6 = arith.constant 0 : index
    %get3A_7 = vector.load %arg3[%get3A_4, %get3A_5, %get3A_6] : memref<1x256x3xf32, #tpu.memory_space<vmem>>, vector<1x256x3xf32>
    %get3A_8 = vector.shape_cast %get3A_7 : vector<1x256x3xf32> to vector<256x3xf32>
    %get3A_9 = arith.constant 0 : index
    %get3A_10 = arith.constant 0 : index
    %get3A_11 = arith.constant 0 : index
    %get3A_12 = vector.load %arg4[%get3A_9, %get3A_10, %get3A_11] : memref<1x64x256xf32, #tpu.memory_space<vmem>>, vector<1x64x256xf32>
    %get3A_13 = vector.shape_cast %get3A_12 : vector<1x64x256xf32> to vector<64x256xf32>
    %iota3A = tpu.iota {dimensions = array<i32: 1>} : vector<256x64xi32>
    %broadcast_in_dim3A = arith.constant 0.000000e+00 : f32
    %broadcast_in_dim3A_14 = vector.broadcast %broadcast_in_dim3A : f32 to vector<256x64xf32>
    %slice3A = vector.extract_strided_slice %get3A_8 {offsets = [0, 0], sizes = [256, 1], strides = [1, 1]} : vector<256x3xf32> to vector<256x1xf32>
    %slice3A_15 = vector.extract_strided_slice %get3A_3 {offsets = [0, 0], sizes = [256, 1], strides = [1, 1]} : vector<256x3xi32> to vector<256x1xi32>
    %eq3A = vector.broadcast %slice3A_15 : vector<256x1xi32> to vector<256x64xi32>
    %eq3A_16 = arith.cmpi eq, %iota3A, %eq3A : vector<256x64xi32>
    %convert_element_type3A = arith.extui %eq3A_16 : vector<256x64xi1> to vector<256x64xi32>
    %convert_element_type3A_17 = arith.sitofp %convert_element_type3A : vector<256x64xi32> to vector<256x64xf32>
    %mul3A = vector.broadcast %slice3A : vector<256x1xf32> to vector<256x64xf32>
    %mul3A_18 = arith.mulf %mul3A, %convert_element_type3A_17 : vector<256x64xf32>
    %add3A = arith.addf %broadcast_in_dim3A_14, %mul3A_18 : vector<256x64xf32>
    %slice3A_19 = vector.extract_strided_slice %get3A_8 {offsets = [0, 1], sizes = [256, 1], strides = [1, 1]} : vector<256x3xf32> to vector<256x1xf32>
    %slice3A_20 = vector.extract_strided_slice %get3A_3 {offsets = [0, 1], sizes = [256, 1], strides = [1, 1]} : vector<256x3xi32> to vector<256x1xi32>
    %eq3A_21 = vector.broadcast %slice3A_20 : vector<256x1xi32> to vector<256x64xi32>
    %eq3A_22 = arith.cmpi eq, %iota3A, %eq3A_21 : vector<256x64xi32>
    %convert_element_type3A_23 = arith.extui %eq3A_22 : vector<256x64xi1> to vector<256x64xi32>
    %convert_element_type3A_24 = arith.sitofp %convert_element_type3A_23 : vector<256x64xi32> to vector<256x64xf32>
    %mul3A_25 = vector.broadcast %slice3A_19 : vector<256x1xf32> to vector<256x64xf32>
    %mul3A_26 = arith.mulf %mul3A_25, %convert_element_type3A_24 : vector<256x64xf32>
    %add3A_27 = arith.addf %add3A, %mul3A_26 : vector<256x64xf32>
    %slice3A_28 = vector.extract_strided_slice %get3A_8 {offsets = [0, 2], sizes = [256, 1], strides = [1, 1]} : vector<256x3xf32> to vector<256x1xf32>
    %slice3A_29 = vector.extract_strided_slice %get3A_3 {offsets = [0, 2], sizes = [256, 1], strides = [1, 1]} : vector<256x3xi32> to vector<256x1xi32>
    %eq3A_30 = vector.broadcast %slice3A_29 : vector<256x1xi32> to vector<256x64xi32>
    %eq3A_31 = arith.cmpi eq, %iota3A, %eq3A_30 : vector<256x64xi32>
    %convert_element_type3A_32 = arith.extui %eq3A_31 : vector<256x64xi1> to vector<256x64xi32>
    %convert_element_type3A_33 = arith.sitofp %convert_element_type3A_32 : vector<256x64xi32> to vector<256x64xf32>
    %mul3A_34 = vector.broadcast %slice3A_28 : vector<256x1xf32> to vector<256x64xf32>
    %mul3A_35 = arith.mulf %mul3A_34, %convert_element_type3A_33 : vector<256x64xf32>
    %add3A_36 = arith.addf %add3A_27, %mul3A_35 : vector<256x64xf32>
    %dot_general3A = arith.constant dense<0.000000e+00> : vector<256x256xf32>
    %dot_general3A_37 = tpu.matmul %add3A_36, %get3A_13, %dot_general3A {dimension_numbers = #tpu.dot_dimension_numbers<[1], [0], [0], [1], [0, 0, 1, 1], [], []>, precision = #tpu.contract_precision<fp32>, transpose_lhs_hint = false} : vector<256x64xf32>, vector<64x256xf32>, vector<256x256xf32> -> vector<256x256xf32>
    %swap3A = arith.constant 0 : index
    %swap3A_38 = arith.constant 0 : index
    %swap3A_39 = arith.constant 0 : index
    %swap3A_40 = vector.load %arg5[%swap3A, %swap3A_38, %swap3A_39] : memref<1x256x256xf32, #tpu.memory_space<vmem>>, vector<1x256x256xf32>
    %swap3A_41 = vector.shape_cast %swap3A_40 : vector<1x256x256xf32> to vector<256x256xf32>
    %swap3A_42 = vector.shape_cast %dot_general3A_37 : vector<256x256xf32> to vector<1x256x256xf32>
    tpu.vector_store %arg5[%swap3A, %swap3A_38, %swap3A_39], %swap3A_42 {strides = array<i32>} : memref<1x256x256xf32, #tpu.memory_space<vmem>>, vector<1x256x256xf32>,
    return
  }
  func.func @transform_0(%arg0: i32, %arg1: i32) -> (i32, i32, i32) {
    %c0_i32 = arith.constant 0 : i32
    %c0_i32_0 = arith.constant 0 : i32
    return %arg0, %arg1, %c0_i32 : i32, i32, i32
  }
  func.func @transform_1(%arg0: i32, %arg1: i32) -> (i32, i32, i32) {
    %c0_i32 = arith.constant 0 : i32
    %c0_i32_0 = arith.constant 0 : i32
    return %arg0, %arg1, %c0_i32 : i32, i32, i32
  }
  func.func @transform_2(%arg0: i32, %arg1: i32) -> (i32, i32, i32) {
    %c0_i32 = arith.constant 0 : i32
    %c0_i32_0 = arith.constant 0 : i32
    %c0_i32_1 = arith.constant 0 : i32
    return %arg0, %c0_i32, %c0_i32_0 : i32, i32, i32
  }
  func.func @transform_3(%arg0: i32, %arg1: i32) -> (i32, i32, i32) {
    %c0_i32 = arith.constant 0 : i32
    %c0_i32_0 = arith.constant 0 : i32
    return %arg0, %arg1, %c0_i32 : i32, i32, i32
  }
}

module attributes {stable_mosaic.version = 14 : i64} {
  func.func @_layer_body(%arg0: i32, %arg1: memref<2048x384xf32, #tpu.memory_space<vmem>>, %arg2: memref<1x384xf32, #tpu.memory_space<vmem>>, %arg3: memref<1x384xf32, #tpu.memory_space<vmem>>, %arg4: memref<384x256xf32, #tpu.memory_space<vmem>>, %arg5: memref<1x256xf32, #tpu.memory_space<vmem>>, %arg6: memref<2048x256xf32, #tpu.memory_space<vmem>>, %arg7: memref<1x256xf32, #tpu.memory_space<vmem>>, %arg8: memref<1x256xf32, #tpu.memory_space<vmem>>) attributes {dimension_semantics = [#tpu.dimension_semantics<arbitrary>], iteration_bounds = array<i64: 1>, scalar_prefetch = 0 : i64, scratch_operands = 0 : i64, tpu.core_type = #tpu.core_type<tc>, window_params = [{transform_indices = @transform_0, window_bounds = array<i64: 2048, 384>}, {pipeline_mode = #tpu.pipeline_mode<synchronous>, transform_indices = @transform_1, window_bounds = array<i64: 1, 384>}, {pipeline_mode = #tpu.pipeline_mode<synchronous>, transform_indices = @transform_2, window_bounds = array<i64: 1, 384>}, {pipeline_mode = #tpu.pipeline_mode<synchronous>, transform_indices = @transform_3, window_bounds = array<i64: 384, 256>}, {pipeline_mode = #tpu.pipeline_mode<synchronous>, transform_indices = @transform_4, window_bounds = array<i64: 1, 256>}, {transform_indices = @transform_5, window_bounds = array<i64: 2048, 256>}, {pipeline_mode = #tpu.pipeline_mode<synchronous>, transform_indices = @transform_6, window_bounds = array<i64: 1, 256>}, {pipeline_mode = #tpu.pipeline_mode<synchronous>, transform_indices = @transform_7, window_bounds = array<i64: 1, 256>}]} {
    %get3A = arith.constant 0 : index
    %get3A_0 = arith.constant 0 : index
    %get3A_1 = vector.load %arg1[%get3A, %get3A_0] : memref<2048x384xf32, #tpu.memory_space<vmem>>, vector<2048x384xf32>
    %get3A_2 = arith.constant 0 : index
    %get3A_3 = arith.constant 0 : index
    %get3A_4 = vector.load %arg4[%get3A_2, %get3A_3] : memref<384x256xf32, #tpu.memory_space<vmem>>, vector<384x256xf32>
    %dot_general3A = arith.constant dense<0.000000e+00> : vector<2048x256xf32>
    %dot_general3A_5 = tpu.matmul %get3A_1, %get3A_4, %dot_general3A {dimension_numbers = #tpu.dot_dimension_numbers<[1], [0], [0], [1], [0, 0, 1, 1], [], []>, transpose_lhs_hint = false} : vector<2048x384xf32>, vector<384x256xf32>, vector<2048x256xf32> -> vector<2048x256xf32>
    %get3A_6 = arith.constant 0 : index
    %get3A_7 = arith.constant 0 : index
    %get3A_8 = vector.load %arg5[%get3A_6, %get3A_7] : memref<1x256xf32, #tpu.memory_space<vmem>>, vector<1x256xf32>
    %add3A = vector.broadcast %get3A_8 : vector<1x256xf32> to vector<2048x256xf32>
    %add3A_9 = arith.addf %dot_general3A_5, %add3A : vector<2048x256xf32>
    %swap3A = arith.constant 0 : index
    %swap3A_10 = arith.constant 0 : index
    %swap3A_11 = vector.load %arg6[%swap3A, %swap3A_10] : memref<2048x256xf32, #tpu.memory_space<vmem>>, vector<2048x256xf32>
    tpu.vector_store %arg6[%swap3A, %swap3A_10], %add3A_9 {strides = array<i32>} : memref<2048x256xf32, #tpu.memory_space<vmem>>, vector<2048x256xf32>,
    %reduce_sum3A = arith.constant dense<0.000000e+00> : vector<256xf32>
    %reduce_sum3A_12 = vector.multi_reduction <add>, %add3A_9, %reduce_sum3A [0] : vector<2048x256xf32> to vector<256xf32>
    %broadcast_in_dim3A = vector.shape_cast %reduce_sum3A_12 : vector<256xf32> to vector<1x256xf32>
    %mul3A = arith.mulf %add3A_9, %add3A_9 : vector<2048x256xf32>
    %reduce_sum3A_13 = arith.constant dense<0.000000e+00> : vector<256xf32>
    %reduce_sum3A_14 = vector.multi_reduction <add>, %mul3A, %reduce_sum3A_13 [0] : vector<2048x256xf32> to vector<256xf32>
    %broadcast_in_dim3A_15 = vector.shape_cast %reduce_sum3A_14 : vector<256xf32> to vector<1x256xf32>
    %eq3A = arith.constant 0 : i32
    %eq3A_16 = arith.cmpi eq, %arg0, %eq3A : i32
    %convert_element_type3A = arith.extui %eq3A_16 : i1 to i32
    %cond3A = arith.constant 0 : i32
    %cond3A_17 = arith.cmpi ne, %convert_element_type3A, %cond3A : i32
    scf.if %cond3A_17 {
      %swap3A_22 = arith.constant 0 : index
      %swap3A_23 = arith.constant 0 : index
      %swap3A_24 = vector.load %arg7[%swap3A_22, %swap3A_23] : memref<1x256xf32, #tpu.memory_space<vmem>>, vector<1x256xf32>
      tpu.vector_store %arg7[%swap3A_22, %swap3A_23], %broadcast_in_dim3A {strides = array<i32>} : memref<1x256xf32, #tpu.memory_space<vmem>>, vector<1x256xf32>,
      %swap3A_25 = arith.constant 0 : index
      %swap3A_26 = arith.constant 0 : index
      %swap3A_27 = vector.load %arg8[%swap3A_25, %swap3A_26] : memref<1x256xf32, #tpu.memory_space<vmem>>, vector<1x256xf32>
      tpu.vector_store %arg8[%swap3A_25, %swap3A_26], %broadcast_in_dim3A_15 {strides = array<i32>} : memref<1x256xf32, #tpu.memory_space<vmem>>, vector<1x256xf32>,
    } else {
    }
    %ne3A = arith.constant 0 : i32
    %ne3A_18 = arith.cmpi ne, %arg0, %ne3A : i32
    %convert_element_type3A_19 = arith.extui %ne3A_18 : i1 to i32
    %cond3A_20 = arith.constant 0 : i32
    %cond3A_21 = arith.cmpi ne, %convert_element_type3A_19, %cond3A_20 : i32
    scf.if %cond3A_21 {
      %get3A_22 = arith.constant 0 : index
      %get3A_23 = arith.constant 0 : index
      %get3A_24 = vector.load %arg7[%get3A_22, %get3A_23] : memref<1x256xf32, #tpu.memory_space<vmem>>, vector<1x256xf32>
      %add3A_25 = arith.addf %get3A_24, %broadcast_in_dim3A : vector<1x256xf32>
      %swap3A_26 = arith.constant 0 : index
      %swap3A_27 = arith.constant 0 : index
      %swap3A_28 = vector.load %arg7[%swap3A_26, %swap3A_27] : memref<1x256xf32, #tpu.memory_space<vmem>>, vector<1x256xf32>
      tpu.vector_store %arg7[%swap3A_26, %swap3A_27], %add3A_25 {strides = array<i32>} : memref<1x256xf32, #tpu.memory_space<vmem>>, vector<1x256xf32>,
      %get3A_29 = arith.constant 0 : index
      %get3A_30 = arith.constant 0 : index
      %get3A_31 = vector.load %arg8[%get3A_29, %get3A_30] : memref<1x256xf32, #tpu.memory_space<vmem>>, vector<1x256xf32>
      %add3A_32 = arith.addf %get3A_31, %broadcast_in_dim3A_15 : vector<1x256xf32>
      %swap3A_33 = arith.constant 0 : index
      %swap3A_34 = arith.constant 0 : index
      %swap3A_35 = vector.load %arg8[%swap3A_33, %swap3A_34] : memref<1x256xf32, #tpu.memory_space<vmem>>, vector<1x256xf32>
      tpu.vector_store %arg8[%swap3A_33, %swap3A_34], %add3A_32 {strides = array<i32>} : memref<1x256xf32, #tpu.memory_space<vmem>>, vector<1x256xf32>,
    } else {
    }
    return
  }
  func.func @transform_0(%arg0: i32) -> (i32, i32) {
    %c0_i32 = arith.constant 0 : i32
    %c0_i32_0 = arith.constant 0 : i32
    return %arg0, %c0_i32 : i32, i32
  }
  func.func @transform_1(%arg0: i32) -> (i32, i32) {
    %c0_i32 = arith.constant 0 : i32
    %c0_i32_0 = arith.constant 0 : i32
    %c0_i32_1 = arith.constant 0 : i32
    return %c0_i32, %c0_i32_0 : i32, i32
  }
  func.func @transform_2(%arg0: i32) -> (i32, i32) {
    %c0_i32 = arith.constant 0 : i32
    %c0_i32_0 = arith.constant 0 : i32
    %c0_i32_1 = arith.constant 0 : i32
    return %c0_i32, %c0_i32_0 : i32, i32
  }
  func.func @transform_3(%arg0: i32) -> (i32, i32) {
    %c0_i32 = arith.constant 0 : i32
    %c0_i32_0 = arith.constant 0 : i32
    %c0_i32_1 = arith.constant 0 : i32
    return %c0_i32, %c0_i32_0 : i32, i32
  }
  func.func @transform_4(%arg0: i32) -> (i32, i32) {
    %c0_i32 = arith.constant 0 : i32
    %c0_i32_0 = arith.constant 0 : i32
    %c0_i32_1 = arith.constant 0 : i32
    return %c0_i32, %c0_i32_0 : i32, i32
  }
  func.func @transform_5(%arg0: i32) -> (i32, i32) {
    %c0_i32 = arith.constant 0 : i32
    %c0_i32_0 = arith.constant 0 : i32
    return %arg0, %c0_i32 : i32, i32
  }
  func.func @transform_6(%arg0: i32) -> (i32, i32) {
    %c0_i32 = arith.constant 0 : i32
    %c0_i32_0 = arith.constant 0 : i32
    %c0_i32_1 = arith.constant 0 : i32
    return %c0_i32, %c0_i32_0 : i32, i32
  }
  func.func @transform_7(%arg0: i32) -> (i32, i32) {
    %c0_i32 = arith.constant 0 : i32
    %c0_i32_0 = arith.constant 0 : i32
    %c0_i32_1 = arith.constant 0 : i32
    return %c0_i32, %c0_i32_0 : i32, i32
  }
}

module attributes {stable_mosaic.version = 14 : i64} {
  func.func @_layer_body(%arg0: i32, %arg1: memref<2048x256xf32, #tpu.memory_space<vmem>>, %arg2: memref<1x256xf32, #tpu.memory_space<vmem>>, %arg3: memref<1x256xf32, #tpu.memory_space<vmem>>, %arg4: memref<256x256xf32, #tpu.memory_space<vmem>>, %arg5: memref<1x256xf32, #tpu.memory_space<vmem>>, %arg6: memref<2048x256xf32, #tpu.memory_space<vmem>>, %arg7: memref<1x256xf32, #tpu.memory_space<vmem>>, %arg8: memref<1x256xf32, #tpu.memory_space<vmem>>) attributes {dimension_semantics = [#tpu.dimension_semantics<arbitrary>], iteration_bounds = array<i64: 1>, scalar_prefetch = 0 : i64, scratch_operands = 0 : i64, tpu.core_type = #tpu.core_type<tc>, window_params = [{transform_indices = @transform_0, window_bounds = array<i64: 2048, 256>}, {pipeline_mode = #tpu.pipeline_mode<synchronous>, transform_indices = @transform_1, window_bounds = array<i64: 1, 256>}, {pipeline_mode = #tpu.pipeline_mode<synchronous>, transform_indices = @transform_2, window_bounds = array<i64: 1, 256>}, {pipeline_mode = #tpu.pipeline_mode<synchronous>, transform_indices = @transform_3, window_bounds = array<i64: 256, 256>}, {pipeline_mode = #tpu.pipeline_mode<synchronous>, transform_indices = @transform_4, window_bounds = array<i64: 1, 256>}, {transform_indices = @transform_5, window_bounds = array<i64: 2048, 256>}, {pipeline_mode = #tpu.pipeline_mode<synchronous>, transform_indices = @transform_6, window_bounds = array<i64: 1, 256>}, {pipeline_mode = #tpu.pipeline_mode<synchronous>, transform_indices = @transform_7, window_bounds = array<i64: 1, 256>}]} {
    %get3A = arith.constant 0 : index
    %get3A_0 = arith.constant 0 : index
    %get3A_1 = vector.load %arg1[%get3A, %get3A_0] : memref<2048x256xf32, #tpu.memory_space<vmem>>, vector<2048x256xf32>
    %get3A_2 = arith.constant 0 : index
    %get3A_3 = arith.constant 0 : index
    %get3A_4 = vector.load %arg2[%get3A_2, %get3A_3] : memref<1x256xf32, #tpu.memory_space<vmem>>, vector<1x256xf32>
    %mul3A = vector.broadcast %get3A_4 : vector<1x256xf32> to vector<2048x256xf32>
    %mul3A_5 = arith.mulf %get3A_1, %mul3A : vector<2048x256xf32>
    %get3A_6 = arith.constant 0 : index
    %get3A_7 = arith.constant 0 : index
    %get3A_8 = vector.load %arg3[%get3A_6, %get3A_7] : memref<1x256xf32, #tpu.memory_space<vmem>>, vector<1x256xf32>
    %add3A = vector.broadcast %get3A_8 : vector<1x256xf32> to vector<2048x256xf32>
    %add3A_9 = arith.addf %mul3A_5, %add3A : vector<2048x256xf32>
    %max3A = arith.constant 0.000000e+00 : f32
    %max3A_10 = vector.broadcast %max3A : f32 to vector<2048x256xf32>
    %max3A_11 = arith.maximumf %add3A_9, %max3A_10 : vector<2048x256xf32>
    %get3A_12 = arith.constant 0 : index
    %get3A_13 = arith.constant 0 : index
    %get3A_14 = vector.load %arg4[%get3A_12, %get3A_13] : memref<256x256xf32, #tpu.memory_space<vmem>>, vector<256x256xf32>
    %dot_general3A = arith.constant dense<0.000000e+00> : vector<2048x256xf32>
    %dot_general3A_15 = tpu.matmul %max3A_11, %get3A_14, %dot_general3A {dimension_numbers = #tpu.dot_dimension_numbers<[1], [0], [0], [1], [0, 0, 1, 1], [], []>, transpose_lhs_hint = false} : vector<2048x256xf32>, vector<256x256xf32>, vector<2048x256xf32> -> vector<2048x256xf32>
    %get3A_16 = arith.constant 0 : index
    %get3A_17 = arith.constant 0 : index
    %get3A_18 = vector.load %arg5[%get3A_16, %get3A_17] : memref<1x256xf32, #tpu.memory_space<vmem>>, vector<1x256xf32>
    %add3A_19 = vector.broadcast %get3A_18 : vector<1x256xf32> to vector<2048x256xf32>
    %add3A_20 = arith.addf %dot_general3A_15, %add3A_19 : vector<2048x256xf32>
    %swap3A = arith.constant 0 : index
    %swap3A_21 = arith.constant 0 : index
    %swap3A_22 = vector.load %arg6[%swap3A, %swap3A_21] : memref<2048x256xf32, #tpu.memory_space<vmem>>, vector<2048x256xf32>
    tpu.vector_store %arg6[%swap3A, %swap3A_21], %add3A_20 {strides = array<i32>} : memref<2048x256xf32, #tpu.memory_space<vmem>>, vector<2048x256xf32>,
    %reduce_sum3A = arith.constant dense<0.000000e+00> : vector<256xf32>
    %reduce_sum3A_23 = vector.multi_reduction <add>, %add3A_20, %reduce_sum3A [0] : vector<2048x256xf32> to vector<256xf32>
    %broadcast_in_dim3A = vector.shape_cast %reduce_sum3A_23 : vector<256xf32> to vector<1x256xf32>
    %mul3A_24 = arith.mulf %add3A_20, %add3A_20 : vector<2048x256xf32>
    %reduce_sum3A_25 = arith.constant dense<0.000000e+00> : vector<256xf32>
    %reduce_sum3A_26 = vector.multi_reduction <add>, %mul3A_24, %reduce_sum3A_25 [0] : vector<2048x256xf32> to vector<256xf32>
    %broadcast_in_dim3A_27 = vector.shape_cast %reduce_sum3A_26 : vector<256xf32> to vector<1x256xf32>
    %eq3A = arith.constant 0 : i32
    %eq3A_28 = arith.cmpi eq, %arg0, %eq3A : i32
    %convert_element_type3A = arith.extui %eq3A_28 : i1 to i32
    %cond3A = arith.constant 0 : i32
    %cond3A_29 = arith.cmpi ne, %convert_element_type3A, %cond3A : i32
    scf.if %cond3A_29 {
      %swap3A_34 = arith.constant 0 : index
      %swap3A_35 = arith.constant 0 : index
      %swap3A_36 = vector.load %arg7[%swap3A_34, %swap3A_35] : memref<1x256xf32, #tpu.memory_space<vmem>>, vector<1x256xf32>
      tpu.vector_store %arg7[%swap3A_34, %swap3A_35], %broadcast_in_dim3A {strides = array<i32>} : memref<1x256xf32, #tpu.memory_space<vmem>>, vector<1x256xf32>,
      %swap3A_37 = arith.constant 0 : index
      %swap3A_38 = arith.constant 0 : index
      %swap3A_39 = vector.load %arg8[%swap3A_37, %swap3A_38] : memref<1x256xf32, #tpu.memory_space<vmem>>, vector<1x256xf32>
      tpu.vector_store %arg8[%swap3A_37, %swap3A_38], %broadcast_in_dim3A_27 {strides = array<i32>} : memref<1x256xf32, #tpu.memory_space<vmem>>, vector<1x256xf32>,
    } else {
    }
    %ne3A = arith.constant 0 : i32
    %ne3A_30 = arith.cmpi ne, %arg0, %ne3A : i32
    %convert_element_type3A_31 = arith.extui %ne3A_30 : i1 to i32
    %cond3A_32 = arith.constant 0 : i32
    %cond3A_33 = arith.cmpi ne, %convert_element_type3A_31, %cond3A_32 : i32
    scf.if %cond3A_33 {
      %get3A_34 = arith.constant 0 : index
      %get3A_35 = arith.constant 0 : index
      %get3A_36 = vector.load %arg7[%get3A_34, %get3A_35] : memref<1x256xf32, #tpu.memory_space<vmem>>, vector<1x256xf32>
      %add3A_37 = arith.addf %get3A_36, %broadcast_in_dim3A : vector<1x256xf32>
      %swap3A_38 = arith.constant 0 : index
      %swap3A_39 = arith.constant 0 : index
      %swap3A_40 = vector.load %arg7[%swap3A_38, %swap3A_39] : memref<1x256xf32, #tpu.memory_space<vmem>>, vector<1x256xf32>
      tpu.vector_store %arg7[%swap3A_38, %swap3A_39], %add3A_37 {strides = array<i32>} : memref<1x256xf32, #tpu.memory_space<vmem>>, vector<1x256xf32>,
      %get3A_41 = arith.constant 0 : index
      %get3A_42 = arith.constant 0 : index
      %get3A_43 = vector.load %arg8[%get3A_41, %get3A_42] : memref<1x256xf32, #tpu.memory_space<vmem>>, vector<1x256xf32>
      %add3A_44 = arith.addf %get3A_43, %broadcast_in_dim3A_27 : vector<1x256xf32>
      %swap3A_45 = arith.constant 0 : index
      %swap3A_46 = arith.constant 0 : index
      %swap3A_47 = vector.load %arg8[%swap3A_45, %swap3A_46] : memref<1x256xf32, #tpu.memory_space<vmem>>, vector<1x256xf32>
      tpu.vector_store %arg8[%swap3A_45, %swap3A_46], %add3A_44 {strides = array<i32>} : memref<1x256xf32, #tpu.memory_space<vmem>>, vector<1x256xf32>,
    } else {
    }
    return
  }
  func.func @transform_0(%arg0: i32) -> (i32, i32) {
    %c0_i32 = arith.constant 0 : i32
    %c0_i32_0 = arith.constant 0 : i32
    return %arg0, %c0_i32 : i32, i32
  }
  func.func @transform_1(%arg0: i32) -> (i32, i32) {
    %c0_i32 = arith.constant 0 : i32
    %c0_i32_0 = arith.constant 0 : i32
    %c0_i32_1 = arith.constant 0 : i32
    return %c0_i32, %c0_i32_0 : i32, i32
  }
  func.func @transform_2(%arg0: i32) -> (i32, i32) {
    %c0_i32 = arith.constant 0 : i32
    %c0_i32_0 = arith.constant 0 : i32
    %c0_i32_1 = arith.constant 0 : i32
    return %c0_i32, %c0_i32_0 : i32, i32
  }
  func.func @transform_3(%arg0: i32) -> (i32, i32) {
    %c0_i32 = arith.constant 0 : i32
    %c0_i32_0 = arith.constant 0 : i32
    %c0_i32_1 = arith.constant 0 : i32
    return %c0_i32, %c0_i32_0 : i32, i32
  }
  func.func @transform_4(%arg0: i32) -> (i32, i32) {
    %c0_i32 = arith.constant 0 : i32
    %c0_i32_0 = arith.constant 0 : i32
    %c0_i32_1 = arith.constant 0 : i32
    return %c0_i32, %c0_i32_0 : i32, i32
  }
  func.func @transform_5(%arg0: i32) -> (i32, i32) {
    %c0_i32 = arith.constant 0 : i32
    %c0_i32_0 = arith.constant 0 : i32
    return %arg0, %c0_i32 : i32, i32
  }
  func.func @transform_6(%arg0: i32) -> (i32, i32) {
    %c0_i32 = arith.constant 0 : i32
    %c0_i32_0 = arith.constant 0 : i32
    %c0_i32_1 = arith.constant 0 : i32
    return %c0_i32, %c0_i32_0 : i32, i32
  }
  func.func @transform_7(%arg0: i32) -> (i32, i32) {
    %c0_i32 = arith.constant 0 : i32
    %c0_i32_0 = arith.constant 0 : i32
    %c0_i32_1 = arith.constant 0 : i32
    return %c0_i32, %c0_i32_0 : i32, i32
  }
}

module attributes {stable_mosaic.version = 14 : i64} {
  func.func @_norm_body(%arg0: i32, %arg1: memref<2048x256xf32, #tpu.memory_space<vmem>>, %arg2: memref<1x256xf32, #tpu.memory_space<vmem>>, %arg3: memref<1x256xf32, #tpu.memory_space<vmem>>, %arg4: memref<2048x256xf32, #tpu.memory_space<vmem>>) attributes {dimension_semantics = [#tpu.dimension_semantics<arbitrary>], iteration_bounds = array<i64: 1>, scalar_prefetch = 0 : i64, scratch_operands = 0 : i64, tpu.core_type = #tpu.core_type<tc>, window_params = [{transform_indices = @transform_0, window_bounds = array<i64: 2048, 256>}, {pipeline_mode = #tpu.pipeline_mode<synchronous>, transform_indices = @transform_1, window_bounds = array<i64: 1, 256>}, {pipeline_mode = #tpu.pipeline_mode<synchronous>, transform_indices = @transform_2, window_bounds = array<i64: 1, 256>}, {transform_indices = @transform_3, window_bounds = array<i64: 2048, 256>}]} {
    %get3A = arith.constant 0 : index
    %get3A_0 = arith.constant 0 : index
    %get3A_1 = vector.load %arg1[%get3A, %get3A_0] : memref<2048x256xf32, #tpu.memory_space<vmem>>, vector<2048x256xf32>
    %get3A_2 = arith.constant 0 : index
    %get3A_3 = arith.constant 0 : index
    %get3A_4 = vector.load %arg2[%get3A_2, %get3A_3] : memref<1x256xf32, #tpu.memory_space<vmem>>, vector<1x256xf32>
    %mul3A = vector.broadcast %get3A_4 : vector<1x256xf32> to vector<2048x256xf32>
    %mul3A_5 = arith.mulf %get3A_1, %mul3A : vector<2048x256xf32>
    %get3A_6 = arith.constant 0 : index
    %get3A_7 = arith.constant 0 : index
    %get3A_8 = vector.load %arg3[%get3A_6, %get3A_7] : memref<1x256xf32, #tpu.memory_space<vmem>>, vector<1x256xf32>
    %add3A = vector.broadcast %get3A_8 : vector<1x256xf32> to vector<2048x256xf32>
    %add3A_9 = arith.addf %mul3A_5, %add3A : vector<2048x256xf32>
    %max3A = arith.constant 0.000000e+00 : f32
    %max3A_10 = vector.broadcast %max3A : f32 to vector<2048x256xf32>
    %max3A_11 = arith.maximumf %add3A_9, %max3A_10 : vector<2048x256xf32>
    %swap3A = arith.constant 0 : index
    %swap3A_12 = arith.constant 0 : index
    %swap3A_13 = vector.load %arg4[%swap3A, %swap3A_12] : memref<2048x256xf32, #tpu.memory_space<vmem>>, vector<2048x256xf32>
    tpu.vector_store %arg4[%swap3A, %swap3A_12], %max3A_11 {strides = array<i32>} : memref<2048x256xf32, #tpu.memory_space<vmem>>, vector<2048x256xf32>,
    return
  }
  func.func @transform_0(%arg0: i32) -> (i32, i32) {
    %c0_i32 = arith.constant 0 : i32
    %c0_i32_0 = arith.constant 0 : i32
    return %arg0, %c0_i32 : i32, i32
  }
  func.func @transform_1(%arg0: i32) -> (i32, i32) {
    %c0_i32 = arith.constant 0 : i32
    %c0_i32_0 = arith.constant 0 : i32
    %c0_i32_1 = arith.constant 0 : i32
    return %c0_i32, %c0_i32_0 : i32, i32
  }
  func.func @transform_2(%arg0: i32) -> (i32, i32) {
    %c0_i32 = arith.constant 0 : i32
    %c0_i32_0 = arith.constant 0 : i32
    %c0_i32_1 = arith.constant 0 : i32
    return %c0_i32, %c0_i32_0 : i32, i32
  }
  func.func @transform_3(%arg0: i32) -> (i32, i32) {
    %c0_i32 = arith.constant 0 : i32
    %c0_i32_0 = arith.constant 0 : i32
    return %arg0, %c0_i32 : i32, i32
  }
}

module attributes {stable_mosaic.version = 14 : i64} {
  func.func @_wgather_body(%arg0: i32, %arg1: i32, %arg2: memref<1x512x3xi32, #tpu.memory_space<vmem>>, %arg3: memref<1x512x3xf32, #tpu.memory_space<vmem>>, %arg4: memref<1x256x256xf32, #tpu.memory_space<vmem>>, %arg5: memref<1x512x256xf32, #tpu.memory_space<vmem>>) attributes {dimension_semantics = [#tpu.dimension_semantics<arbitrary>, #tpu.dimension_semantics<arbitrary>], iteration_bounds = array<i64: 8, 2>, scalar_prefetch = 0 : i64, scratch_operands = 0 : i64, tpu.core_type = #tpu.core_type<tc>, window_params = [{transform_indices = @transform_0, window_bounds = array<i64: 1, 512, 3>}, {transform_indices = @transform_1, window_bounds = array<i64: 1, 512, 3>}, {transform_indices = @transform_2, window_bounds = array<i64: 1, 256, 256>}, {transform_indices = @transform_3, window_bounds = array<i64: 1, 512, 256>}]} {
    %get3A = arith.constant 0 : index
    %get3A_0 = arith.constant 0 : index
    %get3A_1 = arith.constant 0 : index
    %get3A_2 = vector.load %arg2[%get3A, %get3A_0, %get3A_1] : memref<1x512x3xi32, #tpu.memory_space<vmem>>, vector<1x512x3xi32>
    %get3A_3 = vector.shape_cast %get3A_2 : vector<1x512x3xi32> to vector<512x3xi32>
    %get3A_4 = arith.constant 0 : index
    %get3A_5 = arith.constant 0 : index
    %get3A_6 = arith.constant 0 : index
    %get3A_7 = vector.load %arg3[%get3A_4, %get3A_5, %get3A_6] : memref<1x512x3xf32, #tpu.memory_space<vmem>>, vector<1x512x3xf32>
    %get3A_8 = vector.shape_cast %get3A_7 : vector<1x512x3xf32> to vector<512x3xf32>
    %get3A_9 = arith.constant 0 : index
    %get3A_10 = arith.constant 0 : index
    %get3A_11 = arith.constant 0 : index
    %get3A_12 = vector.load %arg4[%get3A_9, %get3A_10, %get3A_11] : memref<1x256x256xf32, #tpu.memory_space<vmem>>, vector<1x256x256xf32>
    %get3A_13 = vector.shape_cast %get3A_12 : vector<1x256x256xf32> to vector<256x256xf32>
    %iota3A = tpu.iota {dimensions = array<i32: 1>} : vector<512x256xi32>
    %broadcast_in_dim3A = arith.constant 0.000000e+00 : f32
    %broadcast_in_dim3A_14 = vector.broadcast %broadcast_in_dim3A : f32 to vector<512x256xf32>
    %slice3A = vector.extract_strided_slice %get3A_8 {offsets = [0, 0], sizes = [512, 1], strides = [1, 1]} : vector<512x3xf32> to vector<512x1xf32>
    %slice3A_15 = vector.extract_strided_slice %get3A_3 {offsets = [0, 0], sizes = [512, 1], strides = [1, 1]} : vector<512x3xi32> to vector<512x1xi32>
    %eq3A = vector.broadcast %slice3A_15 : vector<512x1xi32> to vector<512x256xi32>
    %eq3A_16 = arith.cmpi eq, %iota3A, %eq3A : vector<512x256xi32>
    %convert_element_type3A = arith.extui %eq3A_16 : vector<512x256xi1> to vector<512x256xi32>
    %convert_element_type3A_17 = arith.sitofp %convert_element_type3A : vector<512x256xi32> to vector<512x256xf32>
    %mul3A = vector.broadcast %slice3A : vector<512x1xf32> to vector<512x256xf32>
    %mul3A_18 = arith.mulf %mul3A, %convert_element_type3A_17 : vector<512x256xf32>
    %add3A = arith.addf %broadcast_in_dim3A_14, %mul3A_18 : vector<512x256xf32>
    %slice3A_19 = vector.extract_strided_slice %get3A_8 {offsets = [0, 1], sizes = [512, 1], strides = [1, 1]} : vector<512x3xf32> to vector<512x1xf32>
    %slice3A_20 = vector.extract_strided_slice %get3A_3 {offsets = [0, 1], sizes = [512, 1], strides = [1, 1]} : vector<512x3xi32> to vector<512x1xi32>
    %eq3A_21 = vector.broadcast %slice3A_20 : vector<512x1xi32> to vector<512x256xi32>
    %eq3A_22 = arith.cmpi eq, %iota3A, %eq3A_21 : vector<512x256xi32>
    %convert_element_type3A_23 = arith.extui %eq3A_22 : vector<512x256xi1> to vector<512x256xi32>
    %convert_element_type3A_24 = arith.sitofp %convert_element_type3A_23 : vector<512x256xi32> to vector<512x256xf32>
    %mul3A_25 = vector.broadcast %slice3A_19 : vector<512x1xf32> to vector<512x256xf32>
    %mul3A_26 = arith.mulf %mul3A_25, %convert_element_type3A_24 : vector<512x256xf32>
    %add3A_27 = arith.addf %add3A, %mul3A_26 : vector<512x256xf32>
    %slice3A_28 = vector.extract_strided_slice %get3A_8 {offsets = [0, 2], sizes = [512, 1], strides = [1, 1]} : vector<512x3xf32> to vector<512x1xf32>
    %slice3A_29 = vector.extract_strided_slice %get3A_3 {offsets = [0, 2], sizes = [512, 1], strides = [1, 1]} : vector<512x3xi32> to vector<512x1xi32>
    %eq3A_30 = vector.broadcast %slice3A_29 : vector<512x1xi32> to vector<512x256xi32>
    %eq3A_31 = arith.cmpi eq, %iota3A, %eq3A_30 : vector<512x256xi32>
    %convert_element_type3A_32 = arith.extui %eq3A_31 : vector<512x256xi1> to vector<512x256xi32>
    %convert_element_type3A_33 = arith.sitofp %convert_element_type3A_32 : vector<512x256xi32> to vector<512x256xf32>
    %mul3A_34 = vector.broadcast %slice3A_28 : vector<512x1xf32> to vector<512x256xf32>
    %mul3A_35 = arith.mulf %mul3A_34, %convert_element_type3A_33 : vector<512x256xf32>
    %add3A_36 = arith.addf %add3A_27, %mul3A_35 : vector<512x256xf32>
    %dot_general3A = arith.constant dense<0.000000e+00> : vector<512x256xf32>
    %dot_general3A_37 = tpu.matmul %add3A_36, %get3A_13, %dot_general3A {dimension_numbers = #tpu.dot_dimension_numbers<[1], [0], [0], [1], [0, 0, 1, 1], [], []>, precision = #tpu.contract_precision<fp32>, transpose_lhs_hint = false} : vector<512x256xf32>, vector<256x256xf32>, vector<512x256xf32> -> vector<512x256xf32>
    %swap3A = arith.constant 0 : index
    %swap3A_38 = arith.constant 0 : index
    %swap3A_39 = arith.constant 0 : index
    %swap3A_40 = vector.load %arg5[%swap3A, %swap3A_38, %swap3A_39] : memref<1x512x256xf32, #tpu.memory_space<vmem>>, vector<1x512x256xf32>
    %swap3A_41 = vector.shape_cast %swap3A_40 : vector<1x512x256xf32> to vector<512x256xf32>
    %swap3A_42 = vector.shape_cast %dot_general3A_37 : vector<512x256xf32> to vector<1x512x256xf32>
    tpu.vector_store %arg5[%swap3A, %swap3A_38, %swap3A_39], %swap3A_42 {strides = array<i32>} : memref<1x512x256xf32, #tpu.memory_space<vmem>>, vector<1x512x256xf32>,
    return
  }
  func.func @transform_0(%arg0: i32, %arg1: i32) -> (i32, i32, i32) {
    %c0_i32 = arith.constant 0 : i32
    %c0_i32_0 = arith.constant 0 : i32
    return %arg0, %arg1, %c0_i32 : i32, i32, i32
  }
  func.func @transform_1(%arg0: i32, %arg1: i32) -> (i32, i32, i32) {
    %c0_i32 = arith.constant 0 : i32
    %c0_i32_0 = arith.constant 0 : i32
    return %arg0, %arg1, %c0_i32 : i32, i32, i32
  }
  func.func @transform_2(%arg0: i32, %arg1: i32) -> (i32, i32, i32) {
    %c0_i32 = arith.constant 0 : i32
    %c0_i32_0 = arith.constant 0 : i32
    %c0_i32_1 = arith.constant 0 : i32
    return %arg0, %c0_i32, %c0_i32_0 : i32, i32, i32
  }
  func.func @transform_3(%arg0: i32, %arg1: i32) -> (i32, i32, i32) {
    %c0_i32 = arith.constant 0 : i32
    %c0_i32_0 = arith.constant 0 : i32
    return %arg0, %arg1, %c0_i32 : i32, i32, i32
  }
}

module attributes {stable_mosaic.version = 14 : i64} {
  func.func @_layer_body(%arg0: i32, %arg1: memref<2048x320xf32, #tpu.memory_space<vmem>>, %arg2: memref<1x320xf32, #tpu.memory_space<vmem>>, %arg3: memref<1x320xf32, #tpu.memory_space<vmem>>, %arg4: memref<320x256xf32, #tpu.memory_space<vmem>>, %arg5: memref<1x256xf32, #tpu.memory_space<vmem>>, %arg6: memref<2048x256xf32, #tpu.memory_space<vmem>>, %arg7: memref<1x256xf32, #tpu.memory_space<vmem>>, %arg8: memref<1x256xf32, #tpu.memory_space<vmem>>) attributes {dimension_semantics = [#tpu.dimension_semantics<arbitrary>], iteration_bounds = array<i64: 4>, scalar_prefetch = 0 : i64, scratch_operands = 0 : i64, tpu.core_type = #tpu.core_type<tc>, window_params = [{transform_indices = @transform_0, window_bounds = array<i64: 2048, 320>}, {pipeline_mode = #tpu.pipeline_mode<synchronous>, transform_indices = @transform_1, window_bounds = array<i64: 1, 320>}, {pipeline_mode = #tpu.pipeline_mode<synchronous>, transform_indices = @transform_2, window_bounds = array<i64: 1, 320>}, {pipeline_mode = #tpu.pipeline_mode<synchronous>, transform_indices = @transform_3, window_bounds = array<i64: 320, 256>}, {pipeline_mode = #tpu.pipeline_mode<synchronous>, transform_indices = @transform_4, window_bounds = array<i64: 1, 256>}, {transform_indices = @transform_5, window_bounds = array<i64: 2048, 256>}, {pipeline_mode = #tpu.pipeline_mode<synchronous>, transform_indices = @transform_6, window_bounds = array<i64: 1, 256>}, {pipeline_mode = #tpu.pipeline_mode<synchronous>, transform_indices = @transform_7, window_bounds = array<i64: 1, 256>}]} {
    %get3A = arith.constant 0 : index
    %get3A_0 = arith.constant 0 : index
    %get3A_1 = vector.load %arg1[%get3A, %get3A_0] : memref<2048x320xf32, #tpu.memory_space<vmem>>, vector<2048x320xf32>
    %get3A_2 = arith.constant 0 : index
    %get3A_3 = arith.constant 0 : index
    %get3A_4 = vector.load %arg4[%get3A_2, %get3A_3] : memref<320x256xf32, #tpu.memory_space<vmem>>, vector<320x256xf32>
    %dot_general3A = arith.constant dense<0.000000e+00> : vector<2048x256xf32>
    %dot_general3A_5 = tpu.matmul %get3A_1, %get3A_4, %dot_general3A {dimension_numbers = #tpu.dot_dimension_numbers<[1], [0], [0], [1], [0, 0, 1, 1], [], []>, transpose_lhs_hint = false} : vector<2048x320xf32>, vector<320x256xf32>, vector<2048x256xf32> -> vector<2048x256xf32>
    %get3A_6 = arith.constant 0 : index
    %get3A_7 = arith.constant 0 : index
    %get3A_8 = vector.load %arg5[%get3A_6, %get3A_7] : memref<1x256xf32, #tpu.memory_space<vmem>>, vector<1x256xf32>
    %add3A = vector.broadcast %get3A_8 : vector<1x256xf32> to vector<2048x256xf32>
    %add3A_9 = arith.addf %dot_general3A_5, %add3A : vector<2048x256xf32>
    %swap3A = arith.constant 0 : index
    %swap3A_10 = arith.constant 0 : index
    %swap3A_11 = vector.load %arg6[%swap3A, %swap3A_10] : memref<2048x256xf32, #tpu.memory_space<vmem>>, vector<2048x256xf32>
    tpu.vector_store %arg6[%swap3A, %swap3A_10], %add3A_9 {strides = array<i32>} : memref<2048x256xf32, #tpu.memory_space<vmem>>, vector<2048x256xf32>,
    %reduce_sum3A = arith.constant dense<0.000000e+00> : vector<256xf32>
    %reduce_sum3A_12 = vector.multi_reduction <add>, %add3A_9, %reduce_sum3A [0] : vector<2048x256xf32> to vector<256xf32>
    %broadcast_in_dim3A = vector.shape_cast %reduce_sum3A_12 : vector<256xf32> to vector<1x256xf32>
    %mul3A = arith.mulf %add3A_9, %add3A_9 : vector<2048x256xf32>
    %reduce_sum3A_13 = arith.constant dense<0.000000e+00> : vector<256xf32>
    %reduce_sum3A_14 = vector.multi_reduction <add>, %mul3A, %reduce_sum3A_13 [0] : vector<2048x256xf32> to vector<256xf32>
    %broadcast_in_dim3A_15 = vector.shape_cast %reduce_sum3A_14 : vector<256xf32> to vector<1x256xf32>
    %eq3A = arith.constant 0 : i32
    %eq3A_16 = arith.cmpi eq, %arg0, %eq3A : i32
    %convert_element_type3A = arith.extui %eq3A_16 : i1 to i32
    %cond3A = arith.constant 0 : i32
    %cond3A_17 = arith.cmpi ne, %convert_element_type3A, %cond3A : i32
    scf.if %cond3A_17 {
      %swap3A_22 = arith.constant 0 : index
      %swap3A_23 = arith.constant 0 : index
      %swap3A_24 = vector.load %arg7[%swap3A_22, %swap3A_23] : memref<1x256xf32, #tpu.memory_space<vmem>>, vector<1x256xf32>
      tpu.vector_store %arg7[%swap3A_22, %swap3A_23], %broadcast_in_dim3A {strides = array<i32>} : memref<1x256xf32, #tpu.memory_space<vmem>>, vector<1x256xf32>,
      %swap3A_25 = arith.constant 0 : index
      %swap3A_26 = arith.constant 0 : index
      %swap3A_27 = vector.load %arg8[%swap3A_25, %swap3A_26] : memref<1x256xf32, #tpu.memory_space<vmem>>, vector<1x256xf32>
      tpu.vector_store %arg8[%swap3A_25, %swap3A_26], %broadcast_in_dim3A_15 {strides = array<i32>} : memref<1x256xf32, #tpu.memory_space<vmem>>, vector<1x256xf32>,
    } else {
    }
    %ne3A = arith.constant 0 : i32
    %ne3A_18 = arith.cmpi ne, %arg0, %ne3A : i32
    %convert_element_type3A_19 = arith.extui %ne3A_18 : i1 to i32
    %cond3A_20 = arith.constant 0 : i32
    %cond3A_21 = arith.cmpi ne, %convert_element_type3A_19, %cond3A_20 : i32
    scf.if %cond3A_21 {
      %get3A_22 = arith.constant 0 : index
      %get3A_23 = arith.constant 0 : index
      %get3A_24 = vector.load %arg7[%get3A_22, %get3A_23] : memref<1x256xf32, #tpu.memory_space<vmem>>, vector<1x256xf32>
      %add3A_25 = arith.addf %get3A_24, %broadcast_in_dim3A : vector<1x256xf32>
      %swap3A_26 = arith.constant 0 : index
      %swap3A_27 = arith.constant 0 : index
      %swap3A_28 = vector.load %arg7[%swap3A_26, %swap3A_27] : memref<1x256xf32, #tpu.memory_space<vmem>>, vector<1x256xf32>
      tpu.vector_store %arg7[%swap3A_26, %swap3A_27], %add3A_25 {strides = array<i32>} : memref<1x256xf32, #tpu.memory_space<vmem>>, vector<1x256xf32>,
      %get3A_29 = arith.constant 0 : index
      %get3A_30 = arith.constant 0 : index
      %get3A_31 = vector.load %arg8[%get3A_29, %get3A_30] : memref<1x256xf32, #tpu.memory_space<vmem>>, vector<1x256xf32>
      %add3A_32 = arith.addf %get3A_31, %broadcast_in_dim3A_15 : vector<1x256xf32>
      %swap3A_33 = arith.constant 0 : index
      %swap3A_34 = arith.constant 0 : index
      %swap3A_35 = vector.load %arg8[%swap3A_33, %swap3A_34] : memref<1x256xf32, #tpu.memory_space<vmem>>, vector<1x256xf32>
      tpu.vector_store %arg8[%swap3A_33, %swap3A_34], %add3A_32 {strides = array<i32>} : memref<1x256xf32, #tpu.memory_space<vmem>>, vector<1x256xf32>,
    } else {
    }
    return
  }
  func.func @transform_0(%arg0: i32) -> (i32, i32) {
    %c0_i32 = arith.constant 0 : i32
    %c0_i32_0 = arith.constant 0 : i32
    return %arg0, %c0_i32 : i32, i32
  }
  func.func @transform_1(%arg0: i32) -> (i32, i32) {
    %c0_i32 = arith.constant 0 : i32
    %c0_i32_0 = arith.constant 0 : i32
    %c0_i32_1 = arith.constant 0 : i32
    return %c0_i32, %c0_i32_0 : i32, i32
  }
  func.func @transform_2(%arg0: i32) -> (i32, i32) {
    %c0_i32 = arith.constant 0 : i32
    %c0_i32_0 = arith.constant 0 : i32
    %c0_i32_1 = arith.constant 0 : i32
    return %c0_i32, %c0_i32_0 : i32, i32
  }
  func.func @transform_3(%arg0: i32) -> (i32, i32) {
    %c0_i32 = arith.constant 0 : i32
    %c0_i32_0 = arith.constant 0 : i32
    %c0_i32_1 = arith.constant 0 : i32
    return %c0_i32, %c0_i32_0 : i32, i32
  }
  func.func @transform_4(%arg0: i32) -> (i32, i32) {
    %c0_i32 = arith.constant 0 : i32
    %c0_i32_0 = arith.constant 0 : i32
    %c0_i32_1 = arith.constant 0 : i32
    return %c0_i32, %c0_i32_0 : i32, i32
  }
  func.func @transform_5(%arg0: i32) -> (i32, i32) {
    %c0_i32 = arith.constant 0 : i32
    %c0_i32_0 = arith.constant 0 : i32
    return %arg0, %c0_i32 : i32, i32
  }
  func.func @transform_6(%arg0: i32) -> (i32, i32) {
    %c0_i32 = arith.constant 0 : i32
    %c0_i32_0 = arith.constant 0 : i32
    %c0_i32_1 = arith.constant 0 : i32
    return %c0_i32, %c0_i32_0 : i32, i32
  }
  func.func @transform_7(%arg0: i32) -> (i32, i32) {
    %c0_i32 = arith.constant 0 : i32
    %c0_i32_0 = arith.constant 0 : i32
    %c0_i32_1 = arith.constant 0 : i32
    return %c0_i32, %c0_i32_0 : i32, i32
  }
}

module attributes {stable_mosaic.version = 14 : i64} {
  func.func @_layer_body(%arg0: i32, %arg1: memref<2048x256xf32, #tpu.memory_space<vmem>>, %arg2: memref<1x256xf32, #tpu.memory_space<vmem>>, %arg3: memref<1x256xf32, #tpu.memory_space<vmem>>, %arg4: memref<256x128xf32, #tpu.memory_space<vmem>>, %arg5: memref<1x128xf32, #tpu.memory_space<vmem>>, %arg6: memref<2048x128xf32, #tpu.memory_space<vmem>>, %arg7: memref<1x128xf32, #tpu.memory_space<vmem>>, %arg8: memref<1x128xf32, #tpu.memory_space<vmem>>) attributes {dimension_semantics = [#tpu.dimension_semantics<arbitrary>], iteration_bounds = array<i64: 4>, scalar_prefetch = 0 : i64, scratch_operands = 0 : i64, tpu.core_type = #tpu.core_type<tc>, window_params = [{transform_indices = @transform_0, window_bounds = array<i64: 2048, 256>}, {pipeline_mode = #tpu.pipeline_mode<synchronous>, transform_indices = @transform_1, window_bounds = array<i64: 1, 256>}, {pipeline_mode = #tpu.pipeline_mode<synchronous>, transform_indices = @transform_2, window_bounds = array<i64: 1, 256>}, {pipeline_mode = #tpu.pipeline_mode<synchronous>, transform_indices = @transform_3, window_bounds = array<i64: 256, 128>}, {pipeline_mode = #tpu.pipeline_mode<synchronous>, transform_indices = @transform_4, window_bounds = array<i64: 1, 128>}, {transform_indices = @transform_5, window_bounds = array<i64: 2048, 128>}, {pipeline_mode = #tpu.pipeline_mode<synchronous>, transform_indices = @transform_6, window_bounds = array<i64: 1, 128>}, {pipeline_mode = #tpu.pipeline_mode<synchronous>, transform_indices = @transform_7, window_bounds = array<i64: 1, 128>}]} {
    %get3A = arith.constant 0 : index
    %get3A_0 = arith.constant 0 : index
    %get3A_1 = vector.load %arg1[%get3A, %get3A_0] : memref<2048x256xf32, #tpu.memory_space<vmem>>, vector<2048x256xf32>
    %get3A_2 = arith.constant 0 : index
    %get3A_3 = arith.constant 0 : index
    %get3A_4 = vector.load %arg2[%get3A_2, %get3A_3] : memref<1x256xf32, #tpu.memory_space<vmem>>, vector<1x256xf32>
    %mul3A = vector.broadcast %get3A_4 : vector<1x256xf32> to vector<2048x256xf32>
    %mul3A_5 = arith.mulf %get3A_1, %mul3A : vector<2048x256xf32>
    %get3A_6 = arith.constant 0 : index
    %get3A_7 = arith.constant 0 : index
    %get3A_8 = vector.load %arg3[%get3A_6, %get3A_7] : memref<1x256xf32, #tpu.memory_space<vmem>>, vector<1x256xf32>
    %add3A = vector.broadcast %get3A_8 : vector<1x256xf32> to vector<2048x256xf32>
    %add3A_9 = arith.addf %mul3A_5, %add3A : vector<2048x256xf32>
    %max3A = arith.constant 0.000000e+00 : f32
    %max3A_10 = vector.broadcast %max3A : f32 to vector<2048x256xf32>
    %max3A_11 = arith.maximumf %add3A_9, %max3A_10 : vector<2048x256xf32>
    %get3A_12 = arith.constant 0 : index
    %get3A_13 = arith.constant 0 : index
    %get3A_14 = vector.load %arg4[%get3A_12, %get3A_13] : memref<256x128xf32, #tpu.memory_space<vmem>>, vector<256x128xf32>
    %dot_general3A = arith.constant dense<0.000000e+00> : vector<2048x128xf32>
    %dot_general3A_15 = tpu.matmul %max3A_11, %get3A_14, %dot_general3A {dimension_numbers = #tpu.dot_dimension_numbers<[1], [0], [0], [1], [0, 0, 1, 1], [], []>, transpose_lhs_hint = false} : vector<2048x256xf32>, vector<256x128xf32>, vector<2048x128xf32> -> vector<2048x128xf32>
    %get3A_16 = arith.constant 0 : index
    %get3A_17 = arith.constant 0 : index
    %get3A_18 = vector.load %arg5[%get3A_16, %get3A_17] : memref<1x128xf32, #tpu.memory_space<vmem>>, vector<1x128xf32>
    %add3A_19 = vector.broadcast %get3A_18 : vector<1x128xf32> to vector<2048x128xf32>
    %add3A_20 = arith.addf %dot_general3A_15, %add3A_19 : vector<2048x128xf32>
    %swap3A = arith.constant 0 : index
    %swap3A_21 = arith.constant 0 : index
    %swap3A_22 = vector.load %arg6[%swap3A, %swap3A_21] : memref<2048x128xf32, #tpu.memory_space<vmem>>, vector<2048x128xf32>
    tpu.vector_store %arg6[%swap3A, %swap3A_21], %add3A_20 {strides = array<i32>} : memref<2048x128xf32, #tpu.memory_space<vmem>>, vector<2048x128xf32>,
    %reduce_sum3A = arith.constant dense<0.000000e+00> : vector<128xf32>
    %reduce_sum3A_23 = vector.multi_reduction <add>, %add3A_20, %reduce_sum3A [0] : vector<2048x128xf32> to vector<128xf32>
    %broadcast_in_dim3A = vector.shape_cast %reduce_sum3A_23 : vector<128xf32> to vector<1x128xf32>
    %mul3A_24 = arith.mulf %add3A_20, %add3A_20 : vector<2048x128xf32>
    %reduce_sum3A_25 = arith.constant dense<0.000000e+00> : vector<128xf32>
    %reduce_sum3A_26 = vector.multi_reduction <add>, %mul3A_24, %reduce_sum3A_25 [0] : vector<2048x128xf32> to vector<128xf32>
    %broadcast_in_dim3A_27 = vector.shape_cast %reduce_sum3A_26 : vector<128xf32> to vector<1x128xf32>
    %eq3A = arith.constant 0 : i32
    %eq3A_28 = arith.cmpi eq, %arg0, %eq3A : i32
    %convert_element_type3A = arith.extui %eq3A_28 : i1 to i32
    %cond3A = arith.constant 0 : i32
    %cond3A_29 = arith.cmpi ne, %convert_element_type3A, %cond3A : i32
    scf.if %cond3A_29 {
      %swap3A_34 = arith.constant 0 : index
      %swap3A_35 = arith.constant 0 : index
      %swap3A_36 = vector.load %arg7[%swap3A_34, %swap3A_35] : memref<1x128xf32, #tpu.memory_space<vmem>>, vector<1x128xf32>
      tpu.vector_store %arg7[%swap3A_34, %swap3A_35], %broadcast_in_dim3A {strides = array<i32>} : memref<1x128xf32, #tpu.memory_space<vmem>>, vector<1x128xf32>,
      %swap3A_37 = arith.constant 0 : index
      %swap3A_38 = arith.constant 0 : index
      %swap3A_39 = vector.load %arg8[%swap3A_37, %swap3A_38] : memref<1x128xf32, #tpu.memory_space<vmem>>, vector<1x128xf32>
      tpu.vector_store %arg8[%swap3A_37, %swap3A_38], %broadcast_in_dim3A_27 {strides = array<i32>} : memref<1x128xf32, #tpu.memory_space<vmem>>, vector<1x128xf32>,
    } else {
    }
    %ne3A = arith.constant 0 : i32
    %ne3A_30 = arith.cmpi ne, %arg0, %ne3A : i32
    %convert_element_type3A_31 = arith.extui %ne3A_30 : i1 to i32
    %cond3A_32 = arith.constant 0 : i32
    %cond3A_33 = arith.cmpi ne, %convert_element_type3A_31, %cond3A_32 : i32
    scf.if %cond3A_33 {
      %get3A_34 = arith.constant 0 : index
      %get3A_35 = arith.constant 0 : index
      %get3A_36 = vector.load %arg7[%get3A_34, %get3A_35] : memref<1x128xf32, #tpu.memory_space<vmem>>, vector<1x128xf32>
      %add3A_37 = arith.addf %get3A_36, %broadcast_in_dim3A : vector<1x128xf32>
      %swap3A_38 = arith.constant 0 : index
      %swap3A_39 = arith.constant 0 : index
      %swap3A_40 = vector.load %arg7[%swap3A_38, %swap3A_39] : memref<1x128xf32, #tpu.memory_space<vmem>>, vector<1x128xf32>
      tpu.vector_store %arg7[%swap3A_38, %swap3A_39], %add3A_37 {strides = array<i32>} : memref<1x128xf32, #tpu.memory_space<vmem>>, vector<1x128xf32>,
      %get3A_41 = arith.constant 0 : index
      %get3A_42 = arith.constant 0 : index
      %get3A_43 = vector.load %arg8[%get3A_41, %get3A_42] : memref<1x128xf32, #tpu.memory_space<vmem>>, vector<1x128xf32>
      %add3A_44 = arith.addf %get3A_43, %broadcast_in_dim3A_27 : vector<1x128xf32>
      %swap3A_45 = arith.constant 0 : index
      %swap3A_46 = arith.constant 0 : index
      %swap3A_47 = vector.load %arg8[%swap3A_45, %swap3A_46] : memref<1x128xf32, #tpu.memory_space<vmem>>, vector<1x128xf32>
      tpu.vector_store %arg8[%swap3A_45, %swap3A_46], %add3A_44 {strides = array<i32>} : memref<1x128xf32, #tpu.memory_space<vmem>>, vector<1x128xf32>,
    } else {
    }
    return
  }
  func.func @transform_0(%arg0: i32) -> (i32, i32) {
    %c0_i32 = arith.constant 0 : i32
    %c0_i32_0 = arith.constant 0 : i32
    return %arg0, %c0_i32 : i32, i32
  }
  func.func @transform_1(%arg0: i32) -> (i32, i32) {
    %c0_i32 = arith.constant 0 : i32
    %c0_i32_0 = arith.constant 0 : i32
    %c0_i32_1 = arith.constant 0 : i32
    return %c0_i32, %c0_i32_0 : i32, i32
  }
  func.func @transform_2(%arg0: i32) -> (i32, i32) {
    %c0_i32 = arith.constant 0 : i32
    %c0_i32_0 = arith.constant 0 : i32
    %c0_i32_1 = arith.constant 0 : i32
    return %c0_i32, %c0_i32_0 : i32, i32
  }
  func.func @transform_3(%arg0: i32) -> (i32, i32) {
    %c0_i32 = arith.constant 0 : i32
    %c0_i32_0 = arith.constant 0 : i32
    %c0_i32_1 = arith.constant 0 : i32
    return %c0_i32, %c0_i32_0 : i32, i32
  }
  func.func @transform_4(%arg0: i32) -> (i32, i32) {
    %c0_i32 = arith.constant 0 : i32
    %c0_i32_0 = arith.constant 0 : i32
    %c0_i32_1 = arith.constant 0 : i32
    return %c0_i32, %c0_i32_0 : i32, i32
  }
  func.func @transform_5(%arg0: i32) -> (i32, i32) {
    %c0_i32 = arith.constant 0 : i32
    %c0_i32_0 = arith.constant 0 : i32
    return %arg0, %c0_i32 : i32, i32
  }
  func.func @transform_6(%arg0: i32) -> (i32, i32) {
    %c0_i32 = arith.constant 0 : i32
    %c0_i32_0 = arith.constant 0 : i32
    %c0_i32_1 = arith.constant 0 : i32
    return %c0_i32, %c0_i32_0 : i32, i32
  }
  func.func @transform_7(%arg0: i32) -> (i32, i32) {
    %c0_i32 = arith.constant 0 : i32
    %c0_i32_0 = arith.constant 0 : i32
    %c0_i32_1 = arith.constant 0 : i32
    return %c0_i32, %c0_i32_0 : i32, i32
  }
}

module attributes {stable_mosaic.version = 14 : i64} {
  func.func @_norm_body(%arg0: i32, %arg1: memref<4096x128xf32, #tpu.memory_space<vmem>>, %arg2: memref<1x128xf32, #tpu.memory_space<vmem>>, %arg3: memref<1x128xf32, #tpu.memory_space<vmem>>, %arg4: memref<4096x128xf32, #tpu.memory_space<vmem>>) attributes {dimension_semantics = [#tpu.dimension_semantics<arbitrary>], iteration_bounds = array<i64: 2>, scalar_prefetch = 0 : i64, scratch_operands = 0 : i64, tpu.core_type = #tpu.core_type<tc>, window_params = [{transform_indices = @transform_0, window_bounds = array<i64: 4096, 128>}, {pipeline_mode = #tpu.pipeline_mode<synchronous>, transform_indices = @transform_1, window_bounds = array<i64: 1, 128>}, {pipeline_mode = #tpu.pipeline_mode<synchronous>, transform_indices = @transform_2, window_bounds = array<i64: 1, 128>}, {transform_indices = @transform_3, window_bounds = array<i64: 4096, 128>}]} {
    %get3A = arith.constant 0 : index
    %get3A_0 = arith.constant 0 : index
    %get3A_1 = vector.load %arg1[%get3A, %get3A_0] : memref<4096x128xf32, #tpu.memory_space<vmem>>, vector<4096x128xf32>
    %get3A_2 = arith.constant 0 : index
    %get3A_3 = arith.constant 0 : index
    %get3A_4 = vector.load %arg2[%get3A_2, %get3A_3] : memref<1x128xf32, #tpu.memory_space<vmem>>, vector<1x128xf32>
    %mul3A = vector.broadcast %get3A_4 : vector<1x128xf32> to vector<4096x128xf32>
    %mul3A_5 = arith.mulf %get3A_1, %mul3A : vector<4096x128xf32>
    %get3A_6 = arith.constant 0 : index
    %get3A_7 = arith.constant 0 : index
    %get3A_8 = vector.load %arg3[%get3A_6, %get3A_7] : memref<1x128xf32, #tpu.memory_space<vmem>>, vector<1x128xf32>
    %add3A = vector.broadcast %get3A_8 : vector<1x128xf32> to vector<4096x128xf32>
    %add3A_9 = arith.addf %mul3A_5, %add3A : vector<4096x128xf32>
    %max3A = arith.constant 0.000000e+00 : f32
    %max3A_10 = vector.broadcast %max3A : f32 to vector<4096x128xf32>
    %max3A_11 = arith.maximumf %add3A_9, %max3A_10 : vector<4096x128xf32>
    %swap3A = arith.constant 0 : index
    %swap3A_12 = arith.constant 0 : index
    %swap3A_13 = vector.load %arg4[%swap3A, %swap3A_12] : memref<4096x128xf32, #tpu.memory_space<vmem>>, vector<4096x128xf32>
    tpu.vector_store %arg4[%swap3A, %swap3A_12], %max3A_11 {strides = array<i32>} : memref<4096x128xf32, #tpu.memory_space<vmem>>, vector<4096x128xf32>,
    return
  }
  func.func @transform_0(%arg0: i32) -> (i32, i32) {
    %c0_i32 = arith.constant 0 : i32
    %c0_i32_0 = arith.constant 0 : i32
    return %arg0, %c0_i32 : i32, i32
  }
  func.func @transform_1(%arg0: i32) -> (i32, i32) {
    %c0_i32 = arith.constant 0 : i32
    %c0_i32_0 = arith.constant 0 : i32
    %c0_i32_1 = arith.constant 0 : i32
    return %c0_i32, %c0_i32_0 : i32, i32
  }
  func.func @transform_2(%arg0: i32) -> (i32, i32) {
    %c0_i32 = arith.constant 0 : i32
    %c0_i32_0 = arith.constant 0 : i32
    %c0_i32_1 = arith.constant 0 : i32
    return %c0_i32, %c0_i32_0 : i32, i32
  }
  func.func @transform_3(%arg0: i32) -> (i32, i32) {
    %c0_i32 = arith.constant 0 : i32
    %c0_i32_0 = arith.constant 0 : i32
    return %arg0, %c0_i32 : i32, i32
  }
}

module attributes {stable_mosaic.version = 14 : i64} {
  func.func @_wgather_body(%arg0: i32, %arg1: i32, %arg2: memref<1x512x3xi32, #tpu.memory_space<vmem>>, %arg3: memref<1x512x3xf32, #tpu.memory_space<vmem>>, %arg4: memref<1x1024x128xf32, #tpu.memory_space<vmem>>, %arg5: memref<1x512x128xf32, #tpu.memory_space<vmem>>) attributes {dimension_semantics = [#tpu.dimension_semantics<arbitrary>, #tpu.dimension_semantics<arbitrary>], iteration_bounds = array<i64: 8, 8>, scalar_prefetch = 0 : i64, scratch_operands = 0 : i64, tpu.core_type = #tpu.core_type<tc>, window_params = [{transform_indices = @transform_0, window_bounds = array<i64: 1, 512, 3>}, {transform_indices = @transform_1, window_bounds = array<i64: 1, 512, 3>}, {transform_indices = @transform_2, window_bounds = array<i64: 1, 1024, 128>}, {transform_indices = @transform_3, window_bounds = array<i64: 1, 512, 128>}]} {
    %get3A = arith.constant 0 : index
    %get3A_0 = arith.constant 0 : index
    %get3A_1 = arith.constant 0 : index
    %get3A_2 = vector.load %arg2[%get3A, %get3A_0, %get3A_1] : memref<1x512x3xi32, #tpu.memory_space<vmem>>, vector<1x512x3xi32>
    %get3A_3 = vector.shape_cast %get3A_2 : vector<1x512x3xi32> to vector<512x3xi32>
    %get3A_4 = arith.constant 0 : index
    %get3A_5 = arith.constant 0 : index
    %get3A_6 = arith.constant 0 : index
    %get3A_7 = vector.load %arg3[%get3A_4, %get3A_5, %get3A_6] : memref<1x512x3xf32, #tpu.memory_space<vmem>>, vector<1x512x3xf32>
    %get3A_8 = vector.shape_cast %get3A_7 : vector<1x512x3xf32> to vector<512x3xf32>
    %get3A_9 = arith.constant 0 : index
    %get3A_10 = arith.constant 0 : index
    %get3A_11 = arith.constant 0 : index
    %get3A_12 = vector.load %arg4[%get3A_9, %get3A_10, %get3A_11] : memref<1x1024x128xf32, #tpu.memory_space<vmem>>, vector<1x1024x128xf32>
    %get3A_13 = vector.shape_cast %get3A_12 : vector<1x1024x128xf32> to vector<1024x128xf32>
    %iota3A = tpu.iota {dimensions = array<i32: 1>} : vector<512x1024xi32>
    %broadcast_in_dim3A = arith.constant 0.000000e+00 : f32
    %broadcast_in_dim3A_14 = vector.broadcast %broadcast_in_dim3A : f32 to vector<512x1024xf32>
    %slice3A = vector.extract_strided_slice %get3A_8 {offsets = [0, 0], sizes = [512, 1], strides = [1, 1]} : vector<512x3xf32> to vector<512x1xf32>
    %slice3A_15 = vector.extract_strided_slice %get3A_3 {offsets = [0, 0], sizes = [512, 1], strides = [1, 1]} : vector<512x3xi32> to vector<512x1xi32>
    %eq3A = vector.broadcast %slice3A_15 : vector<512x1xi32> to vector<512x1024xi32>
    %eq3A_16 = arith.cmpi eq, %iota3A, %eq3A : vector<512x1024xi32>
    %convert_element_type3A = arith.extui %eq3A_16 : vector<512x1024xi1> to vector<512x1024xi32>
    %convert_element_type3A_17 = arith.sitofp %convert_element_type3A : vector<512x1024xi32> to vector<512x1024xf32>
    %mul3A = vector.broadcast %slice3A : vector<512x1xf32> to vector<512x1024xf32>
    %mul3A_18 = arith.mulf %mul3A, %convert_element_type3A_17 : vector<512x1024xf32>
    %add3A = arith.addf %broadcast_in_dim3A_14, %mul3A_18 : vector<512x1024xf32>
    %slice3A_19 = vector.extract_strided_slice %get3A_8 {offsets = [0, 1], sizes = [512, 1], strides = [1, 1]} : vector<512x3xf32> to vector<512x1xf32>
    %slice3A_20 = vector.extract_strided_slice %get3A_3 {offsets = [0, 1], sizes = [512, 1], strides = [1, 1]} : vector<512x3xi32> to vector<512x1xi32>
    %eq3A_21 = vector.broadcast %slice3A_20 : vector<512x1xi32> to vector<512x1024xi32>
    %eq3A_22 = arith.cmpi eq, %iota3A, %eq3A_21 : vector<512x1024xi32>
    %convert_element_type3A_23 = arith.extui %eq3A_22 : vector<512x1024xi1> to vector<512x1024xi32>
    %convert_element_type3A_24 = arith.sitofp %convert_element_type3A_23 : vector<512x1024xi32> to vector<512x1024xf32>
    %mul3A_25 = vector.broadcast %slice3A_19 : vector<512x1xf32> to vector<512x1024xf32>
    %mul3A_26 = arith.mulf %mul3A_25, %convert_element_type3A_24 : vector<512x1024xf32>
    %add3A_27 = arith.addf %add3A, %mul3A_26 : vector<512x1024xf32>
    %slice3A_28 = vector.extract_strided_slice %get3A_8 {offsets = [0, 2], sizes = [512, 1], strides = [1, 1]} : vector<512x3xf32> to vector<512x1xf32>
    %slice3A_29 = vector.extract_strided_slice %get3A_3 {offsets = [0, 2], sizes = [512, 1], strides = [1, 1]} : vector<512x3xi32> to vector<512x1xi32>
    %eq3A_30 = vector.broadcast %slice3A_29 : vector<512x1xi32> to vector<512x1024xi32>
    %eq3A_31 = arith.cmpi eq, %iota3A, %eq3A_30 : vector<512x1024xi32>
    %convert_element_type3A_32 = arith.extui %eq3A_31 : vector<512x1024xi1> to vector<512x1024xi32>
    %convert_element_type3A_33 = arith.sitofp %convert_element_type3A_32 : vector<512x1024xi32> to vector<512x1024xf32>
    %mul3A_34 = vector.broadcast %slice3A_28 : vector<512x1xf32> to vector<512x1024xf32>
    %mul3A_35 = arith.mulf %mul3A_34, %convert_element_type3A_33 : vector<512x1024xf32>
    %add3A_36 = arith.addf %add3A_27, %mul3A_35 : vector<512x1024xf32>
    %dot_general3A = arith.constant dense<0.000000e+00> : vector<512x128xf32>
    %dot_general3A_37 = tpu.matmul %add3A_36, %get3A_13, %dot_general3A {dimension_numbers = #tpu.dot_dimension_numbers<[1], [0], [0], [1], [0, 0, 1, 1], [], []>, precision = #tpu.contract_precision<fp32>, transpose_lhs_hint = false} : vector<512x1024xf32>, vector<1024x128xf32>, vector<512x128xf32> -> vector<512x128xf32>
    %swap3A = arith.constant 0 : index
    %swap3A_38 = arith.constant 0 : index
    %swap3A_39 = arith.constant 0 : index
    %swap3A_40 = vector.load %arg5[%swap3A, %swap3A_38, %swap3A_39] : memref<1x512x128xf32, #tpu.memory_space<vmem>>, vector<1x512x128xf32>
    %swap3A_41 = vector.shape_cast %swap3A_40 : vector<1x512x128xf32> to vector<512x128xf32>
    %swap3A_42 = vector.shape_cast %dot_general3A_37 : vector<512x128xf32> to vector<1x512x128xf32>
    tpu.vector_store %arg5[%swap3A, %swap3A_38, %swap3A_39], %swap3A_42 {strides = array<i32>} : memref<1x512x128xf32, #tpu.memory_space<vmem>>, vector<1x512x128xf32>,
    return
  }
  func.func @transform_0(%arg0: i32, %arg1: i32) -> (i32, i32, i32) {
    %c0_i32 = arith.constant 0 : i32
    %c0_i32_0 = arith.constant 0 : i32
    return %arg0, %arg1, %c0_i32 : i32, i32, i32
  }
  func.func @transform_1(%arg0: i32, %arg1: i32) -> (i32, i32, i32) {
    %c0_i32 = arith.constant 0 : i32
    %c0_i32_0 = arith.constant 0 : i32
    return %arg0, %arg1, %c0_i32 : i32, i32, i32
  }
  func.func @transform_2(%arg0: i32, %arg1: i32) -> (i32, i32, i32) {
    %c0_i32 = arith.constant 0 : i32
    %c0_i32_0 = arith.constant 0 : i32
    %c0_i32_1 = arith.constant 0 : i32
    return %arg0, %c0_i32, %c0_i32_0 : i32, i32, i32
  }
  func.func @transform_3(%arg0: i32, %arg1: i32) -> (i32, i32, i32) {
    %c0_i32 = arith.constant 0 : i32
    %c0_i32_0 = arith.constant 0 : i32
    return %arg0, %arg1, %c0_i32 : i32, i32, i32
  }
}

module attributes {stable_mosaic.version = 14 : i64} {
  func.func @_layer_body(%arg0: i32, %arg1: memref<8192x128xf32, #tpu.memory_space<vmem>>, %arg2: memref<1x128xf32, #tpu.memory_space<vmem>>, %arg3: memref<1x128xf32, #tpu.memory_space<vmem>>, %arg4: memref<128x128xf32, #tpu.memory_space<vmem>>, %arg5: memref<1x128xf32, #tpu.memory_space<vmem>>, %arg6: memref<8192x128xf32, #tpu.memory_space<vmem>>, %arg7: memref<1x128xf32, #tpu.memory_space<vmem>>, %arg8: memref<1x128xf32, #tpu.memory_space<vmem>>) attributes {dimension_semantics = [#tpu.dimension_semantics<arbitrary>], iteration_bounds = array<i64: 4>, scalar_prefetch = 0 : i64, scratch_operands = 0 : i64, tpu.core_type = #tpu.core_type<tc>, window_params = [{transform_indices = @transform_0, window_bounds = array<i64: 8192, 128>}, {pipeline_mode = #tpu.pipeline_mode<synchronous>, transform_indices = @transform_1, window_bounds = array<i64: 1, 128>}, {pipeline_mode = #tpu.pipeline_mode<synchronous>, transform_indices = @transform_2, window_bounds = array<i64: 1, 128>}, {pipeline_mode = #tpu.pipeline_mode<synchronous>, transform_indices = @transform_3, window_bounds = array<i64: 128, 128>}, {pipeline_mode = #tpu.pipeline_mode<synchronous>, transform_indices = @transform_4, window_bounds = array<i64: 1, 128>}, {transform_indices = @transform_5, window_bounds = array<i64: 8192, 128>}, {pipeline_mode = #tpu.pipeline_mode<synchronous>, transform_indices = @transform_6, window_bounds = array<i64: 1, 128>}, {pipeline_mode = #tpu.pipeline_mode<synchronous>, transform_indices = @transform_7, window_bounds = array<i64: 1, 128>}]} {
    %get3A = arith.constant 0 : index
    %get3A_0 = arith.constant 0 : index
    %get3A_1 = vector.load %arg1[%get3A, %get3A_0] : memref<8192x128xf32, #tpu.memory_space<vmem>>, vector<8192x128xf32>
    %get3A_2 = arith.constant 0 : index
    %get3A_3 = arith.constant 0 : index
    %get3A_4 = vector.load %arg4[%get3A_2, %get3A_3] : memref<128x128xf32, #tpu.memory_space<vmem>>, vector<128x128xf32>
    %dot_general3A = arith.constant dense<0.000000e+00> : vector<8192x128xf32>
    %dot_general3A_5 = tpu.matmul %get3A_1, %get3A_4, %dot_general3A {dimension_numbers = #tpu.dot_dimension_numbers<[1], [0], [0], [1], [0, 0, 1, 1], [], []>, transpose_lhs_hint = false} : vector<8192x128xf32>, vector<128x128xf32>, vector<8192x128xf32> -> vector<8192x128xf32>
    %get3A_6 = arith.constant 0 : index
    %get3A_7 = arith.constant 0 : index
    %get3A_8 = vector.load %arg5[%get3A_6, %get3A_7] : memref<1x128xf32, #tpu.memory_space<vmem>>, vector<1x128xf32>
    %add3A = vector.broadcast %get3A_8 : vector<1x128xf32> to vector<8192x128xf32>
    %add3A_9 = arith.addf %dot_general3A_5, %add3A : vector<8192x128xf32>
    %swap3A = arith.constant 0 : index
    %swap3A_10 = arith.constant 0 : index
    %swap3A_11 = vector.load %arg6[%swap3A, %swap3A_10] : memref<8192x128xf32, #tpu.memory_space<vmem>>, vector<8192x128xf32>
    tpu.vector_store %arg6[%swap3A, %swap3A_10], %add3A_9 {strides = array<i32>} : memref<8192x128xf32, #tpu.memory_space<vmem>>, vector<8192x128xf32>,
    %reduce_sum3A = arith.constant dense<0.000000e+00> : vector<128xf32>
    %reduce_sum3A_12 = vector.multi_reduction <add>, %add3A_9, %reduce_sum3A [0] : vector<8192x128xf32> to vector<128xf32>
    %broadcast_in_dim3A = vector.shape_cast %reduce_sum3A_12 : vector<128xf32> to vector<1x128xf32>
    %mul3A = arith.mulf %add3A_9, %add3A_9 : vector<8192x128xf32>
    %reduce_sum3A_13 = arith.constant dense<0.000000e+00> : vector<128xf32>
    %reduce_sum3A_14 = vector.multi_reduction <add>, %mul3A, %reduce_sum3A_13 [0] : vector<8192x128xf32> to vector<128xf32>
    %broadcast_in_dim3A_15 = vector.shape_cast %reduce_sum3A_14 : vector<128xf32> to vector<1x128xf32>
    %eq3A = arith.constant 0 : i32
    %eq3A_16 = arith.cmpi eq, %arg0, %eq3A : i32
    %convert_element_type3A = arith.extui %eq3A_16 : i1 to i32
    %cond3A = arith.constant 0 : i32
    %cond3A_17 = arith.cmpi ne, %convert_element_type3A, %cond3A : i32
    scf.if %cond3A_17 {
      %swap3A_22 = arith.constant 0 : index
      %swap3A_23 = arith.constant 0 : index
      %swap3A_24 = vector.load %arg7[%swap3A_22, %swap3A_23] : memref<1x128xf32, #tpu.memory_space<vmem>>, vector<1x128xf32>
      tpu.vector_store %arg7[%swap3A_22, %swap3A_23], %broadcast_in_dim3A {strides = array<i32>} : memref<1x128xf32, #tpu.memory_space<vmem>>, vector<1x128xf32>,
      %swap3A_25 = arith.constant 0 : index
      %swap3A_26 = arith.constant 0 : index
      %swap3A_27 = vector.load %arg8[%swap3A_25, %swap3A_26] : memref<1x128xf32, #tpu.memory_space<vmem>>, vector<1x128xf32>
      tpu.vector_store %arg8[%swap3A_25, %swap3A_26], %broadcast_in_dim3A_15 {strides = array<i32>} : memref<1x128xf32, #tpu.memory_space<vmem>>, vector<1x128xf32>,
    } else {
    }
    %ne3A = arith.constant 0 : i32
    %ne3A_18 = arith.cmpi ne, %arg0, %ne3A : i32
    %convert_element_type3A_19 = arith.extui %ne3A_18 : i1 to i32
    %cond3A_20 = arith.constant 0 : i32
    %cond3A_21 = arith.cmpi ne, %convert_element_type3A_19, %cond3A_20 : i32
    scf.if %cond3A_21 {
      %get3A_22 = arith.constant 0 : index
      %get3A_23 = arith.constant 0 : index
      %get3A_24 = vector.load %arg7[%get3A_22, %get3A_23] : memref<1x128xf32, #tpu.memory_space<vmem>>, vector<1x128xf32>
      %add3A_25 = arith.addf %get3A_24, %broadcast_in_dim3A : vector<1x128xf32>
      %swap3A_26 = arith.constant 0 : index
      %swap3A_27 = arith.constant 0 : index
      %swap3A_28 = vector.load %arg7[%swap3A_26, %swap3A_27] : memref<1x128xf32, #tpu.memory_space<vmem>>, vector<1x128xf32>
      tpu.vector_store %arg7[%swap3A_26, %swap3A_27], %add3A_25 {strides = array<i32>} : memref<1x128xf32, #tpu.memory_space<vmem>>, vector<1x128xf32>,
      %get3A_29 = arith.constant 0 : index
      %get3A_30 = arith.constant 0 : index
      %get3A_31 = vector.load %arg8[%get3A_29, %get3A_30] : memref<1x128xf32, #tpu.memory_space<vmem>>, vector<1x128xf32>
      %add3A_32 = arith.addf %get3A_31, %broadcast_in_dim3A_15 : vector<1x128xf32>
      %swap3A_33 = arith.constant 0 : index
      %swap3A_34 = arith.constant 0 : index
      %swap3A_35 = vector.load %arg8[%swap3A_33, %swap3A_34] : memref<1x128xf32, #tpu.memory_space<vmem>>, vector<1x128xf32>
      tpu.vector_store %arg8[%swap3A_33, %swap3A_34], %add3A_32 {strides = array<i32>} : memref<1x128xf32, #tpu.memory_space<vmem>>, vector<1x128xf32>,
    } else {
    }
    return
  }
  func.func @transform_0(%arg0: i32) -> (i32, i32) {
    %c0_i32 = arith.constant 0 : i32
    %c0_i32_0 = arith.constant 0 : i32
    return %arg0, %c0_i32 : i32, i32
  }
  func.func @transform_1(%arg0: i32) -> (i32, i32) {
    %c0_i32 = arith.constant 0 : i32
    %c0_i32_0 = arith.constant 0 : i32
    %c0_i32_1 = arith.constant 0 : i32
    return %c0_i32, %c0_i32_0 : i32, i32
  }
  func.func @transform_2(%arg0: i32) -> (i32, i32) {
    %c0_i32 = arith.constant 0 : i32
    %c0_i32_0 = arith.constant 0 : i32
    %c0_i32_1 = arith.constant 0 : i32
    return %c0_i32, %c0_i32_0 : i32, i32
  }
  func.func @transform_3(%arg0: i32) -> (i32, i32) {
    %c0_i32 = arith.constant 0 : i32
    %c0_i32_0 = arith.constant 0 : i32
    %c0_i32_1 = arith.constant 0 : i32
    return %c0_i32, %c0_i32_0 : i32, i32
  }
  func.func @transform_4(%arg0: i32) -> (i32, i32) {
    %c0_i32 = arith.constant 0 : i32
    %c0_i32_0 = arith.constant 0 : i32
    %c0_i32_1 = arith.constant 0 : i32
    return %c0_i32, %c0_i32_0 : i32, i32
  }
  func.func @transform_5(%arg0: i32) -> (i32, i32) {
    %c0_i32 = arith.constant 0 : i32
    %c0_i32_0 = arith.constant 0 : i32
    return %arg0, %c0_i32 : i32, i32
  }
  func.func @transform_6(%arg0: i32) -> (i32, i32) {
    %c0_i32 = arith.constant 0 : i32
    %c0_i32_0 = arith.constant 0 : i32
    %c0_i32_1 = arith.constant 0 : i32
    return %c0_i32, %c0_i32_0 : i32, i32
  }
  func.func @transform_7(%arg0: i32) -> (i32, i32) {
    %c0_i32 = arith.constant 0 : i32
    %c0_i32_0 = arith.constant 0 : i32
    %c0_i32_1 = arith.constant 0 : i32
    return %c0_i32, %c0_i32_0 : i32, i32
  }
}

module attributes {stable_mosaic.version = 14 : i64} {
  func.func @_layer_body(%arg0: i32, %arg1: memref<8192x128xf32, #tpu.memory_space<vmem>>, %arg2: memref<1x128xf32, #tpu.memory_space<vmem>>, %arg3: memref<1x128xf32, #tpu.memory_space<vmem>>, %arg4: memref<128x128xf32, #tpu.memory_space<vmem>>, %arg5: memref<1x128xf32, #tpu.memory_space<vmem>>, %arg6: memref<8192x128xf32, #tpu.memory_space<vmem>>, %arg7: memref<1x128xf32, #tpu.memory_space<vmem>>, %arg8: memref<1x128xf32, #tpu.memory_space<vmem>>) attributes {dimension_semantics = [#tpu.dimension_semantics<arbitrary>], iteration_bounds = array<i64: 4>, scalar_prefetch = 0 : i64, scratch_operands = 0 : i64, tpu.core_type = #tpu.core_type<tc>, window_params = [{transform_indices = @transform_0, window_bounds = array<i64: 8192, 128>}, {pipeline_mode = #tpu.pipeline_mode<synchronous>, transform_indices = @transform_1, window_bounds = array<i64: 1, 128>}, {pipeline_mode = #tpu.pipeline_mode<synchronous>, transform_indices = @transform_2, window_bounds = array<i64: 1, 128>}, {pipeline_mode = #tpu.pipeline_mode<synchronous>, transform_indices = @transform_3, window_bounds = array<i64: 128, 128>}, {pipeline_mode = #tpu.pipeline_mode<synchronous>, transform_indices = @transform_4, window_bounds = array<i64: 1, 128>}, {transform_indices = @transform_5, window_bounds = array<i64: 8192, 128>}, {pipeline_mode = #tpu.pipeline_mode<synchronous>, transform_indices = @transform_6, window_bounds = array<i64: 1, 128>}, {pipeline_mode = #tpu.pipeline_mode<synchronous>, transform_indices = @transform_7, window_bounds = array<i64: 1, 128>}]} {
    %get3A = arith.constant 0 : index
    %get3A_0 = arith.constant 0 : index
    %get3A_1 = vector.load %arg1[%get3A, %get3A_0] : memref<8192x128xf32, #tpu.memory_space<vmem>>, vector<8192x128xf32>
    %get3A_2 = arith.constant 0 : index
    %get3A_3 = arith.constant 0 : index
    %get3A_4 = vector.load %arg2[%get3A_2, %get3A_3] : memref<1x128xf32, #tpu.memory_space<vmem>>, vector<1x128xf32>
    %mul3A = vector.broadcast %get3A_4 : vector<1x128xf32> to vector<8192x128xf32>
    %mul3A_5 = arith.mulf %get3A_1, %mul3A : vector<8192x128xf32>
    %get3A_6 = arith.constant 0 : index
    %get3A_7 = arith.constant 0 : index
    %get3A_8 = vector.load %arg3[%get3A_6, %get3A_7] : memref<1x128xf32, #tpu.memory_space<vmem>>, vector<1x128xf32>
    %add3A = vector.broadcast %get3A_8 : vector<1x128xf32> to vector<8192x128xf32>
    %add3A_9 = arith.addf %mul3A_5, %add3A : vector<8192x128xf32>
    %max3A = arith.constant 0.000000e+00 : f32
    %max3A_10 = vector.broadcast %max3A : f32 to vector<8192x128xf32>
    %max3A_11 = arith.maximumf %add3A_9, %max3A_10 : vector<8192x128xf32>
    %get3A_12 = arith.constant 0 : index
    %get3A_13 = arith.constant 0 : index
    %get3A_14 = vector.load %arg4[%get3A_12, %get3A_13] : memref<128x128xf32, #tpu.memory_space<vmem>>, vector<128x128xf32>
    %dot_general3A = arith.constant dense<0.000000e+00> : vector<8192x128xf32>
    %dot_general3A_15 = tpu.matmul %max3A_11, %get3A_14, %dot_general3A {dimension_numbers = #tpu.dot_dimension_numbers<[1], [0], [0], [1], [0, 0, 1, 1], [], []>, transpose_lhs_hint = false} : vector<8192x128xf32>, vector<128x128xf32>, vector<8192x128xf32> -> vector<8192x128xf32>
    %get3A_16 = arith.constant 0 : index
    %get3A_17 = arith.constant 0 : index
    %get3A_18 = vector.load %arg5[%get3A_16, %get3A_17] : memref<1x128xf32, #tpu.memory_space<vmem>>, vector<1x128xf32>
    %add3A_19 = vector.broadcast %get3A_18 : vector<1x128xf32> to vector<8192x128xf32>
    %add3A_20 = arith.addf %dot_general3A_15, %add3A_19 : vector<8192x128xf32>
    %swap3A = arith.constant 0 : index
    %swap3A_21 = arith.constant 0 : index
    %swap3A_22 = vector.load %arg6[%swap3A, %swap3A_21] : memref<8192x128xf32, #tpu.memory_space<vmem>>, vector<8192x128xf32>
    tpu.vector_store %arg6[%swap3A, %swap3A_21], %add3A_20 {strides = array<i32>} : memref<8192x128xf32, #tpu.memory_space<vmem>>, vector<8192x128xf32>,
    %reduce_sum3A = arith.constant dense<0.000000e+00> : vector<128xf32>
    %reduce_sum3A_23 = vector.multi_reduction <add>, %add3A_20, %reduce_sum3A [0] : vector<8192x128xf32> to vector<128xf32>
    %broadcast_in_dim3A = vector.shape_cast %reduce_sum3A_23 : vector<128xf32> to vector<1x128xf32>
    %mul3A_24 = arith.mulf %add3A_20, %add3A_20 : vector<8192x128xf32>
    %reduce_sum3A_25 = arith.constant dense<0.000000e+00> : vector<128xf32>
    %reduce_sum3A_26 = vector.multi_reduction <add>, %mul3A_24, %reduce_sum3A_25 [0] : vector<8192x128xf32> to vector<128xf32>
    %broadcast_in_dim3A_27 = vector.shape_cast %reduce_sum3A_26 : vector<128xf32> to vector<1x128xf32>
    %eq3A = arith.constant 0 : i32
    %eq3A_28 = arith.cmpi eq, %arg0, %eq3A : i32
    %convert_element_type3A = arith.extui %eq3A_28 : i1 to i32
    %cond3A = arith.constant 0 : i32
    %cond3A_29 = arith.cmpi ne, %convert_element_type3A, %cond3A : i32
    scf.if %cond3A_29 {
      %swap3A_34 = arith.constant 0 : index
      %swap3A_35 = arith.constant 0 : index
      %swap3A_36 = vector.load %arg7[%swap3A_34, %swap3A_35] : memref<1x128xf32, #tpu.memory_space<vmem>>, vector<1x128xf32>
      tpu.vector_store %arg7[%swap3A_34, %swap3A_35], %broadcast_in_dim3A {strides = array<i32>} : memref<1x128xf32, #tpu.memory_space<vmem>>, vector<1x128xf32>,
      %swap3A_37 = arith.constant 0 : index
      %swap3A_38 = arith.constant 0 : index
      %swap3A_39 = vector.load %arg8[%swap3A_37, %swap3A_38] : memref<1x128xf32, #tpu.memory_space<vmem>>, vector<1x128xf32>
      tpu.vector_store %arg8[%swap3A_37, %swap3A_38], %broadcast_in_dim3A_27 {strides = array<i32>} : memref<1x128xf32, #tpu.memory_space<vmem>>, vector<1x128xf32>,
    } else {
    }
    %ne3A = arith.constant 0 : i32
    %ne3A_30 = arith.cmpi ne, %arg0, %ne3A : i32
    %convert_element_type3A_31 = arith.extui %ne3A_30 : i1 to i32
    %cond3A_32 = arith.constant 0 : i32
    %cond3A_33 = arith.cmpi ne, %convert_element_type3A_31, %cond3A_32 : i32
    scf.if %cond3A_33 {
      %get3A_34 = arith.constant 0 : index
      %get3A_35 = arith.constant 0 : index
      %get3A_36 = vector.load %arg7[%get3A_34, %get3A_35] : memref<1x128xf32, #tpu.memory_space<vmem>>, vector<1x128xf32>
      %add3A_37 = arith.addf %get3A_36, %broadcast_in_dim3A : vector<1x128xf32>
      %swap3A_38 = arith.constant 0 : index
      %swap3A_39 = arith.constant 0 : index
      %swap3A_40 = vector.load %arg7[%swap3A_38, %swap3A_39] : memref<1x128xf32, #tpu.memory_space<vmem>>, vector<1x128xf32>
      tpu.vector_store %arg7[%swap3A_38, %swap3A_39], %add3A_37 {strides = array<i32>} : memref<1x128xf32, #tpu.memory_space<vmem>>, vector<1x128xf32>,
      %get3A_41 = arith.constant 0 : index
      %get3A_42 = arith.constant 0 : index
      %get3A_43 = vector.load %arg8[%get3A_41, %get3A_42] : memref<1x128xf32, #tpu.memory_space<vmem>>, vector<1x128xf32>
      %add3A_44 = arith.addf %get3A_43, %broadcast_in_dim3A_27 : vector<1x128xf32>
      %swap3A_45 = arith.constant 0 : index
      %swap3A_46 = arith.constant 0 : index
      %swap3A_47 = vector.load %arg8[%swap3A_45, %swap3A_46] : memref<1x128xf32, #tpu.memory_space<vmem>>, vector<1x128xf32>
      tpu.vector_store %arg8[%swap3A_45, %swap3A_46], %add3A_44 {strides = array<i32>} : memref<1x128xf32, #tpu.memory_space<vmem>>, vector<1x128xf32>,
    } else {
    }
    return
  }
  func.func @transform_0(%arg0: i32) -> (i32, i32) {
    %c0_i32 = arith.constant 0 : i32
    %c0_i32_0 = arith.constant 0 : i32
    return %arg0, %c0_i32 : i32, i32
  }
  func.func @transform_1(%arg0: i32) -> (i32, i32) {
    %c0_i32 = arith.constant 0 : i32
    %c0_i32_0 = arith.constant 0 : i32
    %c0_i32_1 = arith.constant 0 : i32
    return %c0_i32, %c0_i32_0 : i32, i32
  }
  func.func @transform_2(%arg0: i32) -> (i32, i32) {
    %c0_i32 = arith.constant 0 : i32
    %c0_i32_0 = arith.constant 0 : i32
    %c0_i32_1 = arith.constant 0 : i32
    return %c0_i32, %c0_i32_0 : i32, i32
  }
  func.func @transform_3(%arg0: i32) -> (i32, i32) {
    %c0_i32 = arith.constant 0 : i32
    %c0_i32_0 = arith.constant 0 : i32
    %c0_i32_1 = arith.constant 0 : i32
    return %c0_i32, %c0_i32_0 : i32, i32
  }
  func.func @transform_4(%arg0: i32) -> (i32, i32) {
    %c0_i32 = arith.constant 0 : i32
    %c0_i32_0 = arith.constant 0 : i32
    %c0_i32_1 = arith.constant 0 : i32
    return %c0_i32, %c0_i32_0 : i32, i32
  }
  func.func @transform_5(%arg0: i32) -> (i32, i32) {
    %c0_i32 = arith.constant 0 : i32
    %c0_i32_0 = arith.constant 0 : i32
    return %arg0, %c0_i32 : i32, i32
  }
  func.func @transform_6(%arg0: i32) -> (i32, i32) {
    %c0_i32 = arith.constant 0 : i32
    %c0_i32_0 = arith.constant 0 : i32
    %c0_i32_1 = arith.constant 0 : i32
    return %c0_i32, %c0_i32_0 : i32, i32
  }
  func.func @transform_7(%arg0: i32) -> (i32, i32) {
    %c0_i32 = arith.constant 0 : i32
    %c0_i32_0 = arith.constant 0 : i32
    %c0_i32_1 = arith.constant 0 : i32
    return %c0_i32, %c0_i32_0 : i32, i32
  }
}

module attributes {stable_mosaic.version = 14 : i64} {
  func.func @_norm_body(%arg0: i32, %arg1: memref<4096x128xf32, #tpu.memory_space<vmem>>, %arg2: memref<1x128xf32, #tpu.memory_space<vmem>>, %arg3: memref<1x128xf32, #tpu.memory_space<vmem>>, %arg4: memref<4096x128xf32, #tpu.memory_space<vmem>>) attributes {dimension_semantics = [#tpu.dimension_semantics<arbitrary>], iteration_bounds = array<i64: 8>, scalar_prefetch = 0 : i64, scratch_operands = 0 : i64, tpu.core_type = #tpu.core_type<tc>, window_params = [{transform_indices = @transform_0, window_bounds = array<i64: 4096, 128>}, {pipeline_mode = #tpu.pipeline_mode<synchronous>, transform_indices = @transform_1, window_bounds = array<i64: 1, 128>}, {pipeline_mode = #tpu.pipeline_mode<synchronous>, transform_indices = @transform_2, window_bounds = array<i64: 1, 128>}, {transform_indices = @transform_3, window_bounds = array<i64: 4096, 128>}]} {
    %get3A = arith.constant 0 : index
    %get3A_0 = arith.constant 0 : index
    %get3A_1 = vector.load %arg1[%get3A, %get3A_0] : memref<4096x128xf32, #tpu.memory_space<vmem>>, vector<4096x128xf32>
    %get3A_2 = arith.constant 0 : index
    %get3A_3 = arith.constant 0 : index
    %get3A_4 = vector.load %arg2[%get3A_2, %get3A_3] : memref<1x128xf32, #tpu.memory_space<vmem>>, vector<1x128xf32>
    %mul3A = vector.broadcast %get3A_4 : vector<1x128xf32> to vector<4096x128xf32>
    %mul3A_5 = arith.mulf %get3A_1, %mul3A : vector<4096x128xf32>
    %get3A_6 = arith.constant 0 : index
    %get3A_7 = arith.constant 0 : index
    %get3A_8 = vector.load %arg3[%get3A_6, %get3A_7] : memref<1x128xf32, #tpu.memory_space<vmem>>, vector<1x128xf32>
    %add3A = vector.broadcast %get3A_8 : vector<1x128xf32> to vector<4096x128xf32>
    %add3A_9 = arith.addf %mul3A_5, %add3A : vector<4096x128xf32>
    %max3A = arith.constant 0.000000e+00 : f32
    %max3A_10 = vector.broadcast %max3A : f32 to vector<4096x128xf32>
    %max3A_11 = arith.maximumf %add3A_9, %max3A_10 : vector<4096x128xf32>
    %swap3A = arith.constant 0 : index
    %swap3A_12 = arith.constant 0 : index
    %swap3A_13 = vector.load %arg4[%swap3A, %swap3A_12] : memref<4096x128xf32, #tpu.memory_space<vmem>>, vector<4096x128xf32>
    tpu.vector_store %arg4[%swap3A, %swap3A_12], %max3A_11 {strides = array<i32>} : memref<4096x128xf32, #tpu.memory_space<vmem>>, vector<4096x128xf32>,
    return
  }
  func.func @transform_0(%arg0: i32) -> (i32, i32) {
    %c0_i32 = arith.constant 0 : i32
    %c0_i32_0 = arith.constant 0 : i32
    return %arg0, %c0_i32 : i32, i32
  }
  func.func @transform_1(%arg0: i32) -> (i32, i32) {
    %c0_i32 = arith.constant 0 : i32
    %c0_i32_0 = arith.constant 0 : i32
    %c0_i32_1 = arith.constant 0 : i32
    return %c0_i32, %c0_i32_0 : i32, i32
  }
  func.func @transform_2(%arg0: i32) -> (i32, i32) {
    %c0_i32 = arith.constant 0 : i32
    %c0_i32_0 = arith.constant 0 : i32
    %c0_i32_1 = arith.constant 0 : i32
    return %c0_i32, %c0_i32_0 : i32, i32
  }
  func.func @transform_3(%arg0: i32) -> (i32, i32) {
    %c0_i32 = arith.constant 0 : i32
    %c0_i32_0 = arith.constant 0 : i32
    return %arg0, %c0_i32 : i32, i32
  }
}

module attributes {stable_mosaic.version = 14 : i64} {
  func.func @_head_body(%arg0: i32, %arg1: memref<2048x128xf32, #tpu.memory_space<vmem>>, %arg2: memref<1x128xf32, #tpu.memory_space<vmem>>, %arg3: memref<1x128xf32, #tpu.memory_space<vmem>>, %arg4: memref<128x13xf32, #tpu.memory_space<vmem>>, %arg5: memref<1x13xf32, #tpu.memory_space<vmem>>, %arg6: memref<2048x13xf32, #tpu.memory_space<vmem>>) attributes {dimension_semantics = [#tpu.dimension_semantics<arbitrary>], iteration_bounds = array<i64: 16>, scalar_prefetch = 0 : i64, scratch_operands = 0 : i64, tpu.core_type = #tpu.core_type<tc>, window_params = [{transform_indices = @transform_0, window_bounds = array<i64: 2048, 128>}, {pipeline_mode = #tpu.pipeline_mode<synchronous>, transform_indices = @transform_1, window_bounds = array<i64: 1, 128>}, {pipeline_mode = #tpu.pipeline_mode<synchronous>, transform_indices = @transform_2, window_bounds = array<i64: 1, 128>}, {pipeline_mode = #tpu.pipeline_mode<synchronous>, transform_indices = @transform_3, window_bounds = array<i64: 128, 13>}, {pipeline_mode = #tpu.pipeline_mode<synchronous>, transform_indices = @transform_4, window_bounds = array<i64: 1, 13>}, {transform_indices = @transform_5, window_bounds = array<i64: 2048, 13>}]} {
    %get3A = arith.constant 0 : index
    %get3A_0 = arith.constant 0 : index
    %get3A_1 = vector.load %arg1[%get3A, %get3A_0] : memref<2048x128xf32, #tpu.memory_space<vmem>>, vector<2048x128xf32>
    %get3A_2 = arith.constant 0 : index
    %get3A_3 = arith.constant 0 : index
    %get3A_4 = vector.load %arg2[%get3A_2, %get3A_3] : memref<1x128xf32, #tpu.memory_space<vmem>>, vector<1x128xf32>
    %mul3A = vector.broadcast %get3A_4 : vector<1x128xf32> to vector<2048x128xf32>
    %mul3A_5 = arith.mulf %get3A_1, %mul3A : vector<2048x128xf32>
    %get3A_6 = arith.constant 0 : index
    %get3A_7 = arith.constant 0 : index
    %get3A_8 = vector.load %arg3[%get3A_6, %get3A_7] : memref<1x128xf32, #tpu.memory_space<vmem>>, vector<1x128xf32>
    %add3A = vector.broadcast %get3A_8 : vector<1x128xf32> to vector<2048x128xf32>
    %add3A_9 = arith.addf %mul3A_5, %add3A : vector<2048x128xf32>
    %max3A = arith.constant 0.000000e+00 : f32
    %max3A_10 = vector.broadcast %max3A : f32 to vector<2048x128xf32>
    %max3A_11 = arith.maximumf %add3A_9, %max3A_10 : vector<2048x128xf32>
    %get3A_12 = arith.constant 0 : index
    %get3A_13 = arith.constant 0 : index
    %get3A_14 = vector.load %arg4[%get3A_12, %get3A_13] : memref<128x13xf32, #tpu.memory_space<vmem>>, vector<128x13xf32>
    %dot_general3A = arith.constant dense<0.000000e+00> : vector<2048x13xf32>
    %dot_general3A_15 = tpu.matmul %max3A_11, %get3A_14, %dot_general3A {dimension_numbers = #tpu.dot_dimension_numbers<[1], [0], [0], [1], [0, 0, 1, 1], [], []>, transpose_lhs_hint = false} : vector<2048x128xf32>, vector<128x13xf32>, vector<2048x13xf32> -> vector<2048x13xf32>
    %get3A_16 = arith.constant 0 : index
    %get3A_17 = arith.constant 0 : index
    %get3A_18 = vector.load %arg5[%get3A_16, %get3A_17] : memref<1x13xf32, #tpu.memory_space<vmem>>, vector<1x13xf32>
    %add3A_19 = vector.broadcast %get3A_18 : vector<1x13xf32> to vector<2048x13xf32>
    %add3A_20 = arith.addf %dot_general3A_15, %add3A_19 : vector<2048x13xf32>
    %reduce_max3A = arith.constant dense<0xFF800000> : vector<2048xf32>
    %reduce_max3A_21 = vector.multi_reduction <maximumf>, %add3A_20, %reduce_max3A [1] : vector<2048x13xf32> to vector<2048xf32>
    %broadcast_in_dim3A = vector.shape_cast %reduce_max3A_21 : vector<2048xf32> to vector<2048x1xf32>
    %sub3A = vector.broadcast %broadcast_in_dim3A : vector<2048x1xf32> to vector<2048x13xf32>
    %sub3A_22 = arith.subf %add3A_20, %sub3A : vector<2048x13xf32>
    %exp3A = math.exp %sub3A_22 : vector<2048x13xf32>
    %reduce_sum3A = arith.constant dense<0.000000e+00> : vector<2048xf32>
    %reduce_sum3A_23 = vector.multi_reduction <add>, %exp3A, %reduce_sum3A [1] : vector<2048x13xf32> to vector<2048xf32>
    %broadcast_in_dim3A_24 = vector.shape_cast %reduce_sum3A_23 : vector<2048xf32> to vector<2048x1xf32>
    %log3A = math.log %broadcast_in_dim3A_24 : vector<2048x1xf32>
    %sub3A_25 = vector.broadcast %log3A : vector<2048x1xf32> to vector<2048x13xf32>
    %sub3A_26 = arith.subf %sub3A_22, %sub3A_25 : vector<2048x13xf32>
    %swap3A = arith.constant 0 : index
    %swap3A_27 = arith.constant 0 : index
    %swap3A_28 = vector.load %arg6[%swap3A, %swap3A_27] : memref<2048x13xf32, #tpu.memory_space<vmem>>, vector<2048x13xf32>
    tpu.vector_store %arg6[%swap3A, %swap3A_27], %sub3A_26 {strides = array<i32>} : memref<2048x13xf32, #tpu.memory_space<vmem>>, vector<2048x13xf32>,
    return
  }
  func.func @transform_0(%arg0: i32) -> (i32, i32) {
    %c0_i32 = arith.constant 0 : i32
    %c0_i32_0 = arith.constant 0 : i32
    return %arg0, %c0_i32 : i32, i32
  }
  func.func @transform_1(%arg0: i32) -> (i32, i32) {
    %c0_i32 = arith.constant 0 : i32
    %c0_i32_0 = arith.constant 0 : i32
    %c0_i32_1 = arith.constant 0 : i32
    return %c0_i32, %c0_i32_0 : i32, i32
  }
  func.func @transform_2(%arg0: i32) -> (i32, i32) {
    %c0_i32 = arith.constant 0 : i32
    %c0_i32_0 = arith.constant 0 : i32
    %c0_i32_1 = arith.constant 0 : i32
    return %c0_i32, %c0_i32_0 : i32, i32
  }
  func.func @transform_3(%arg0: i32) -> (i32, i32) {
    %c0_i32 = arith.constant 0 : i32
    %c0_i32_0 = arith.constant 0 : i32
    %c0_i32_1 = arith.constant 0 : i32
    return %c0_i32, %c0_i32_0 : i32, i32
  }
  func.func @transform_4(%arg0: i32) -> (i32, i32) {
    %c0_i32 = arith.constant 0 : i32
    %c0_i32_0 = arith.constant 0 : i32
    %c0_i32_1 = arith.constant 0 : i32
    return %c0_i32, %c0_i32_0 : i32, i32
  }
  func.func @transform_5(%arg0: i32) -> (i32, i32) {
    %c0_i32 = arith.constant 0 : i32
    %c0_i32_0 = arith.constant 0 : i32
    return %arg0, %c0_i32 : i32, i32
  }
}

</mosaic_0001>

<sc_bundles>
// kernel: gather_offload_async_start.1
scs
__scs_entry_jumppad:
0x0: {  	(pc) =	sbr.rel $0x88, $3  }
0x1: {  	(tag) =	ssettag $0x0;
	lr =	simm.s32 $0x1  }
0x2: {  	[smem:$0x3F46] =	sst lr;
	_ =	strace $0xD0000000  }
0x3: {  	_ = 	snop  }
0x4: {  	_ = 	snop  }
0x5: {  	_ = 	snop  }
0x6: {  	_ = 	snop  }
0x7: {  	_ = 	snop  }
__scs_overlays_trampoline_lowered:
0x8: {  	[smem:$0x3F55] =	sst s0  }
0x9: {  	[smem:$0x3F56] =	sst s1  }
0xa: {  	[smem:$0x3F57] =	sst s2  }
0xb: {  	[smem:$0x3F58] =	sst s3  }
0xc: {  	[smem:$0x3F59] =	sst s4  }
0xd: {  	[smem:$0x3F5A] =	sst s5  }
0xe: {  	[smem:$0x3F5B] =	sst s6  }
0xf: {  	[smem:$0x3F5C] =	sst s7  }
0x10: {  	[smem:$0x3F5D] =	sst s8  }
0x11: {  	[smem:$0x3F5E] =	sst s9;
	s0 =	simm.s32 @!p0 $0x0  }
0x12: {  	s1 =	sld [smem:$0x3F44];
	s0 =	simm.s32 @p0 $0x1  }
0x13: {  	[smem:$0x3F5F] =	sst s0;
	s0 =	simm.s32 @!p1 $0x0  }
0x14: {  	s2 =	sld [smem:$0x3F43];
	s0 =	simm.s32 @p1 $0x1  }
0x15: {  	[smem:$0x3F60] =	sst s0;
	s0 =	simm.s32 @!p2 $0x0  }
0x16: {  	s3 =	sld [smem:$0x3FDB];
	s0 =	simm.s32 @p2 $0x1  }
0x17: {  	s4 =	simm.s32 $0x1BF5;
	[smem:$0x3F62] =	sst s0  }
0x18: {  	s0 =	sld [smem:$0x3F45];
	_ =	swait.ge [sflag:s4], $0x0  }
0x19: {  	s7 =	sld [smem:$0x3F46]  }
0x1a: {  	s8 =	sadd.s32 $0xFFFFE003, lr  }
0x1b: {  	s9 =	sadd.s32 $0xFFFFFEF7, lr;
	s5 =	simm.s32 $0xFFFFFFFF;
	p2 =	slt.u32 s8, $0xFFFFF086  }
0x1c: {  	p1 =	slt.u32 s9, $0xF7A;
	s5 =	simm.s32 @!p2 $0x0  }
0x1d: {  	s5 =	simm.s32 @p1 $0x1;
	p0 =	seq.s32 s7, s2  }
0x1e: {  	s7 =	smul.u32 @!p0 $0xF7A, s2;
	p2 =	seq.s32 @!p0 s5, $0x0  }
0x1f: {  	s9 =	smul.u32 $0xF7A, s1;
	s8 =	simm.s32 @!p0 $0x1BF5;
	p2 =	por !p2, p0  }
0x20: {  	[sflag:s8] =	ssyncset.s32 @!p0 $0xFFFFF086;
	s6 =	sadd.s32 @!p0 s3, s7;
	s7 =	simm.s32 @!p0 $0x108  }
0x21: {  	s3 =	sadd.s32 s3, s9;
	s6 =	sadd.s32 @!p0 $0x88, s6;
	s7 =	simm.s32 @p2 $0x1082  }
0x22: {  	[simem:s7], [sflag:s8] =	dma.local @!p0 [hbm:s6], $0xF7A  }
0x23: {  	s9 =	sor.u32 $0xD0000000, s2;
	s6 =	simm.s32 $0x108;
	_ =	swait.ge @!p0 [sflag:s8], $0x0  }
0x24: {  	s3 =	sadd.s32 $0x88, s3;
	s6 =	simm.s32 @!p1 $0x1082;
	[sflag:s4] =	ssyncset.s32 $0xFFFFF086  }
0x25: {  	[simem:s6], [sflag:s4] =	dma.local [hbm:s3], $0xF7A  }
0x26: {  	[smem:$0x3F46] =	sst s1;
	(tag) =	ssettag s2;
	_ =	strace s9  }
0x27: {  	s1 =	sld [smem:$0x3F56]  }
0x28: {  	s2 =	sld [smem:$0x3F57]  }
0x29: {  	s4 =	sld [smem:$0x3F59]  }
0x2a: {  	p0 =	seq.s32 s5, $0x0;
	s5 =	sld [smem:$0x3F5A]  }
0x2b: {  	s6 =	sld [smem:$0x3F5B]  }
0x2c: {  	s7 =	sld [smem:$0x3F5C]  }
0x2d: {  	s3 =	simm.s32 $0x108;
	s8 =	sld [smem:$0x3F5D]  }
0x2e: {  	s3 =	simm.s32 @!p0 $0x1082;
	s9 =	sld [smem:$0x3F5E]  }
0x2f: {  	lr =	sadd.s32 s0, s3;
	s0 =	sld [smem:$0x3F55]  }
0x30: {  	s3 =	sld [smem:$0x3F58]  }
0x31: {  	[smem:$0x3F61] =	sst s10  }
0x32: {  	s10 =	sld [smem:$0x3F5F];
	_ =	sdelay $0x3  }
0x33: {  	p0 =	seq.s32 s10, $0x1;
	s10 =	sld [smem:$0x3F61];
	_ =	sdelay $0x3  }
0x34: {  	[smem:$0x3F61] =	sst s10  }
0x35: {  	s10 =	sld [smem:$0x3F60];
	_ =	sdelay $0x3  }
0x36: {  	p1 =	seq.s32 s10, $0x1;
	s10 =	sld [smem:$0x3F61];
	_ =	sdelay $0x3  }
0x37: {  	[smem:$0x3F61] =	sst s10  }
0x38: {  	s10 =	sld [smem:$0x3F62]  }
0x39: {  	_ = 	snop;
	(pc) =	sbr.ind lr, $3  }
0x3a: {  	_ = 	snop  }
0x3b: {  	_ = 	snop  }
0x3c: {  	p2 =	seq.s32 s10, $0x1;
	s10 =	sld [smem:$0x3F61]  }
0x3d: {  	_ =	shalt  }
0x3e: {  	_ =	shalt  }
0x3f: {  	_ =	shalt  }
0x40: {  	_ =	shalt  }
0x41: {  	_ =	shalt  }
0x42: {  	_ =	shalt  }
0x43: {  	_ =	shalt  }
0x44: {  	_ =	shalt  }
0x45: {  	_ =	shalt  }
0x46: {  	_ =	shalt  }
0x47: {  	_ =	shalt  }
0x48: {  	_ =	shalt  }
0x49: {  	_ =	shalt  }
0x4a: {  	_ =	shalt  }
0x4b: {  	_ =	shalt  }
0x4c: {  	_ =	shalt  }
0x4d: {  	_ =	shalt  }
0x4e: {  	_ =	shalt  }
0x4f: {  	_ =	shalt  }
0x50: {  	_ =	shalt  }
0x51: {  	_ =	shalt  }
0x52: {  	_ =	shalt  }
0x53: {  	_ =	shalt  }
0x54: {  	_ =	shalt  }
0x55: {  	_ =	shalt  }
0x56: {  	_ =	shalt  }
0x57: {  	_ =	shalt  }
0x58: {  	_ =	shalt  }
0x59: {  	_ =	shalt  }
0x5a: {  	_ =	shalt  }
0x5b: {  	_ =	shalt  }
0x5c: {  	_ =	shalt  }
0x5d: {  	_ =	shalt  }
0x5e: {  	_ =	shalt  }
0x5f: {  	_ =	shalt  }
0x60: {  	_ =	shalt  }
0x61: {  	_ =	shalt  }
0x62: {  	_ =	shalt  }
0x63: {  	_ =	shalt  }
0x64: {  	_ =	shalt  }
0x65: {  	_ =	shalt  }
0x66: {  	_ =	shalt  }
0x67: {  	_ =	shalt  }
0x68: {  	_ =	shalt  }
0x69: {  	_ =	shalt  }
0x6a: {  	_ =	shalt  }
0x6b: {  	_ =	shalt  }
0x6c: {  	_ =	shalt  }
0x6d: {  	_ =	shalt  }
0x6e: {  	_ =	shalt  }
0x6f: {  	_ =	shalt  }
0x70: {  	_ =	shalt  }
0x71: {  	_ =	shalt  }
0x72: {  	_ =	shalt  }
0x73: {  	_ =	shalt  }
0x74: {  	_ =	shalt  }
0x75: {  	_ =	shalt  }
0x76: {  	_ =	shalt  }
0x77: {  	_ =	shalt  }
0x78: {  	_ =	shalt  }
0x79: {  	_ =	shalt  }
0x7a: {  	_ =	shalt  }
0x7b: {  	_ =	shalt  }
0x7c: {  	_ =	shalt  }
0x7d: {  	_ =	shalt  }
0x7e: {  	_ =	shalt  }
0x7f: {  	_ =	shalt  }
0x80: {  	_ =	shalt  }
0x81: {  	_ =	shalt  }
0x82: {  	_ =	shalt  }
0x83: {  	_ =	shalt  }
0x84: {  	_ =	shalt  }
0x85: {  	_ =	shalt  }
0x86: {  	_ =	shalt  }
0x87: {  	_ =	shalt  }
.Lfunc_end0:
.L_simem_size_0:
called_computation.1_lowered:
.L_overlay_start_0:
0x88: {  	s2 =	sld [smem:$0x3FD9]  }
0x89: {  	s3 =	sld [smem:$0x3FFE];
	_ =	sdelay $0x1  }
0x8a: {  	s1 =	srdreg.scid  }
0x8b: {  	s0 =	sand.u32 $0x1, s1  }
0x8c: {  	s17 =	sshll.u32 s0, $0xA;
	s2 =	sadd.s32 s3, s2  }
0x8d: {  	s2 =	sadd.s32 s2, s17  }
0x8e: {  	[smem:$0x3F6D] =	sst s2  }
0x8f: {  	_ = 	snop  }
0x90: {  	s2 =	sld [smem:$0x3FD0];
	(tm) =	ssettm $0x1  }
0x91: {  	s18 =	sld [smem:$0x3FFB];
	_ =	sdelay $0x3  }
0x92: {  	_ =	strace s18  }
0x93: {  	s3 =	sld [smem:$0x3FFC];
	_ =	sdelay $0x3  }
0x94: {  	_ =	strace s3  }
0x95: {  	s3 =	sld [smem:$0x3FFD];
	_ =	sdelay $0x3  }
0x96: {  	_ =	strace s3  }
0x97: {  	_ =	strace $0x8FFFFFFF  }
0x98: {  	s19 =	sld [smem:$0x3FDB];
	_ =	sdelay $0x1  }
0x99: {  	s4 =	simm.s32 $_scs_section_size  }
0x9a: {  	s5 =	simm.s32 $_size__tile_overlayer_lowered;
	s6 =	simm.s32 $_tile_overlayer_lowered  }
0x9b: {  	s22 =	simm.s32 $0x1BFF;
	s21 =	sshll.u32 s6, $0x1;
	s3 =	sadd.s32 s4, s19  }
0x9c: {  	s7 =	simm.s32 $0x0;
	s20 =	sshll.u32 s5, $0x1;
	s5 =	sadd.s32 s21, s3  }
0x9d: {  	[timem:s7], [sflag:s22] =	dma.local [hbm:s5], s20  }
0x9e: {  	_ =	swait.ge [sflag:s22], s20  }
0x9f: {  	s4 =	ssub.s32 $0x0, s20;
	[sflag:s22] =	ssyncset.done $0x0  }
0xa0: {  	[sflag:s22] =	ssyncadd.s32 s4;
	_ =	sdelay $0x1  }
0xa1: {  	s23 =	simm.s32 $0x1B8B  }
0xa2: {  	_ =	swait.ge [sflag:s23], $0x1  }
0xa3: {  	[sflag:s23] =	ssyncset.done $0x0  }
0xa4: {  	s25 =	simm.s32 $0x1B8E;
	s24 =	sld [smem:$0x3FFE];
	[sflag:s23] =	ssyncadd.s32 $0xFFFFFFFF  }
0xa5: {  	s26 =	simm.s32 $execute0_lowered;
	[smem:$0x3FD2] =	sst s25  }
0xa6: {  	s5 =	sshll.u32 s26, $0x1;
	_ =	strace $0x80000049;
	[dreg:$0x1] =	wrdreg $0xFFFFFFFF  }
0xa7: {  	s28 =	simm.s32 $_size_execute0_lowered;
	s3 =	sadd.s32 s3, s5;
	[dreg:$0x0] =	wrdreg $0x0  }
0xa8: {  	s5 =	sshll.u32 s28, $0x1;
	[dreg:$0x2] =	wrdreg s3  }
0xa9: {  	[dreg:$0x3] =	wrdreg s5  }
0xaa: {  	[dreg:$0x4] =	wrdreg $0xC0  }
0xab: {  	_ =	task [dreg:s7], $0x5FFFF  }
0xac: {  	[dreg:$0x1] =	wrdreg $0xFFFFFFFF  }
0xad: {  	[dreg:$0x0] =	wrdreg $0x60  }
0xae: {  	[dreg:$0x2] =	wrdreg s24  }
0xaf: {  	[dreg:$0x3] =	wrdreg s2  }
0xb0: {  	[dreg:$0x4] =	wrdreg $0x9  }
0xb1: {  	_ =	task.clear_ibuf [dreg:s7], $0x5FFFF;
	_ =	strace $0x90000049  }
0xb2: {  	s29 =	simm.s32 $0x9;
	_ =	strace $0x8000004B  }
0xb3: {  	_ =	swait.ge [sflag:s29], $0x1  }
0xb4: {  	[sflag:s29] =	ssyncadd.s32 $0xFFFFFFFF  }
0xb5: {  	_ =	strace $0x9000004B  }
0xb6: {  	_ =	sfence  }
0xb7: {  	s30 =	sld [smem:$0x0];
	_ =	sdelay $0x2  }
0xb8: {  	s31 =	sshll.u32 s1, $0xD;
	s1 =	sshrl.u32 s1, $0x2  }
0xb9: {  	s3 =	sand.u32 $0x4000, s31;
	s1 =	sadd.s32 s1, s30  }
0xba: {  	s0 =	sor.u32 s3, s0;
	s1 =	sshll.u32 s1, $0x11  }
0xbb: {  	s0 =	sor.u32 s1, s0  }
0xbc: {  	s0 =	sadd.s32 $0x8F2B, s0  }
0xbd: {  	[sflag:s0] =	ssyncadd.remote.s32 $0x1  }
0xbe: {  	_ =	sfence.sel $0xFFFF  }
0xbf: {  	[dreg:$0x0] =	wrdreg $0xFFFFFFFF;
	(pc) =	sbr.abs _section_cstart, $3  }
0xc0: {  	[dreg:$0x1] =	wrdreg $0xFFFFFFFF  }
0xc1: {  	_ =	task.clear_ibuf [dreg:s7], $0x2FFFF;
	_ =	strace $0x9FFFFFFF  }
0xc2: {  	(tm) =	ssettm $0x7FFFFFFF  }
0xc3: {  	_ =	shalt  }
tec
execute0_lowered:
.L_overlay_start_1:
0x0: {  	(tag) =	ssettag $0x1  }
0x1: {  	s7 =	rddreg [dreg:$0x0]  }
0x2: {  	s2 =	rddreg [dreg:$0x1]  }
0x3: {  	s0 =	rddreg [dreg:$0x2]  }
0x4: {  	s1 =	srdreg.scid;
	_ =	strace $0x8000004A;
	s4 =	simm.s32 $0x1  }
0x5: {  	s9 =	simm.s32 $0x3;
	s12 =	simm.s32 $0x0;
	s5 =	sshll.u32 s1, $0x4  }
.Ltmp0:
0x6: {  	s1 =	stileid.u32;
	s5 =	sand.u32 $0x10, s5;
	(pc) =	sbr.rel .LBB2_1-.Ltmp0, $4  }
0x7: {  	s10 =	simm.s32 $0x0;
	s3 =	sadd.s32 $0x80600, s7;
	s6 =	sor.u32 s1, s5  }
0x8: {  	[sflag:s4] =	ssyncpa.u1 $0x0;
	s5 =	simm.s32 $0x2;
	s6 =	sshll.u32 s6, $0x6  }
0x9: {  	s7 =	sadd.s32 $0xA0600, s7;
	[sflag:s5] =	ssyncpa.u1 $0x0;
	s8 =	sadd.s32 $0x40, s6  }
0xa: {  	vm0 =	vmmov $0xff;
	vm1 =	vcmask $0x3F20;
	[sflag:s9] =	ssyncpa.u1 $0x0;
	s9 =	simm.s32 $0x40;
	s11 =	smov.u32 s6  }
.LBB2_9:
0xb: {  	p0 =	seq.s32 s10, $0x2  }
.Ltmp1:
0xc: {  	_ = 	snop;
	(pc) =	sbr.rel @p0 .LBB2_11-.Ltmp1, $1  }
0xd: {  	_ =	sdelay $0x3  }
.LBB2_10:
0xe: {  	s12 =	sadd.s32 $0x40, s11  }
0xf: {  	s13 =	smov.u32 s6;
	p0 =	slt.s32 s12, s8  }
0x10: {  	s13 =	smov.u32 @p0 s12  }
0x11: {  	s10 =	sadd.s32 $0x1, s10;
	s12 =	smov.u32 s11;
	s11 =	smov.u32 s13  }
.LBB2_1:
0x12: {  	p0 =	sne.s32 s10, $0x0  }
.Ltmp2:
0x13: {  	_ = 	snop;
	(pc) =	sbr.rel @!p0 .LBB2_2-.Ltmp2, $1  }
0x14: {  	_ =	sdelay $0x3  }
0x15: {  	s13 =	sand.u32 $0x1, s10  }
0x16: {  	p0 =	seq.s32 s13, $0x0  }
.Ltmp3:
0x17: {  	_ = 	snop;
	(pc) =	sbr.rel @p0 .LBB2_9-.Ltmp3, $1  }
0x18: {  	_ =	sdelay $0x3  }
0x19: {  	_ =	swait.ge [sflag:s5], $0x40  }
0x1a: {  	[sflag:s5] =	ssyncset.done $0x0  }
0x1b: {  	s13 =	simm.s32 $0x0;
	[sflag:s5] =	ssyncadd.s32 $0xFFFFFFC0  }
0x1c: {  	v0 =	vld.msk [tilespmem:s13+$0x40 ss:$0x1], $0xffff;
	_ =	sdelay $0x4  }
0x1d: {  	v1 =	vshll.u32 v0, $0x4  }
0x1e: {  	vm2 =	veq.s32 v0, $0x80000000;
	v0 =	vshll.u32 v0, $0x11;
	v1 =	vand.u32 $0x1FF80, v1  }
0x1f: {  	v0 =	vand.u32 $0xE0000, v0;
	v1 =	vsel vm2, $0xFFFFFF80, v1  }
0x20: {  	v0 =	vsel vm2, $0xFFFE0000, v0;
	v2 =	vand.u32 $0xFFFFFC00, v1  }
0x21: {  	v1 =	vand.u32 $0x380, v1;
	v0 =	vadd.s32 v0, v2  }
0x22: {  	v0 =	vor.u32 v1, v0  }
0x23: {  	v0 =	vshrl.u32 v0, $0x3;
	_ =	sdelay $0x3  }
0x24: {  	s13 =	simm.s32 $0x2080  }
0x25: {  	[tilespmem:s13], [sflag:$0x1] =	stream.indirect_vreg.gather [hbm:s3], $0x80, v0, vm0, $0x38;
	[tilespmem:$0x4080] =	vst v63  }
0x26: {  	s14 =	simm.s32 $0x2480;
	s31 =	simm.s32 $0x10  }
0x27: {  	[tilespmem:s14], [sflag:$0x1] =	stream.indirect_vreg.gather [hbm:s3], $0x80, v0, vm1, $0x38;
	[tilespmem:$0x4080] =	vst v63  }
0x28: {  	s14 =	simm.s32 $0x80;
	v0 =	vld.msk [tilespmem:s31+$0x40 ss:$0x1], $0xffff  }
.LBB2_5:
0x29: {  	p0 =	sne.s32 s14, $0xC0;
	_ =	sdelay $0x4  }
0x2a: {  	v1 =	vshll.u32 v0, $0x4  }
0x2b: {  	vm2 =	veq.s32 v0, $0x80000000;
	v0 =	vshll.u32 v0, $0x11;
	v1 =	vand.u32 $0x1FF80, v1  }
0x2c: {  	v0 =	vand.u32 $0xE0000, v0;
	v1 =	vsel vm2, $0xFFFFFF80, v1  }
0x2d: {  	v0 =	vsel vm2, $0xFFFE0000, v0;
	v2 =	vand.u32 $0xFFFFFC00, v1  }
0x2e: {  	v1 =	vand.u32 $0x380, v1;
	v0 =	vadd.s32 v0, v2  }
0x2f: {  	v0 =	vor.u32 v1, v0  }
0x30: {  	v0 =	vshrl.u32 v0, $0x3;
	_ =	sdelay $0x3  }
.Ltmp4:
0x31: {  	s13 =	sadd.s32 $0x800, s13;
	(pc) =	sbr.rel @p0 .LBB2_5-.Ltmp4, $4  }
0x32: {  	[tilespmem:s13], [sflag:$0x1] =	stream.indirect_vreg.gather [hbm:s3], $0x80, v0, vm0, $0x38;
	[tilespmem:$0x4080] =	vst v63  }
0x33: {  	s15 =	sshra.s32 s14, $0x2;
	s16 =	sadd.s32 $0x400, s13  }
0x34: {  	[tilespmem:s16], [sflag:$0x1] =	stream.indirect_vreg.gather [hbm:s3], $0x80, v0, vm1, $0x38;
	[tilespmem:$0x4080] =	vst v63  }
0x35: {  	s14 =	sadd.s32 $0x40, s14;
	v0 =	vld.msk [tilespmem:s15+$0x40 ss:$0x1], $0xffff  }
0x36: {  	_ =	sdelay $0x3  }
0x37: {  	v1 =	vshll.u32 v0, $0x4  }
0x38: {  	vm2 =	veq.s32 v0, $0x80000000;
	v63 =	vshll.u32 v0, $0x11;
	v1 =	vand.u32 $0x1FF80, v1  }
0x39: {  	v0 =	vand.u32 $0xE0000, v63;
	v1 =	vsel vm2, $0xFFFFFF80, v1  }
0x3a: {  	v0 =	vsel vm2, $0xFFFE0000, v0;
	v2 =	vand.u32 $0xFFFFFC00, v1  }
0x3b: {  	v1 =	vand.u32 $0x380, v1;
	v0 =	vadd.s32 v0, v2  }
0x3c: {  	v0 =	vor.u32 v1, v0  }
0x3d: {  	v0 =	vshrl.u32 v0, $0x3;
	_ =	sdelay $0x3  }
0x3e: {  	s13 =	sadd.s32 $0x800, s13  }
0x3f: {  	[tilespmem:s13], [sflag:$0x1] =	stream.indirect_vreg.gather [hbm:s3], $0x80, v0, vm0, $0x38;
	[tilespmem:$0x4080] =	vst v63  }
0x40: {  	s13 =	sadd.s32 $0x400, s13  }
0x41: {  	[tilespmem:s13], [sflag:$0x1] =	stream.indirect_vreg.gather [hbm:s3], $0x80, v0, vm1, $0x38;
	[tilespmem:$0x4080] =	vst v63  }
0x42: {  	s12 =	sshll.u32 s12, $0x4;
	s14 =	simm.s32 $0x80;
	_ =	swait.ge [sflag:s4], $0x2000  }
0x43: {  	s15 =	simm.s32 $0x2480;
	s12 =	sadd.s32 s12, s2;
	[sflag:s4] =	ssyncset.done $0x0  }
0x44: {  	s16 =	sadd.s32 $0x0, s12;
	s13 =	simm.s32 $0x2080;
	[sflag:s4] =	ssyncadd.s32 $0xFFFFE000  }
.LBB2_7:
0x45: {  	[hbm:s16] =	stream.linear.scatter [tilespmem:s13], [sflag:$0x3], $0x400, $0x38;
	[tilespmem:$0x4080] =	vst v63  }
0x46: {  	s16 =	smov.u32 s14;
	s13 =	smov.u32 s15;
	p0 =	sne.s32 s14, $0x380  }
.Ltmp5:
0x47: {  	s14 =	sadd.s32 $0x80, s14;
	(pc) =	sbr.rel @p0 .LBB2_7-.Ltmp5, $2  }
0x48: {  	_ =	sdelay $0x2  }
0x49: {  	s15 =	sadd.s32 $0x400, s15;
	s16 =	sadd.s32 s16, s12  }
.Ltmp6:
0x4a: {  	(pc) =	sbr.rel .LBB2_9-.Ltmp6, $2  }
0x4b: {  	_ =	sdelay $0x2  }
0x4c: {  	[hbm:s16] =	stream.linear.scatter [tilespmem:s13], [sflag:$0x3], $0x400, $0x38;
	[tilespmem:$0x4080] =	vst v63  }
.LBB2_2:
.Ltmp7:
0x4d: {  	(pc) =	sbr.rel .LBB2_10-.Ltmp7, $4  }
0x4e: {  	_ = 	snop  }
0x4f: {  	s12 =	sshrl.u32 s11, $0x3  }
0x50: {  	s13 =	sand.u32 $0x7, s11;
	s12 =	sadd.s32 s7, s12  }
0x51: {  	[tilespmem:s9], [sflag:$0x2] =	stream.linear.gather [hbm4b:s12+s13], $0x40, $0x38;
	[tilespmem:$0x4080] =	vst v63  }
.LBB2_11:
0x52: {  	s2 =	simm.s32 $0x3  }
0x53: {  	_ =	swait.ge [sflag:s2], $0x2000  }
0x54: {  	[sflag:s2] =	ssyncset.done $0x0  }
0x55: {  	[sflag:s2] =	ssyncadd.s32 $0xFFFFE000  }
0x56: {  	_ =	sfence.sel $0x180000  }
0x57: {  	s3 =	simm.s32 $0x2;
	[bflag:$0x0] =	sbarrier.arrive $0xFFFF  }
0x58: {  	[sflag:s3] =	ssyncpa.u1 $0x1  }
0x59: {  	s31 =	simm.s32 $0x1;
	[sflag:s2] =	ssyncpa.u1 $0x1  }
0x5a: {  	[sflag:s31] =	ssyncpa.u1 $0x1  }
0x5b: {  	p0 =	sne.s32 s1, $0x0;
	_ =	strace $0x9000004A  }
0x5c: {  	s0 =	sadd.s32 @!p0 $0x100000, s0;
	[bflag:$0x2] =	sbarrier.arrive $0xFFFF  }
0x5d: {  	[sflag:s0] =	ssyncadd.tile.s32 @!p0 $0x1;
	_ =	shalt  }
.Lfunc_end2:
_tile_overlayer_lowered:
.L_overlay_start_2:
0x5e: {  	(tag) =	ssettag $0x2  }
0x5f: {  	s0 =	rddreg [dreg:$0x0];
	s2 =	stileid.u32  }
0x60: {  	s1 =	rddreg [dreg:$0x1];
	p0 =	sne.s32 s2, $0x0  }
0x61: {  	s3 =	rddreg [dreg:$0x2];
	[bflag:$0x3] =	sbarrier.arrive $0xFFFF;
	s2 =	simm.s32 @!p0 $0x1C01  }
0x62: {  	[timem:s3], [sflag:s2] =	dma.local @!p0 [hbm:s0], s1  }
0x63: {  	s0 =	simm.s32 @!p0 $0x1  }
0x64: {  	_ =	swait.ge @!p0 [sflag:s0], s1  }
0x65: {  	s1 =	ssub.s32 @!p0 $0x0, s1;
	[sflag:s0] =	ssyncset.done @!p0 $0x0  }
0x66: {  	[sflag:s0] =	ssyncadd.s32 @!p0 s1  }
0x67: {  	[bflag:$0x3] =	sbarrier.arrive $0xFFFF  }
0x68: {  	_ =	shalt  }

// kernel: gather_offload_async_start
scs
__scs_entry_jumppad:
0x0: {  	(pc) =	sbr.rel $0x88, $3  }
0x1: {  	(tag) =	ssettag $0x0;
	lr =	simm.s32 $0x1  }
0x2: {  	[smem:$0x3F46] =	sst lr;
	_ =	strace $0xD0000000  }
0x3: {  	_ = 	snop  }
0x4: {  	_ = 	snop  }
0x5: {  	_ = 	snop  }
0x6: {  	_ = 	snop  }
0x7: {  	_ = 	snop  }
__scs_overlays_trampoline_lowered:
0x8: {  	[smem:$0x3F55] =	sst s0  }
0x9: {  	[smem:$0x3F56] =	sst s1  }
0xa: {  	[smem:$0x3F57] =	sst s2  }
0xb: {  	[smem:$0x3F58] =	sst s3  }
0xc: {  	[smem:$0x3F59] =	sst s4  }
0xd: {  	[smem:$0x3F5A] =	sst s5  }
0xe: {  	[smem:$0x3F5B] =	sst s6  }
0xf: {  	[smem:$0x3F5C] =	sst s7  }
0x10: {  	[smem:$0x3F5D] =	sst s8  }
0x11: {  	[smem:$0x3F5E] =	sst s9;
	s0 =	simm.s32 @!p0 $0x0  }
0x12: {  	s1 =	sld [smem:$0x3F44];
	s0 =	simm.s32 @p0 $0x1  }
0x13: {  	[smem:$0x3F5F] =	sst s0;
	s0 =	simm.s32 @!p1 $0x0  }
0x14: {  	s2 =	sld [smem:$0x3F43];
	s0 =	simm.s32 @p1 $0x1  }
0x15: {  	[smem:$0x3F60] =	sst s0;
	s0 =	simm.s32 @!p2 $0x0  }
0x16: {  	s3 =	sld [smem:$0x3FDB];
	s0 =	simm.s32 @p2 $0x1  }
0x17: {  	s4 =	simm.s32 $0x1BF5;
	[smem:$0x3F62] =	sst s0  }
0x18: {  	s0 =	sld [smem:$0x3F45];
	_ =	swait.ge [sflag:s4], $0x0  }
0x19: {  	s7 =	sld [smem:$0x3F46]  }
0x1a: {  	s8 =	sadd.s32 $0xFFFFE003, lr  }
0x1b: {  	s9 =	sadd.s32 $0xFFFFFEF7, lr;
	s5 =	simm.s32 $0xFFFFFFFF;
	p2 =	slt.u32 s8, $0xFFFFF086  }
0x1c: {  	p1 =	slt.u32 s9, $0xF7A;
	s5 =	simm.s32 @!p2 $0x0  }
0x1d: {  	s5 =	simm.s32 @p1 $0x1;
	p0 =	seq.s32 s7, s2  }
0x1e: {  	s7 =	smul.u32 @!p0 $0xF7A, s2;
	p2 =	seq.s32 @!p0 s5, $0x0  }
0x1f: {  	s9 =	smul.u32 $0xF7A, s1;
	s8 =	simm.s32 @!p0 $0x1BF5;
	p2 =	por !p2, p0  }
0x20: {  	[sflag:s8] =	ssyncset.s32 @!p0 $0xFFFFF086;
	s6 =	sadd.s32 @!p0 s3, s7;
	s7 =	simm.s32 @!p0 $0x108  }
0x21: {  	s3 =	sadd.s32 s3, s9;
	s6 =	sadd.s32 @!p0 $0x88, s6;
	s7 =	simm.s32 @p2 $0x1082  }
0x22: {  	[simem:s7], [sflag:s8] =	dma.local @!p0 [hbm:s6], $0xF7A  }
0x23: {  	s9 =	sor.u32 $0xD0000000, s2;
	s6 =	simm.s32 $0x108;
	_ =	swait.ge @!p0 [sflag:s8], $0x0  }
0x24: {  	s3 =	sadd.s32 $0x88, s3;
	s6 =	simm.s32 @!p1 $0x1082;
	[sflag:s4] =	ssyncset.s32 $0xFFFFF086  }
0x25: {  	[simem:s6], [sflag:s4] =	dma.local [hbm:s3], $0xF7A  }
0x26: {  	[smem:$0x3F46] =	sst s1;
	(tag) =	ssettag s2;
	_ =	strace s9  }
0x27: {  	s1 =	sld [smem:$0x3F56]  }
0x28: {  	s2 =	sld [smem:$0x3F57]  }
0x29: {  	s4 =	sld [smem:$0x3F59]  }
0x2a: {  	p0 =	seq.s32 s5, $0x0;
	s5 =	sld [smem:$0x3F5A]  }
0x2b: {  	s6 =	sld [smem:$0x3F5B]  }
0x2c: {  	s7 =	sld [smem:$0x3F5C]  }
0x2d: {  	s3 =	simm.s32 $0x108;
	s8 =	sld [smem:$0x3F5D]  }
0x2e: {  	s3 =	simm.s32 @!p0 $0x1082;
	s9 =	sld [smem:$0x3F5E]  }
0x2f: {  	lr =	sadd.s32 s0, s3;
	s0 =	sld [smem:$0x3F55]  }
0x30: {  	s3 =	sld [smem:$0x3F58]  }
0x31: {  	[smem:$0x3F61] =	sst s10  }
0x32: {  	s10 =	sld [smem:$0x3F5F];
	_ =	sdelay $0x3  }
0x33: {  	p0 =	seq.s32 s10, $0x1;
	s10 =	sld [smem:$0x3F61];
	_ =	sdelay $0x3  }
0x34: {  	[smem:$0x3F61] =	sst s10  }
0x35: {  	s10 =	sld [smem:$0x3F60];
	_ =	sdelay $0x3  }
0x36: {  	p1 =	seq.s32 s10, $0x1;
	s10 =	sld [smem:$0x3F61];
	_ =	sdelay $0x3  }
0x37: {  	[smem:$0x3F61] =	sst s10  }
0x38: {  	s10 =	sld [smem:$0x3F62]  }
0x39: {  	_ = 	snop;
	(pc) =	sbr.ind lr, $3  }
0x3a: {  	_ = 	snop  }
0x3b: {  	_ = 	snop  }
0x3c: {  	p2 =	seq.s32 s10, $0x1;
	s10 =	sld [smem:$0x3F61]  }
0x3d: {  	_ =	shalt  }
0x3e: {  	_ =	shalt  }
0x3f: {  	_ =	shalt  }
0x40: {  	_ =	shalt  }
0x41: {  	_ =	shalt  }
0x42: {  	_ =	shalt  }
0x43: {  	_ =	shalt  }
0x44: {  	_ =	shalt  }
0x45: {  	_ =	shalt  }
0x46: {  	_ =	shalt  }
0x47: {  	_ =	shalt  }
0x48: {  	_ =	shalt  }
0x49: {  	_ =	shalt  }
0x4a: {  	_ =	shalt  }
0x4b: {  	_ =	shalt  }
0x4c: {  	_ =	shalt  }
0x4d: {  	_ =	shalt  }
0x4e: {  	_ =	shalt  }
0x4f: {  	_ =	shalt  }
0x50: {  	_ =	shalt  }
0x51: {  	_ =	shalt  }
0x52: {  	_ =	shalt  }
0x53: {  	_ =	shalt  }
0x54: {  	_ =	shalt  }
0x55: {  	_ =	shalt  }
0x56: {  	_ =	shalt  }
0x57: {  	_ =	shalt  }
0x58: {  	_ =	shalt  }
0x59: {  	_ =	shalt  }
0x5a: {  	_ =	shalt  }
0x5b: {  	_ =	shalt  }
0x5c: {  	_ =	shalt  }
0x5d: {  	_ =	shalt  }
0x5e: {  	_ =	shalt  }
0x5f: {  	_ =	shalt  }
0x60: {  	_ =	shalt  }
0x61: {  	_ =	shalt  }
0x62: {  	_ =	shalt  }
0x63: {  	_ =	shalt  }
0x64: {  	_ =	shalt  }
0x65: {  	_ =	shalt  }
0x66: {  	_ =	shalt  }
0x67: {  	_ =	shalt  }
0x68: {  	_ =	shalt  }
0x69: {  	_ =	shalt  }
0x6a: {  	_ =	shalt  }
0x6b: {  	_ =	shalt  }
0x6c: {  	_ =	shalt  }
0x6d: {  	_ =	shalt  }
0x6e: {  	_ =	shalt  }
0x6f: {  	_ =	shalt  }
0x70: {  	_ =	shalt  }
0x71: {  	_ =	shalt  }
0x72: {  	_ =	shalt  }
0x73: {  	_ =	shalt  }
0x74: {  	_ =	shalt  }
0x75: {  	_ =	shalt  }
0x76: {  	_ =	shalt  }
0x77: {  	_ =	shalt  }
0x78: {  	_ =	shalt  }
0x79: {  	_ =	shalt  }
0x7a: {  	_ =	shalt  }
0x7b: {  	_ =	shalt  }
0x7c: {  	_ =	shalt  }
0x7d: {  	_ =	shalt  }
0x7e: {  	_ =	shalt  }
0x7f: {  	_ =	shalt  }
0x80: {  	_ =	shalt  }
0x81: {  	_ =	shalt  }
0x82: {  	_ =	shalt  }
0x83: {  	_ =	shalt  }
0x84: {  	_ =	shalt  }
0x85: {  	_ =	shalt  }
0x86: {  	_ =	shalt  }
0x87: {  	_ =	shalt  }
.Lfunc_end0:
.L_simem_size_0:
called_computation_lowered:
.L_overlay_start_0:
0x88: {  	s2 =	sld [smem:$0x3FD9]  }
0x89: {  	s3 =	sld [smem:$0x3FFE];
	_ =	sdelay $0x1  }
0x8a: {  	s1 =	srdreg.scid  }
0x8b: {  	s0 =	sand.u32 $0x1, s1  }
0x8c: {  	s16 =	sshll.u32 s0, $0xA;
	s2 =	sadd.s32 s3, s2  }
0x8d: {  	s2 =	sadd.s32 s2, s16  }
0x8e: {  	[smem:$0x3F6D] =	sst s2  }
0x8f: {  	_ = 	snop  }
0x90: {  	(tm) =	ssettm $0x1  }
0x91: {  	s17 =	sld [smem:$0x3FFB];
	_ =	sdelay $0x3  }
0x92: {  	_ =	strace s17  }
0x93: {  	s2 =	sld [smem:$0x3FFC];
	_ =	sdelay $0x3  }
0x94: {  	_ =	strace s2  }
0x95: {  	s2 =	sld [smem:$0x3FFD];
	_ =	sdelay $0x3  }
0x96: {  	_ =	strace s2  }
0x97: {  	_ =	strace $0x8FFFFFFF  }
0x98: {  	s18 =	sld [smem:$0x3FDB];
	_ =	sdelay $0x1  }
0x99: {  	s19 =	simm.s32 $_scs_section_size  }
0x9a: {  	s4 =	simm.s32 $_size__tile_overlayer_lowered;
	s5 =	simm.s32 $_tile_overlayer_lowered  }
0x9b: {  	s22 =	simm.s32 $0x1BFF;
	s21 =	sshll.u32 s5, $0x1;
	s2 =	sadd.s32 s19, s18  }
0x9c: {  	s6 =	simm.s32 $0x0;
	s20 =	sshll.u32 s4, $0x1;
	s4 =	sadd.s32 s21, s2  }
0x9d: {  	[timem:s6], [sflag:s22] =	dma.local [hbm:s4], s20  }
0x9e: {  	_ =	swait.ge [sflag:s22], s20  }
0x9f: {  	s3 =	ssub.s32 $0x0, s20;
	[sflag:s22] =	ssyncset.done $0x0  }
0xa0: {  	[sflag:s22] =	ssyncadd.s32 s3;
	_ =	sdelay $0x1  }
0xa1: {  	s23 =	simm.s32 $0x1B8B  }
0xa2: {  	_ =	swait.ge [sflag:s23], $0x1  }
0xa3: {  	[sflag:s23] =	ssyncset.done $0x0  }
0xa4: {  	s25 =	simm.s32 $0x1B8E;
	s24 =	sld [smem:$0x3FFE];
	[sflag:s23] =	ssyncadd.s32 $0xFFFFFFFF  }
0xa5: {  	s26 =	simm.s32 $execute0_lowered;
	[smem:$0x3FD2] =	sst s25  }
0xa6: {  	s4 =	sshll.u32 s26, $0x1;
	_ =	strace $0x80000046;
	[dreg:$0x1] =	wrdreg $0xFFFFFFFF  }
0xa7: {  	s28 =	simm.s32 $_size_execute0_lowered;
	s2 =	sadd.s32 s2, s4;
	[dreg:$0x0] =	wrdreg $0x0  }
0xa8: {  	s4 =	sshll.u32 s28, $0x1;
	[dreg:$0x2] =	wrdreg s2  }
0xa9: {  	[dreg:$0x3] =	wrdreg s4  }
0xaa: {  	[dreg:$0x4] =	wrdreg $0xC0  }
0xab: {  	_ =	task [dreg:s6], $0x5FFFF  }
0xac: {  	[dreg:$0x1] =	wrdreg $0xFFFFFFFF  }
0xad: {  	[dreg:$0x0] =	wrdreg $0x60  }
0xae: {  	[dreg:$0x2] =	wrdreg s24  }
0xaf: {  	[dreg:$0x3] =	wrdreg $0x9  }
0xb0: {  	_ =	task.clear_ibuf [dreg:s6], $0x4FFFF;
	_ =	strace $0x90000046  }
0xb1: {  	s29 =	simm.s32 $0x9;
	_ =	strace $0x80000048  }
0xb2: {  	_ =	swait.ge [sflag:s29], $0x1  }
0xb3: {  	[sflag:s29] =	ssyncadd.s32 $0xFFFFFFFF  }
0xb4: {  	_ =	strace $0x90000048  }
0xb5: {  	_ =	sfence  }
0xb6: {  	s30 =	sld [smem:$0x0];
	_ =	sdelay $0x2  }
0xb7: {  	s31 =	sshll.u32 s1, $0xD;
	s1 =	sshrl.u32 s1, $0x2  }
0xb8: {  	s3 =	sand.u32 $0x4000, s31;
	s1 =	sadd.s32 s1, s30  }
0xb9: {  	s0 =	sor.u32 s3, s0;
	s1 =	sshll.u32 s1, $0x11  }
0xba: {  	s0 =	sor.u32 s1, s0  }
0xbb: {  	s0 =	sadd.s32 $0x8F2B, s0  }
0xbc: {  	[sflag:s0] =	ssyncadd.remote.s32 $0x1  }
0xbd: {  	_ =	sfence.sel $0xFFFF  }
0xbe: {  	[dreg:$0x0] =	wrdreg $0xFFFFFFFF;
	(pc) =	sbr.abs _section_cstart, $3  }
0xbf: {  	[dreg:$0x1] =	wrdreg $0xFFFFFFFF  }
0xc0: {  	_ =	task.clear_ibuf [dreg:s6], $0x2FFFF;
	_ =	strace $0x9FFFFFFF  }
0xc1: {  	(tm) =	ssettm $0x7FFFFFFF  }
tec
execute0_lowered:
.L_overlay_start_1:
0x0: {  	(tag) =	ssettag $0x1  }
0x1: {  	s7 =	rddreg [dreg:$0x0]  }
0x2: {  	s0 =	rddreg [dreg:$0x1];
	_ =	strace $0x80000047  }
0x3: {  	s1 =	srdreg.scid;
	s4 =	simm.s32 $0x1;
	s9 =	simm.s32 $0x3  }
0x4: {  	s12 =	simm.s32 $0x0;
	s10 =	simm.s32 $0x0;
	s5 =	sshll.u32 s1, $0x4  }
.Ltmp0:
0x5: {  	s1 =	stileid.u32;
	s5 =	sand.u32 $0x10, s5;
	(pc) =	sbr.rel .LBB2_1-.Ltmp0, $4  }
0x6: {  	s2 =	sadd.s32 $0x200, s7;
	s3 =	sadd.s32 $0x80200, s7;
	s6 =	sor.u32 s1, s5  }
0x7: {  	[sflag:s4] =	ssyncpa.u1 $0x0;
	s5 =	simm.s32 $0x2;
	s6 =	sshll.u32 s6, $0x8  }
0x8: {  	s7 =	sadd.s32 $0x80600, s7;
	[sflag:s5] =	ssyncpa.u1 $0x0;
	s8 =	sadd.s32 $0x100, s6  }
0x9: {  	vm0 =	vmmov $0xff;
	vm1 =	vcmask $0x3F20;
	[sflag:s9] =	ssyncpa.u1 $0x0;
	s9 =	simm.s32 $0x100;
	s11 =	smov.u32 s6  }
.LBB2_9:
0xa: {  	p0 =	seq.s32 s10, $0x2  }
.Ltmp1:
0xb: {  	_ = 	snop;
	(pc) =	sbr.rel @p0 .LBB2_11-.Ltmp1, $1  }
0xc: {  	_ =	sdelay $0x3  }
.LBB2_10:
0xd: {  	s12 =	sadd.s32 $0x100, s11  }
0xe: {  	s13 =	smov.u32 s6;
	p0 =	slt.s32 s12, s8  }
0xf: {  	s13 =	smov.u32 @p0 s12  }
0x10: {  	s10 =	sadd.s32 $0x1, s10;
	s12 =	smov.u32 s11;
	s11 =	smov.u32 s13  }
.LBB2_1:
0x11: {  	p0 =	sne.s32 s10, $0x0  }
.Ltmp2:
0x12: {  	_ = 	snop;
	(pc) =	sbr.rel @!p0 .LBB2_2-.Ltmp2, $1  }
0x13: {  	_ =	sdelay $0x3  }
0x14: {  	s13 =	sand.u32 $0x1, s10  }
0x15: {  	p0 =	seq.s32 s13, $0x0  }
.Ltmp3:
0x16: {  	_ = 	snop;
	(pc) =	sbr.rel @p0 .LBB2_9-.Ltmp3, $1  }
0x17: {  	_ =	sdelay $0x3  }
0x18: {  	_ =	swait.ge [sflag:s5], $0x100  }
0x19: {  	[sflag:s5] =	ssyncset.done $0x0  }
0x1a: {  	s13 =	simm.s32 $0x0;
	[sflag:s5] =	ssyncadd.s32 $0xFFFFFF00  }
0x1b: {  	v0 =	vld.msk [tilespmem:s13+$0x100 ss:$0x1], $0xffff;
	_ =	sdelay $0x4  }
0x1c: {  	v1 =	vshll.u32 v0, $0x4  }
0x1d: {  	vm2 =	veq.s32 v0, $0x80000000;
	v0 =	vshll.u32 v0, $0x13;
	v1 =	vand.u32 $0x7FF80, v1  }
0x1e: {  	v0 =	vand.u32 $0x380000, v0;
	v1 =	vsel vm2, $0xFFFFFF80, v1  }
0x1f: {  	v0 =	vsel vm2, $0xFFF80000, v0;
	v2 =	vand.u32 $0xFFFFFC00, v1  }
0x20: {  	v1 =	vand.u32 $0x380, v1;
	v0 =	vadd.s32 v0, v2  }
0x21: {  	v0 =	vor.u32 v1, v0  }
0x22: {  	v0 =	vshrl.u32 v0, $0x3;
	_ =	sdelay $0x3  }
0x23: {  	s13 =	simm.s32 $0x8200  }
0x24: {  	[tilespmem:s13], [sflag:$0x1] =	stream.indirect_vreg.gather [hbm:s2], $0x80, v0, vm0, $0x38;
	[tilespmem:$0x10200] =	vst v63  }
0x25: {  	s14 =	simm.s32 $0x8600;
	s31 =	simm.s32 $0x10  }
0x26: {  	[tilespmem:s14], [sflag:$0x1] =	stream.indirect_vreg.gather [hbm:s2], $0x80, v0, vm1, $0x38;
	[tilespmem:$0x10200] =	vst v63  }
0x27: {  	s14 =	simm.s32 $0x80;
	v0 =	vld.msk [tilespmem:s31+$0x100 ss:$0x1], $0xffff  }
.LBB2_5:
0x28: {  	p0 =	sne.s32 s14, $0x3C0;
	_ =	sdelay $0x4  }
0x29: {  	v1 =	vshll.u32 v0, $0x4  }
0x2a: {  	vm2 =	veq.s32 v0, $0x80000000;
	v0 =	vshll.u32 v0, $0x13;
	v1 =	vand.u32 $0x7FF80, v1  }
0x2b: {  	v0 =	vand.u32 $0x380000, v0;
	v1 =	vsel vm2, $0xFFFFFF80, v1  }
0x2c: {  	v0 =	vsel vm2, $0xFFF80000, v0;
	v2 =	vand.u32 $0xFFFFFC00, v1  }
0x2d: {  	v1 =	vand.u32 $0x380, v1;
	v0 =	vadd.s32 v0, v2  }
0x2e: {  	v0 =	vor.u32 v1, v0  }
0x2f: {  	v0 =	vshrl.u32 v0, $0x3;
	_ =	sdelay $0x3  }
.Ltmp4:
0x30: {  	s13 =	sadd.s32 $0x800, s13;
	(pc) =	sbr.rel @p0 .LBB2_5-.Ltmp4, $4  }
0x31: {  	[tilespmem:s13], [sflag:$0x1] =	stream.indirect_vreg.gather [hbm:s2], $0x80, v0, vm0, $0x38;
	[tilespmem:$0x10200] =	vst v63  }
0x32: {  	s15 =	sshra.s32 s14, $0x2;
	s16 =	sadd.s32 $0x400, s13  }
0x33: {  	[tilespmem:s16], [sflag:$0x1] =	stream.indirect_vreg.gather [hbm:s2], $0x80, v0, vm1, $0x38;
	[tilespmem:$0x10200] =	vst v63  }
0x34: {  	s14 =	sadd.s32 $0x40, s14;
	v0 =	vld.msk [tilespmem:s15+$0x100 ss:$0x1], $0xffff  }
0x35: {  	_ =	sdelay $0x3  }
0x36: {  	v1 =	vshll.u32 v0, $0x4  }
0x37: {  	vm2 =	veq.s32 v0, $0x80000000;
	v63 =	vshll.u32 v0, $0x13;
	v1 =	vand.u32 $0x7FF80, v1  }
0x38: {  	v0 =	vand.u32 $0x380000, v63;
	v1 =	vsel vm2, $0xFFFFFF80, v1  }
0x39: {  	v0 =	vsel vm2, $0xFFF80000, v0;
	v2 =	vand.u32 $0xFFFFFC00, v1  }
0x3a: {  	v1 =	vand.u32 $0x380, v1;
	v0 =	vadd.s32 v0, v2  }
0x3b: {  	v0 =	vor.u32 v1, v0  }
0x3c: {  	v0 =	vshrl.u32 v0, $0x3;
	_ =	sdelay $0x3  }
0x3d: {  	s13 =	sadd.s32 $0x800, s13  }
0x3e: {  	[tilespmem:s13], [sflag:$0x1] =	stream.indirect_vreg.gather [hbm:s2], $0x80, v0, vm0, $0x38;
	[tilespmem:$0x10200] =	vst v63  }
0x3f: {  	s13 =	sadd.s32 $0x400, s13  }
0x40: {  	[tilespmem:s13], [sflag:$0x1] =	stream.indirect_vreg.gather [hbm:s2], $0x80, v0, vm1, $0x38;
	[tilespmem:$0x10200] =	vst v63  }
0x41: {  	s12 =	sshll.u32 s12, $0x4;
	s14 =	simm.s32 $0x80;
	_ =	swait.ge [sflag:s4], $0x8000  }
0x42: {  	s15 =	simm.s32 $0x8600;
	s12 =	sadd.s32 s12, s7;
	[sflag:s4] =	ssyncset.done $0x0  }
0x43: {  	s16 =	sadd.s32 $0x0, s12;
	s13 =	simm.s32 $0x8200;
	[sflag:s4] =	ssyncadd.s32 $0xFFFF8000  }
.LBB2_7:
0x44: {  	[hbm:s16] =	stream.linear.scatter [tilespmem:s13], [sflag:$0x3], $0x400, $0x38;
	[tilespmem:$0x10200] =	vst v63  }
0x45: {  	s16 =	smov.u32 s14;
	s13 =	smov.u32 s15;
	p0 =	sne.s32 s14, $0xF80  }
.Ltmp5:
0x46: {  	s14 =	sadd.s32 $0x80, s14;
	(pc) =	sbr.rel @p0 .LBB2_7-.Ltmp5, $2  }
0x47: {  	_ =	sdelay $0x2  }
0x48: {  	s15 =	sadd.s32 $0x400, s15;
	s16 =	sadd.s32 s16, s12  }
.Ltmp6:
0x49: {  	(pc) =	sbr.rel .LBB2_9-.Ltmp6, $2  }
0x4a: {  	_ =	sdelay $0x2  }
0x4b: {  	[hbm:s16] =	stream.linear.scatter [tilespmem:s13], [sflag:$0x3], $0x400, $0x38;
	[tilespmem:$0x10200] =	vst v63  }
.LBB2_2:
.Ltmp7:
0x4c: {  	(pc) =	sbr.rel .LBB2_10-.Ltmp7, $4  }
0x4d: {  	_ = 	snop  }
0x4e: {  	s12 =	sshrl.u32 s11, $0x3  }
0x4f: {  	s13 =	sand.u32 $0x7, s11;
	s12 =	sadd.s32 s3, s12  }
0x50: {  	[tilespmem:s9], [sflag:$0x2] =	stream.linear.gather [hbm4b:s12+s13], $0x100, $0x38;
	[tilespmem:$0x10200] =	vst v63  }
.LBB2_11:
0x51: {  	s2 =	simm.s32 $0x3  }
0x52: {  	_ =	swait.ge [sflag:s2], $0x8000  }
0x53: {  	[sflag:s2] =	ssyncset.done $0x0  }
0x54: {  	[sflag:s2] =	ssyncadd.s32 $0xFFFF8000  }
0x55: {  	_ =	sfence.sel $0x180000  }
0x56: {  	s3 =	simm.s32 $0x2;
	[bflag:$0x0] =	sbarrier.arrive $0xFFFF  }
0x57: {  	[sflag:s3] =	ssyncpa.u1 $0x1  }
0x58: {  	s31 =	simm.s32 $0x1;
	[sflag:s2] =	ssyncpa.u1 $0x1  }
0x59: {  	[sflag:s31] =	ssyncpa.u1 $0x1  }
0x5a: {  	p0 =	sne.s32 s1, $0x0;
	_ =	strace $0x90000047  }
0x5b: {  	s0 =	sadd.s32 @!p0 $0x100000, s0;
	[bflag:$0x2] =	sbarrier.arrive $0xFFFF  }
0x5c: {  	[sflag:s0] =	ssyncadd.tile.s32 @!p0 $0x1;
	_ =	shalt  }
.Lfunc_end2:
_tile_overlayer_lowered:
.L_overlay_start_2:
0x5d: {  	(tag) =	ssettag $0x2  }
0x5e: {  	s0 =	rddreg [dreg:$0x0];
	s2 =	stileid.u32  }
0x5f: {  	s1 =	rddreg [dreg:$0x1];
	p0 =	sne.s32 s2, $0x0  }
0x60: {  	s3 =	rddreg [dreg:$0x2];
	[bflag:$0x3] =	sbarrier.arrive $0xFFFF;
	s2 =	simm.s32 @!p0 $0x1C01  }
0x61: {  	[timem:s3], [sflag:s2] =	dma.local @!p0 [hbm:s0], s1  }
0x62: {  	s0 =	simm.s32 @!p0 $0x1  }
0x63: {  	_ =	swait.ge @!p0 [sflag:s0], s1  }
0x64: {  	s1 =	ssub.s32 @!p0 $0x0, s1;
	[sflag:s0] =	ssyncset.done @!p0 $0x0  }
0x65: {  	[sflag:s0] =	ssyncadd.s32 @!p0 s1  }
0x66: {  	[bflag:$0x3] =	sbarrier.arrive $0xFFFF  }
0x67: {  	_ =	shalt  }

</sc_bundles>
